<compile_context>
chip_gen: v7x
topology: tpu7x:2x2x1
jax: 0.10.2.dev20260603
libtpu: 0.0.44.dev20260713+nightly
codegen_flags: <defaults>
</compile_context>

<pallas_src>
import functools
import jax
import jax.numpy as jnp
from jax import lax
from jax.experimental import pallas as pl
from jax.experimental.pallas import tpu as pltpu
from jax.experimental.pallas import tpu_sc as plsc

PAD_TOKEN = 0


def _rank_body(inp_ref, noise_ref, pair_ref):
    inp = inp_ref[...]
    noise = noise_ref[...]
    B, S = inp.shape
    pos = jnp.where(inp == PAD_TOKEN, jnp.inf, noise)
    a = pos[:, :, None]
    b = pos[:, None, :]
    k_i = lax.broadcasted_iota(jnp.int32, (1, S, S), 2)
    j_i = lax.broadcasted_iota(jnp.int32, (1, S, S), 1)
    tie = k_i < j_i
    cmp = (b < a) | ((b == a) & tie)
    rank_f = jnp.sum(cmp.astype(jnp.float32), axis=2)
    kk = lax.broadcasted_iota(jnp.int32, (S, S // 2), 0)
    pp = lax.broadcasted_iota(jnp.int32, (S, S // 2), 1)
    sel = jnp.where(kk == 2 * pp, float(S), 0.0) + jnp.where(
        kk == 2 * pp + 1, 1.0, 0.0
    )
    pair = jnp.dot(rank_f, sel, preferred_element_type=jnp.float32)
    pair_ref[...] = (pair + 0.5).astype(jnp.int32)


def _compute_pair_idx(input, noise):
    BATCH, SEQ = input.shape
    B_BLK = 64
    return pl.pallas_call(
        _rank_body,
        grid=(BATCH // B_BLK,),
        in_specs=[
            pl.BlockSpec((B_BLK, SEQ), lambda i: (i, 0)),
            pl.BlockSpec((B_BLK, SEQ), lambda i: (i, 0)),
        ],
        out_specs=pl.BlockSpec((B_BLK, SEQ // 2), lambda i: (i, 0)),
        out_shape=jax.ShapeDtypeStruct((BATCH, SEQ // 2), jnp.int32),
    )(input, noise)


def _pair_table_body(pe_ref, out_ref):
    i = pl.program_id(0)
    S, E = pe_ref.shape
    R = out_ref.shape[0] // S
    pe_r = pe_ref[pl.ds(R * i, R), :]
    left = jnp.broadcast_to(pe_r[:, None, :], (R, S, E))
    right = jnp.broadcast_to(pe_ref[...][None, :, :], (R, S, E))
    out_ref[:, :E] = left.reshape(R * S, E)
    out_ref[:, E:] = right.reshape(R * S, E)


def _build_pair_table(pe_s, r_blk=8):
    S, E = pe_s.shape
    return pl.pallas_call(
        _pair_table_body,
        grid=(S // r_blk,),
        in_specs=[pl.BlockSpec((S, E), lambda i: (0, 0))],
        out_specs=pl.BlockSpec((r_blk * S, 2 * E), lambda i: (i, 0)),
        out_shape=jax.ShapeDtypeStruct((S * S, 2 * E), jnp.float32),
    )(pe_s)


def _make_sc_gather(n_idx, emb2, nc, ns, chunk):
    nw = nc * ns
    assert n_idx % (nw * chunk) == 0
    b_per_w = n_idx // nw
    n_chunks = b_per_w // chunk
    mesh = plsc.VectorSubcoreMesh(core_axis_name="c", subcore_axis_name="s")

    @functools.partial(
        pl.kernel,
        mesh=mesh,
        out_type=jax.ShapeDtypeStruct((n_idx, emb2), jnp.float32),
        scratch_types=[
            pltpu.VMEM((b_per_w,), jnp.int32),
            pltpu.VMEM((chunk, emb2), jnp.float32),
            pltpu.VMEM((chunk, emb2), jnp.float32),
            pltpu.SemaphoreType.DMA,
            pltpu.SemaphoreType.DMA,
            pltpu.SemaphoreType.DMA,
            pltpu.SemaphoreType.DMA,
        ],
    )
    def sc_gather(idx_hbm, table_hbm, out_hbm, idx_v, rows0, rows1, g0, g1, w0, w1):
        wid = lax.axis_index("s") * nc + lax.axis_index("c")
        base = wid * b_per_w
        pltpu.sync_copy(idx_hbm.at[pl.ds(base, b_per_w)], idx_v)
        rows = [rows0, rows1]
        gsem = [g0, g1]
        wsem = [w0, w1]
        pend_g = [None, None]
        pend_w = [None, None]
        pend_g[0] = pltpu.async_copy(
            table_hbm.at[idx_v.at[pl.ds(0, chunk)]], rows[0], gsem[0]
        )
        for c in range(n_chunks):
            i = c % 2
            ni = (c + 1) % 2
            if c + 1 < n_chunks:
                if pend_w[ni] is not None:
                    pend_w[ni].wait()
                    pend_w[ni] = None
                pend_g[ni] = pltpu.async_copy(
                    table_hbm.at[idx_v.at[pl.ds((c + 1) * chunk, chunk)]],
                    rows[ni],
                    gsem[ni],
                )
            pend_g[i].wait()
            pend_g[i] = None
            pend_w[i] = pltpu.async_copy(
                rows[i], out_hbm.at[pl.ds(base + c * chunk, chunk)], wsem[i]
            )
        for i in range(2):
            if pend_w[i] is not None:
                pend_w[i].wait()

    return sc_gather


def kernel(input, pe, noise):
    BATCH, SEQ = input.shape
    EMB = pe.shape[1]
    pair_idx = _compute_pair_idx(input, noise).reshape(BATCH * SEQ // 2)
    table = _build_pair_table(pe[:SEQ])
    info = plsc.get_sparse_core_info()
    gather = _make_sc_gather(
        BATCH * SEQ // 2, 2 * EMB, info.num_cores, info.num_subcores, 320
    )
    out = gather(pair_idx, table)
    return out.reshape(BATCH, SEQ, EMB)

# --- scband reference (transcript-rebuilt; emitter-appended) ---
"""Pipeline reference for scband-random-positional-encoder-38070590112218 (READ-ONLY COPY).

The authoritative reference and input builder live on the scoring server;
editing this copy changes nothing except your own understanding.
"""

import jax, jax.numpy as jnp
import numpy as np
import math

EMB_SIZE = 64
MAX_LEN = 2048
PAD_TOKEN = 0
FACTOR = 1.0
BATCH = 4096
SEQ = 200
VOCAB = 1000


def get_posenc(length, emb_size):
    pe = np.zeros((length, emb_size), dtype=np.float32)
    position = np.arange(0, length, dtype=np.float32)[:, None]
    div_term = np.exp(np.arange(0, emb_size, 2, dtype=np.float32) * -(math.log(10000.0) / emb_size))
    pe[:, 0::2] = np.sin(position * div_term)
    pe[:, 1::2] = np.cos(position * div_term)
    return jnp.asarray(pe)


def setup_inputs(seed: int = 0) -> dict:
    key = jax.random.key(seed)
    k1 = jax.random.fold_in(key, 1)
    k2 = jax.random.fold_in(key, 2)
    # token ids; value 0 == pad_token occurs naturally
    inp = jax.random.randint(k1, (BATCH, SEQ), 0, VOCAB, dtype=jnp.int32)
    # noise stands in for torch.rand_like inside forward (externalized for determinism)
    noise = jax.random.uniform(k2, (BATCH, SEQ), dtype=jnp.float32)
    pe = get_posenc(MAX_LEN, EMB_SIZE) * FACTOR
    return {"input": inp, "pe": pe, "noise": noise}


def reference(input, pe, noise):
    # position = rand_like(input); masked_fill(input == pad, inf)
    position = jnp.where(input == PAD_TOKEN, jnp.inf, noise)
    # double argsort -> rank of each element along dim=1 (random permutation of positions;
    # padded tokens pushed to the largest ranks)
    position = jnp.argsort(jnp.argsort(position, axis=1), axis=1)
    # F.embedding(position, pe) -> gather rows of pe
    return jnp.take(pe, position, axis=0)

if __name__ == "__main__":
    import jax
    _d = setup_inputs()
    print(jax.jit(kernel)(*tuple(_d.values())))

</pallas_src>

<mosaic_0001>
#map = affine_map<(d0, d1) -> (0)>
#map1 = affine_map<(d0, d1) -> (0, 0)>
module attributes {stable_mosaic.version = 14 : i64} {
  func.func @sc_gather(%arg0: i32, %arg1: i32, %arg2: memref<409600xi32, #tpu.memory_space<hbm>>, %arg3: memref<40000x128xf32, #tpu.memory_space<hbm>>, %arg4: memref<409600x128xf32, #tpu.memory_space<hbm>>, %arg5: memref<12800xi32, #tpu.memory_space<vmem>>, %arg6: memref<320x128xf32, #tpu.memory_space<vmem>>, %arg7: memref<320x128xf32, #tpu.memory_space<vmem>>, %arg8: memref<!tpu.dma_semaphore, #tpu.memory_space<semaphore_mem>>, %arg9: memref<!tpu.dma_semaphore, #tpu.memory_space<semaphore_mem>>, %arg10: memref<!tpu.dma_semaphore, #tpu.memory_space<semaphore_mem>>, %arg11: memref<!tpu.dma_semaphore, #tpu.memory_space<semaphore_mem>>) attributes {dimension_semantics = [#tpu.dimension_semantics<core_parallel>, #tpu.dimension_semantics<subcore_parallel>], iteration_bounds = array<i64: 2, 16>, scalar_prefetch = 0 : i64, scratch_operands = 7 : i64, tpu.core_type = #tpu.core_type<sc_vector_subcore>, window_params = [{transform_indices = #map}, {transform_indices = #map1}, {transform_indices = #map1}]} {
    %mul3A = arith.constant 2 : i32
    %mul3A_0 = arith.muli %arg1, %mul3A : i32
    %add3A = arith.addi %mul3A_0, %arg0 : i32
    %mul3A_1 = arith.constant 12800 : i32
    %mul3A_2 = arith.muli %add3A, %mul3A_1 : i32
    "tpu.region"() ({
      %run_scoped3A = tpu.sem_alloc : memref<!tpu.dma_semaphore, #tpu.memory_space<semaphore_mem>>
      %dma_start3A_801 = tpu.memref_slice %arg2[%mul3A_2] : memref<409600xi32, #tpu.memory_space<hbm>> -> memref<12800xi32, #tpu.memory_space<hbm>>
      %dma_start3A_802 = tpu.memref_slice %arg2[%mul3A_2] : memref<409600xi32, #tpu.memory_space<hbm>> -> memref<12800xi32, #tpu.memory_space<hbm>>
      tpu.enqueue_dma source(%dma_start3A_802 : memref<12800xi32, #tpu.memory_space<hbm>>) target(%arg5 : memref<12800xi32, #tpu.memory_space<vmem>>) target_semaphore(%run_scoped3A : memref<!tpu.dma_semaphore, #tpu.memory_space<semaphore_mem>>)
      %dma_wait3A_803 = tpu.memref_slice %arg2[%mul3A_2] : memref<409600xi32, #tpu.memory_space<hbm>> -> memref<12800xi32, #tpu.memory_space<hbm>>
      %dma_wait3A_804 = tpu.memref_slice %arg2[%mul3A_2] : memref<409600xi32, #tpu.memory_space<hbm>> -> memref<12800xi32, #tpu.memory_space<hbm>>
      tpu.wait_dma2 semaphore(%run_scoped3A : memref<!tpu.dma_semaphore, #tpu.memory_space<semaphore_mem>>) src(%dma_wait3A_804 : memref<12800xi32, #tpu.memory_space<hbm>>) dst(%arg5 : memref<12800xi32, #tpu.memory_space<vmem>>)
      tpu.yield
    }) : () -> ()
    %dma_start3A = arith.constant 0 : i32
    %dma_start3A_3 = tpu.memref_slice %arg5[%dma_start3A] : memref<12800xi32, #tpu.memory_space<vmem>> -> memref<320xi32, #tpu.memory_space<vmem>>
    %dma_start3A_4 = arith.constant 0 : i32
    %dma_start3A_5 = arith.constant 0 : i32
    %dma_start3A_6 = tpu.memref_slice %arg3[%dma_start3A_4, %dma_start3A_5] : memref<40000x128xf32, #tpu.memory_space<hbm>> -> memref<40000x128xf32, #tpu.memory_space<hbm>>
    tpu.enqueue_indirect_dma source(%dma_start3A_6 : memref<40000x128xf32, #tpu.memory_space<hbm>>) target(%arg6 : memref<320x128xf32, #tpu.memory_space<vmem>>) offsets(%dma_start3A_3 : memref<320xi32, #tpu.memory_space<vmem>>) semaphore(%arg8 : memref<!tpu.dma_semaphore, #tpu.memory_space<semaphore_mem>>)
    %dma_start3A_7 = arith.constant 320 : i32
    %dma_start3A_8 = tpu.memref_slice %arg5[%dma_start3A_7] : memref<12800xi32, #tpu.memory_space<vmem>> -> memref<320xi32, #tpu.memory_space<vmem>>
    %dma_start3A_9 = arith.constant 0 : i32
    %dma_start3A_10 = arith.constant 0 : i32
    %dma_start3A_11 = tpu.memref_slice %arg3[%dma_start3A_9, %dma_start3A_10] : memref<40000x128xf32, #tpu.memory_space<hbm>> -> memref<40000x128xf32, #tpu.memory_space<hbm>>
    tpu.enqueue_indirect_dma source(%dma_start3A_11 : memref<40000x128xf32, #tpu.memory_space<hbm>>) target(%arg7 : memref<320x128xf32, #tpu.memory_space<vmem>>) offsets(%dma_start3A_8 : memref<320xi32, #tpu.memory_space<vmem>>) semaphore(%arg9 : memref<!tpu.dma_semaphore, #tpu.memory_space<semaphore_mem>>)
    %dma_wait3A = arith.constant 0 : i32
    %dma_wait3A_12 = tpu.memref_slice %arg5[%dma_wait3A] : memref<12800xi32, #tpu.memory_space<vmem>> -> memref<320xi32, #tpu.memory_space<vmem>>
    %dma_wait3A_13 = arith.constant 0 : i32
    %dma_wait3A_14 = arith.constant 0 : i32
    %dma_wait3A_15 = tpu.memref_slice %arg3[%dma_wait3A_13, %dma_wait3A_14] : memref<40000x128xf32, #tpu.memory_space<hbm>> -> memref<40000x128xf32, #tpu.memory_space<hbm>>
    tpu.wait_indirect_dma semaphore(%arg8 : memref<!tpu.dma_semaphore, #tpu.memory_space<semaphore_mem>>) src(%dma_wait3A_15 : memref<40000x128xf32, #tpu.memory_space<hbm>>) dst(%arg6 : memref<320x128xf32, #tpu.memory_space<vmem>>)
    %add3A_16 = arith.constant 0 : i32
    %add3A_17 = arith.addi %mul3A_2, %add3A_16 : i32
    %dma_start3A_18 = arith.constant 0 : i32
    %dma_start3A_19 = tpu.memref_slice %arg4[%add3A_17, %dma_start3A_18] : memref<409600x128xf32, #tpu.memory_space<hbm>> -> memref<320x128xf32, #tpu.memory_space<hbm>>
    %dma_start3A_20 = arith.constant 0 : i32
    %dma_start3A_21 = tpu.memref_slice %arg4[%add3A_17, %dma_start3A_20] : memref<409600x128xf32, #tpu.memory_space<hbm>> -> memref<320x128xf32, #tpu.memory_space<hbm>>
    tpu.enqueue_dma source(%arg6 : memref<320x128xf32, #tpu.memory_space<vmem>>) target(%dma_start3A_21 : memref<320x128xf32, #tpu.memory_space<hbm>>) target_semaphore(%arg10 : memref<!tpu.dma_semaphore, #tpu.memory_space<semaphore_mem>>)
    %dma_wait3A_22 = arith.constant 0 : i32
    %dma_wait3A_23 = tpu.memref_slice %arg4[%add3A_17, %dma_wait3A_22] : memref<409600x128xf32, #tpu.memory_space<hbm>> -> memref<320x128xf32, #tpu.memory_space<hbm>>
    %dma_wait3A_24 = arith.constant 0 : i32
    %dma_wait3A_25 = tpu.memref_slice %arg4[%add3A_17, %dma_wait3A_24] : memref<409600x128xf32, #tpu.memory_space<hbm>> -> memref<320x128xf32, #tpu.memory_space<hbm>>
    tpu.wait_dma2 semaphore(%arg10 : memref<!tpu.dma_semaphore, #tpu.memory_space<semaphore_mem>>) src(%arg6 : memref<320x128xf32, #tpu.memory_space<vmem>>) dst(%dma_wait3A_25 : memref<320x128xf32, #tpu.memory_space<hbm>>)
    %dma_start3A_26 = arith.constant 640 : i32
    %dma_start3A_27 = tpu.memref_slice %arg5[%dma_start3A_26] : memref<12800xi32, #tpu.memory_space<vmem>> -> memref<320xi32, #tpu.memory_space<vmem>>
    %dma_start3A_28 = arith.constant 0 : i32
    %dma_start3A_29 = arith.constant 0 : i32
    %dma_start3A_30 = tpu.memref_slice %arg3[%dma_start3A_28, %dma_start3A_29] : memref<40000x128xf32, #tpu.memory_space<hbm>> -> memref<40000x128xf32, #tpu.memory_space<hbm>>
    tpu.enqueue_indirect_dma source(%dma_start3A_30 : memref<40000x128xf32, #tpu.memory_space<hbm>>) target(%arg6 : memref<320x128xf32, #tpu.memory_space<vmem>>) offsets(%dma_start3A_27 : memref<320xi32, #tpu.memory_space<vmem>>) semaphore(%arg8 : memref<!tpu.dma_semaphore, #tpu.memory_space<semaphore_mem>>)
    %dma_wait3A_31 = arith.constant 320 : i32
    %dma_wait3A_32 = tpu.memref_slice %arg5[%dma_wait3A_31] : memref<12800xi32, #tpu.memory_space<vmem>> -> memref<320xi32, #tpu.memory_space<vmem>>
    %dma_wait3A_33 = arith.constant 0 : i32
    %dma_wait3A_34 = arith.constant 0 : i32
    %dma_wait3A_35 = tpu.memref_slice %arg3[%dma_wait3A_33, %dma_wait3A_34] : memref<40000x128xf32, #tpu.memory_space<hbm>> -> memref<40000x128xf32, #tpu.memory_space<hbm>>
    tpu.wait_indirect_dma semaphore(%arg9 : memref<!tpu.dma_semaphore, #tpu.memory_space<semaphore_mem>>) src(%dma_wait3A_35 : memref<40000x128xf32, #tpu.memory_space<hbm>>) dst(%arg7 : memref<320x128xf32, #tpu.memory_space<vmem>>)
    %add3A_36 = arith.constant 320 : i32
    %add3A_37 = arith.addi %mul3A_2, %add3A_36 : i32
    %dma_start3A_38 = arith.constant 0 : i32
    %dma_start3A_39 = tpu.memref_slice %arg4[%add3A_37, %dma_start3A_38] : memref<409600x128xf32, #tpu.memory_space<hbm>> -> memref<320x128xf32, #tpu.memory_space<hbm>>
    %dma_start3A_40 = arith.constant 0 : i32
    %dma_start3A_41 = tpu.memref_slice %arg4[%add3A_37, %dma_start3A_40] : memref<409600x128xf32, #tpu.memory_space<hbm>> -> memref<320x128xf32, #tpu.memory_space<hbm>>
    tpu.enqueue_dma source(%arg7 : memref<320x128xf32, #tpu.memory_space<vmem>>) target(%dma_start3A_41 : memref<320x128xf32, #tpu.memory_space<hbm>>) target_semaphore(%arg11 : memref<!tpu.dma_semaphore, #tpu.memory_space<semaphore_mem>>)
    %dma_wait3A_42 = arith.constant 0 : i32
    %dma_wait3A_43 = tpu.memref_slice %arg4[%add3A_37, %dma_wait3A_42] : memref<409600x128xf32, #tpu.memory_space<hbm>> -> memref<320x128xf32, #tpu.memory_space<hbm>>
    %dma_wait3A_44 = arith.constant 0 : i32
    %dma_wait3A_45 = tpu.memref_slice %arg4[%add3A_37, %dma_wait3A_44] : memref<409600x128xf32, #tpu.memory_space<hbm>> -> memref<320x128xf32, #tpu.memory_space<hbm>>
    tpu.wait_dma2 semaphore(%arg11 : memref<!tpu.dma_semaphore, #tpu.memory_space<semaphore_mem>>) src(%arg7 : memref<320x128xf32, #tpu.memory_space<vmem>>) dst(%dma_wait3A_45 : memref<320x128xf32, #tpu.memory_space<hbm>>)
    %dma_start3A_46 = arith.constant 960 : i32
    %dma_start3A_47 = tpu.memref_slice %arg5[%dma_start3A_46] : memref<12800xi32, #tpu.memory_space<vmem>> -> memref<320xi32, #tpu.memory_space<vmem>>
    %dma_start3A_48 = arith.constant 0 : i32
    %dma_start3A_49 = arith.constant 0 : i32
    %dma_start3A_50 = tpu.memref_slice %arg3[%dma_start3A_48, %dma_start3A_49] : memref<40000x128xf32, #tpu.memory_space<hbm>> -> memref<40000x128xf32, #tpu.memory_space<hbm>>
    tpu.enqueue_indirect_dma source(%dma_start3A_50 : memref<40000x128xf32, #tpu.memory_space<hbm>>) target(%arg7 : memref<320x128xf32, #tpu.memory_space<vmem>>) offsets(%dma_start3A_47 : memref<320xi32, #tpu.memory_space<vmem>>) semaphore(%arg9 : memref<!tpu.dma_semaphore, #tpu.memory_space<semaphore_mem>>)
    %dma_wait3A_51 = arith.constant 640 : i32
    %dma_wait3A_52 = tpu.memref_slice %arg5[%dma_wait3A_51] : memref<12800xi32, #tpu.memory_space<vmem>> -> memref<320xi32, #tpu.memory_space<vmem>>
    %dma_wait3A_53 = arith.constant 0 : i32
    %dma_wait3A_54 = arith.constant 0 : i32
    %dma_wait3A_55 = tpu.memref_slice %arg3[%dma_wait3A_53, %dma_wait3A_54] : memref<40000x128xf32, #tpu.memory_space<hbm>> -> memref<40000x128xf32, #tpu.memory_space<hbm>>
    tpu.wait_indirect_dma semaphore(%arg8 : memref<!tpu.dma_semaphore, #tpu.memory_space<semaphore_mem>>) src(%dma_wait3A_55 : memref<40000x128xf32, #tpu.memory_space<hbm>>) dst(%arg6 : memref<320x128xf32, #tpu.memory_space<vmem>>)
    %add3A_56 = arith.constant 640 : i32
    %add3A_57 = arith.addi %mul3A_2, %add3A_56 : i32
    %dma_start3A_58 = arith.constant 0 : i32
    %dma_start3A_59 = tpu.memref_slice %arg4[%add3A_57, %dma_start3A_58] : memref<409600x128xf32, #tpu.memory_space<hbm>> -> memref<320x128xf32, #tpu.memory_space<hbm>>
    %dma_start3A_60 = arith.constant 0 : i32
    %dma_start3A_61 = tpu.memref_slice %arg4[%add3A_57, %dma_start3A_60] : memref<409600x128xf32, #tpu.memory_space<hbm>> -> memref<320x128xf32, #tpu.memory_space<hbm>>
    tpu.enqueue_dma source(%arg6 : memref<320x128xf32, #tpu.memory_space<vmem>>) target(%dma_start3A_61 : memref<320x128xf32, #tpu.memory_space<hbm>>) target_semaphore(%arg10 : memref<!tpu.dma_semaphore, #tpu.memory_space<semaphore_mem>>)
    %dma_wait3A_62 = arith.constant 0 : i32
    %dma_wait3A_63 = tpu.memref_slice %arg4[%add3A_57, %dma_wait3A_62] : memref<409600x128xf32, #tpu.memory_space<hbm>> -> memref<320x128xf32, #tpu.memory_space<hbm>>
    %dma_wait3A_64 = arith.constant 0 : i32
    %dma_wait3A_65 = tpu.memref_slice %arg4[%add3A_57, %dma_wait3A_64] : memref<409600x128xf32, #tpu.memory_space<hbm>> -> memref<320x128xf32, #tpu.memory_space<hbm>>
    tpu.wait_dma2 semaphore(%arg10 : memref<!tpu.dma_semaphore, #tpu.memory_space<semaphore_mem>>) src(%arg6 : memref<320x128xf32, #tpu.memory_space<vmem>>) dst(%dma_wait3A_65 : memref<320x128xf32, #tpu.memory_space<hbm>>)
    %dma_start3A_66 = arith.constant 1280 : i32
    %dma_start3A_67 = tpu.memref_slice %arg5[%dma_start3A_66] : memref<12800xi32, #tpu.memory_space<vmem>> -> memref<320xi32, #tpu.memory_space<vmem>>
    %dma_start3A_68 = arith.constant 0 : i32
    %dma_start3A_69 = arith.constant 0 : i32
    %dma_start3A_70 = tpu.memref_slice %arg3[%dma_start3A_68, %dma_start3A_69] : memref<40000x128xf32, #tpu.memory_space<hbm>> -> memref<40000x128xf32, #tpu.memory_space<hbm>>
    tpu.enqueue_indirect_dma source(%dma_start3A_70 : memref<40000x128xf32, #tpu.memory_space<hbm>>) target(%arg6 : memref<320x128xf32, #tpu.memory_space<vmem>>) offsets(%dma_start3A_67 : memref<320xi32, #tpu.memory_space<vmem>>) semaphore(%arg8 : memref<!tpu.dma_semaphore, #tpu.memory_space<semaphore_mem>>)
    %dma_wait3A_71 = arith.constant 960 : i32
    %dma_wait3A_72 = tpu.memref_slice %arg5[%dma_wait3A_71] : memref<12800xi32, #tpu.memory_space<vmem>> -> memref<320xi32, #tpu.memory_space<vmem>>
    %dma_wait3A_73 = arith.constant 0 : i32
    %dma_wait3A_74 = arith.constant 0 : i32
    %dma_wait3A_75 = tpu.memref_slice %arg3[%dma_wait3A_73, %dma_wait3A_74] : memref<40000x128xf32, #tpu.memory_space<hbm>> -> memref<40000x128xf32, #tpu.memory_space<hbm>>
    tpu.wait_indirect_dma semaphore(%arg9 : memref<!tpu.dma_semaphore, #tpu.memory_space<semaphore_mem>>) src(%dma_wait3A_75 : memref<40000x128xf32, #tpu.memory_space<hbm>>) dst(%arg7 : memref<320x128xf32, #tpu.memory_space<vmem>>)
    %add3A_76 = arith.constant 960 : i32
    %add3A_77 = arith.addi %mul3A_2, %add3A_76 : i32
    %dma_start3A_78 = arith.constant 0 : i32
    %dma_start3A_79 = tpu.memref_slice %arg4[%add3A_77, %dma_start3A_78] : memref<409600x128xf32, #tpu.memory_space<hbm>> -> memref<320x128xf32, #tpu.memory_space<hbm>>
    %dma_start3A_80 = arith.constant 0 : i32
    %dma_start3A_81 = tpu.memref_slice %arg4[%add3A_77, %dma_start3A_80] : memref<409600x128xf32, #tpu.memory_space<hbm>> -> memref<320x128xf32, #tpu.memory_space<hbm>>
    tpu.enqueue_dma source(%arg7 : memref<320x128xf32, #tpu.memory_space<vmem>>) target(%dma_start3A_81 : memref<320x128xf32, #tpu.memory_space<hbm>>) target_semaphore(%arg11 : memref<!tpu.dma_semaphore, #tpu.memory_space<semaphore_mem>>)
    %dma_wait3A_82 = arith.constant 0 : i32
    %dma_wait3A_83 = tpu.memref_slice %arg4[%add3A_77, %dma_wait3A_82] : memref<409600x128xf32, #tpu.memory_space<hbm>> -> memref<320x128xf32, #tpu.memory_space<hbm>>
    %dma_wait3A_84 = arith.constant 0 : i32
    %dma_wait3A_85 = tpu.memref_slice %arg4[%add3A_77, %dma_wait3A_84] : memref<409600x128xf32, #tpu.memory_space<hbm>> -> memref<320x128xf32, #tpu.memory_space<hbm>>
    tpu.wait_dma2 semaphore(%arg11 : memref<!tpu.dma_semaphore, #tpu.memory_space<semaphore_mem>>) src(%arg7 : memref<320x128xf32, #tpu.memory_space<vmem>>) dst(%dma_wait3A_85 : memref<320x128xf32, #tpu.memory_space<hbm>>)
    %dma_start3A_86 = arith.constant 1600 : i32
    %dma_start3A_87 = tpu.memref_slice %arg5[%dma_start3A_86] : memref<12800xi32, #tpu.memory_space<vmem>> -> memref<320xi32, #tpu.memory_space<vmem>>
    %dma_start3A_88 = arith.constant 0 : i32
    %dma_start3A_89 = arith.constant 0 : i32
    %dma_start3A_90 = tpu.memref_slice %arg3[%dma_start3A_88, %dma_start3A_89] : memref<40000x128xf32, #tpu.memory_space<hbm>> -> memref<40000x128xf32, #tpu.memory_space<hbm>>
    tpu.enqueue_indirect_dma source(%dma_start3A_90 : memref<40000x128xf32, #tpu.memory_space<hbm>>) target(%arg7 : memref<320x128xf32, #tpu.memory_space<vmem>>) offsets(%dma_start3A_87 : memref<320xi32, #tpu.memory_space<vmem>>) semaphore(%arg9 : memref<!tpu.dma_semaphore, #tpu.memory_space<semaphore_mem>>)
    %dma_wait3A_91 = arith.constant 1280 : i32
    %dma_wait3A_92 = tpu.memref_slice %arg5[%dma_wait3A_91] : memref<12800xi32, #tpu.memory_space<vmem>> -> memref<320xi32, #tpu.memory_space<vmem>>
    %dma_wait3A_93 = arith.constant 0 : i32
    %dma_wait3A_94 = arith.constant 0 : i32
    %dma_wait3A_95 = tpu.memref_slice %arg3[%dma_wait3A_93, %dma_wait3A_94] : memref<40000x128xf32, #tpu.memory_space<hbm>> -> memref<40000x128xf32, #tpu.memory_space<hbm>>
    tpu.wait_indirect_dma semaphore(%arg8 : memref<!tpu.dma_semaphore, #tpu.memory_space<semaphore_mem>>) src(%dma_wait3A_95 : memref<40000x128xf32, #tpu.memory_space<hbm>>) dst(%arg6 : memref<320x128xf32, #tpu.memory_space<vmem>>)
    %add3A_96 = arith.constant 1280 : i32
    %add3A_97 = arith.addi %mul3A_2, %add3A_96 : i32
    %dma_start3A_98 = arith.constant 0 : i32
    %dma_start3A_99 = tpu.memref_slice %arg4[%add3A_97, %dma_start3A_98] : memref<409600x128xf32, #tpu.memory_space<hbm>> -> memref<320x128xf32, #tpu.memory_space<hbm>>
    %dma_start3A_100 = arith.constant 0 : i32
    %dma_start3A_101 = tpu.memref_slice %arg4[%add3A_97, %dma_start3A_100] : memref<409600x128xf32, #tpu.memory_space<hbm>> -> memref<320x128xf32, #tpu.memory_space<hbm>>
    tpu.enqueue_dma source(%arg6 : memref<320x128xf32, #tpu.memory_space<vmem>>) target(%dma_start3A_101 : memref<320x128xf32, #tpu.memory_space<hbm>>) target_semaphore(%arg10 : memref<!tpu.dma_semaphore, #tpu.memory_space<semaphore_mem>>)
    %dma_wait3A_102 = arith.constant 0 : i32
    %dma_wait3A_103 = tpu.memref_slice %arg4[%add3A_97, %dma_wait3A_102] : memref<409600x128xf32, #tpu.memory_space<hbm>> -> memref<320x128xf32, #tpu.memory_space<hbm>>
    %dma_wait3A_104 = arith.constant 0 : i32
    %dma_wait3A_105 = tpu.memref_slice %arg4[%add3A_97, %dma_wait3A_104] : memref<409600x128xf32, #tpu.memory_space<hbm>> -> memref<320x128xf32, #tpu.memory_space<hbm>>
    tpu.wait_dma2 semaphore(%arg10 : memref<!tpu.dma_semaphore, #tpu.memory_space<semaphore_mem>>) src(%arg6 : memref<320x128xf32, #tpu.memory_space<vmem>>) dst(%dma_wait3A_105 : memref<320x128xf32, #tpu.memory_space<hbm>>)
    %dma_start3A_106 = arith.constant 1920 : i32
    %dma_start3A_107 = tpu.memref_slice %arg5[%dma_start3A_106] : memref<12800xi32, #tpu.memory_space<vmem>> -> memref<320xi32, #tpu.memory_space<vmem>>
    %dma_start3A_108 = arith.constant 0 : i32
    %dma_start3A_109 = arith.constant 0 : i32
    %dma_start3A_110 = tpu.memref_slice %arg3[%dma_start3A_108, %dma_start3A_109] : memref<40000x128xf32, #tpu.memory_space<hbm>> -> memref<40000x128xf32, #tpu.memory_space<hbm>>
    tpu.enqueue_indirect_dma source(%dma_start3A_110 : memref<40000x128xf32, #tpu.memory_space<hbm>>) target(%arg6 : memref<320x128xf32, #tpu.memory_space<vmem>>) offsets(%dma_start3A_107 : memref<320xi32, #tpu.memory_space<vmem>>) semaphore(%arg8 : memref<!tpu.dma_semaphore, #tpu.memory_space<semaphore_mem>>)
    %dma_wait3A_111 = arith.constant 1600 : i32
    %dma_wait3A_112 = tpu.memref_slice %arg5[%dma_wait3A_111] : memref<12800xi32, #tpu.memory_space<vmem>> -> memref<320xi32, #tpu.memory_space<vmem>>
    %dma_wait3A_113 = arith.constant 0 : i32
    %dma_wait3A_114 = arith.constant 0 : i32
    %dma_wait3A_115 = tpu.memref_slice %arg3[%dma_wait3A_113, %dma_wait3A_114] : memref<40000x128xf32, #tpu.memory_space<hbm>> -> memref<40000x128xf32, #tpu.memory_space<hbm>>
    tpu.wait_indirect_dma semaphore(%arg9 : memref<!tpu.dma_semaphore, #tpu.memory_space<semaphore_mem>>) src(%dma_wait3A_115 : memref<40000x128xf32, #tpu.memory_space<hbm>>) dst(%arg7 : memref<320x128xf32, #tpu.memory_space<vmem>>)
    %add3A_116 = arith.constant 1600 : i32
    %add3A_117 = arith.addi %mul3A_2, %add3A_116 : i32
    %dma_start3A_118 = arith.constant 0 : i32
    %dma_start3A_119 = tpu.memref_slice %arg4[%add3A_117, %dma_start3A_118] : memref<409600x128xf32, #tpu.memory_space<hbm>> -> memref<320x128xf32, #tpu.memory_space<hbm>>
    %dma_start3A_120 = arith.constant 0 : i32
    %dma_start3A_121 = tpu.memref_slice %arg4[%add3A_117, %dma_start3A_120] : memref<409600x128xf32, #tpu.memory_space<hbm>> -> memref<320x128xf32, #tpu.memory_space<hbm>>
    tpu.enqueue_dma source(%arg7 : memref<320x128xf32, #tpu.memory_space<vmem>>) target(%dma_start3A_121 : memref<320x128xf32, #tpu.memory_space<hbm>>) target_semaphore(%arg11 : memref<!tpu.dma_semaphore, #tpu.memory_space<semaphore_mem>>)
    %dma_wait3A_122 = arith.constant 0 : i32
    %dma_wait3A_123 = tpu.memref_slice %arg4[%add3A_117, %dma_wait3A_122] : memref<409600x128xf32, #tpu.memory_space<hbm>> -> memref<320x128xf32, #tpu.memory_space<hbm>>
    %dma_wait3A_124 = arith.constant 0 : i32
    %dma_wait3A_125 = tpu.memref_slice %arg4[%add3A_117, %dma_wait3A_124] : memref<409600x128xf32, #tpu.memory_space<hbm>> -> memref<320x128xf32, #tpu.memory_space<hbm>>
    tpu.wait_dma2 semaphore(%arg11 : memref<!tpu.dma_semaphore, #tpu.memory_space<semaphore_mem>>) src(%arg7 : memref<320x128xf32, #tpu.memory_space<vmem>>) dst(%dma_wait3A_125 : memref<320x128xf32, #tpu.memory_space<hbm>>)
    %dma_start3A_126 = arith.constant 2240 : i32
    %dma_start3A_127 = tpu.memref_slice %arg5[%dma_start3A_126] : memref<12800xi32, #tpu.memory_space<vmem>> -> memref<320xi32, #tpu.memory_space<vmem>>
    %dma_start3A_128 = arith.constant 0 : i32
    %dma_start3A_129 = arith.constant 0 : i32
    %dma_start3A_130 = tpu.memref_slice %arg3[%dma_start3A_128, %dma_start3A_129] : memref<40000x128xf32, #tpu.memory_space<hbm>> -> memref<40000x128xf32, #tpu.memory_space<hbm>>
    tpu.enqueue_indirect_dma source(%dma_start3A_130 : memref<40000x128xf32, #tpu.memory_space<hbm>>) target(%arg7 : memref<320x128xf32, #tpu.memory_space<vmem>>) offsets(%dma_start3A_127 : memref<320xi32, #tpu.memory_space<vmem>>) semaphore(%arg9 : memref<!tpu.dma_semaphore, #tpu.memory_space<semaphore_mem>>)
    %dma_wait3A_131 = arith.constant 1920 : i32
    %dma_wait3A_132 = tpu.memref_slice %arg5[%dma_wait3A_131] : memref<12800xi32, #tpu.memory_space<vmem>> -> memref<320xi32, #tpu.memory_space<vmem>>
    %dma_wait3A_133 = arith.constant 0 : i32
    %dma_wait3A_134 = arith.constant 0 : i32
    %dma_wait3A_135 = tpu.memref_slice %arg3[%dma_wait3A_133, %dma_wait3A_134] : memref<40000x128xf32, #tpu.memory_space<hbm>> -> memref<40000x128xf32, #tpu.memory_space<hbm>>
    tpu.wait_indirect_dma semaphore(%arg8 : memref<!tpu.dma_semaphore, #tpu.memory_space<semaphore_mem>>) src(%dma_wait3A_135 : memref<40000x128xf32, #tpu.memory_space<hbm>>) dst(%arg6 : memref<320x128xf32, #tpu.memory_space<vmem>>)
    %add3A_136 = arith.constant 1920 : i32
    %add3A_137 = arith.addi %mul3A_2, %add3A_136 : i32
    %dma_start3A_138 = arith.constant 0 : i32
    %dma_start3A_139 = tpu.memref_slice %arg4[%add3A_137, %dma_start3A_138] : memref<409600x128xf32, #tpu.memory_space<hbm>> -> memref<320x128xf32, #tpu.memory_space<hbm>>
    %dma_start3A_140 = arith.constant 0 : i32
    %dma_start3A_141 = tpu.memref_slice %arg4[%add3A_137, %dma_start3A_140] : memref<409600x128xf32, #tpu.memory_space<hbm>> -> memref<320x128xf32, #tpu.memory_space<hbm>>
    tpu.enqueue_dma source(%arg6 : memref<320x128xf32, #tpu.memory_space<vmem>>) target(%dma_start3A_141 : memref<320x128xf32, #tpu.memory_space<hbm>>) target_semaphore(%arg10 : memref<!tpu.dma_semaphore, #tpu.memory_space<semaphore_mem>>)
    %dma_wait3A_142 = arith.constant 0 : i32
    %dma_wait3A_143 = tpu.memref_slice %arg4[%add3A_137, %dma_wait3A_142] : memref<409600x128xf32, #tpu.memory_space<hbm>> -> memref<320x128xf32, #tpu.memory_space<hbm>>
    %dma_wait3A_144 = arith.constant 0 : i32
    %dma_wait3A_145 = tpu.memref_slice %arg4[%add3A_137, %dma_wait3A_144] : memref<409600x128xf32, #tpu.memory_space<hbm>> -> memref<320x128xf32, #tpu.memory_space<hbm>>
    tpu.wait_dma2 semaphore(%arg10 : memref<!tpu.dma_semaphore, #tpu.memory_space<semaphore_mem>>) src(%arg6 : memref<320x128xf32, #tpu.memory_space<vmem>>) dst(%dma_wait3A_145 : memref<320x128xf32, #tpu.memory_space<hbm>>)
    %dma_start3A_146 = arith.constant 2560 : i32
    %dma_start3A_147 = tpu.memref_slice %arg5[%dma_start3A_146] : memref<12800xi32, #tpu.memory_space<vmem>> -> memref<320xi32, #tpu.memory_space<vmem>>
    %dma_start3A_148 = arith.constant 0 : i32
    %dma_start3A_149 = arith.constant 0 : i32
    %dma_start3A_150 = tpu.memref_slice %arg3[%dma_start3A_148, %dma_start3A_149] : memref<40000x128xf32, #tpu.memory_space<hbm>> -> memref<40000x128xf32, #tpu.memory_space<hbm>>
    tpu.enqueue_indirect_dma source(%dma_start3A_150 : memref<40000x128xf32, #tpu.memory_space<hbm>>) target(%arg6 : memref<320x128xf32, #tpu.memory_space<vmem>>) offsets(%dma_start3A_147 : memref<320xi32, #tpu.memory_space<vmem>>) semaphore(%arg8 : memref<!tpu.dma_semaphore, #tpu.memory_space<semaphore_mem>>)
    %dma_wait3A_151 = arith.constant 2240 : i32
    %dma_wait3A_152 = tpu.memref_slice %arg5[%dma_wait3A_151] : memref<12800xi32, #tpu.memory_space<vmem>> -> memref<320xi32, #tpu.memory_space<vmem>>
    %dma_wait3A_153 = arith.constant 0 : i32
    %dma_wait3A_154 = arith.constant 0 : i32
    %dma_wait3A_155 = tpu.memref_slice %arg3[%dma_wait3A_153, %dma_wait3A_154] : memref<40000x128xf32, #tpu.memory_space<hbm>> -> memref<40000x128xf32, #tpu.memory_space<hbm>>
    tpu.wait_indirect_dma semaphore(%arg9 : memref<!tpu.dma_semaphore, #tpu.memory_space<semaphore_mem>>) src(%dma_wait3A_155 : memref<40000x128xf32, #tpu.memory_space<hbm>>) dst(%arg7 : memref<320x128xf32, #tpu.memory_space<vmem>>)
    %add3A_156 = arith.constant 2240 : i32
    %add3A_157 = arith.addi %mul3A_2, %add3A_156 : i32
    %dma_start3A_158 = arith.constant 0 : i32
    %dma_start3A_159 = tpu.memref_slice %arg4[%add3A_157, %dma_start3A_158] : memref<409600x128xf32, #tpu.memory_space<hbm>> -> memref<320x128xf32, #tpu.memory_space<hbm>>
    %dma_start3A_160 = arith.constant 0 : i32
    %dma_start3A_161 = tpu.memref_slice %arg4[%add3A_157, %dma_start3A_160] : memref<409600x128xf32, #tpu.memory_space<hbm>> -> memref<320x128xf32, #tpu.memory_space<hbm>>
    tpu.enqueue_dma source(%arg7 : memref<320x128xf32, #tpu.memory_space<vmem>>) target(%dma_start3A_161 : memref<320x128xf32, #tpu.memory_space<hbm>>) target_semaphore(%arg11 : memref<!tpu.dma_semaphore, #tpu.memory_space<semaphore_mem>>)
    %dma_wait3A_162 = arith.constant 0 : i32
    %dma_wait3A_163 = tpu.memref_slice %arg4[%add3A_157, %dma_wait3A_162] : memref<409600x128xf32, #tpu.memory_space<hbm>> -> memref<320x128xf32, #tpu.memory_space<hbm>>
    %dma_wait3A_164 = arith.constant 0 : i32
    %dma_wait3A_165 = tpu.memref_slice %arg4[%add3A_157, %dma_wait3A_164] : memref<409600x128xf32, #tpu.memory_space<hbm>> -> memref<320x128xf32, #tpu.memory_space<hbm>>
    tpu.wait_dma2 semaphore(%arg11 : memref<!tpu.dma_semaphore, #tpu.memory_space<semaphore_mem>>) src(%arg7 : memref<320x128xf32, #tpu.memory_space<vmem>>) dst(%dma_wait3A_165 : memref<320x128xf32, #tpu.memory_space<hbm>>)
    %dma_start3A_166 = arith.constant 2880 : i32
    %dma_start3A_167 = tpu.memref_slice %arg5[%dma_start3A_166] : memref<12800xi32, #tpu.memory_space<vmem>> -> memref<320xi32, #tpu.memory_space<vmem>>
    %dma_start3A_168 = arith.constant 0 : i32
    %dma_start3A_169 = arith.constant 0 : i32
    %dma_start3A_170 = tpu.memref_slice %arg3[%dma_start3A_168, %dma_start3A_169] : memref<40000x128xf32, #tpu.memory_space<hbm>> -> memref<40000x128xf32, #tpu.memory_space<hbm>>
    tpu.enqueue_indirect_dma source(%dma_start3A_170 : memref<40000x128xf32, #tpu.memory_space<hbm>>) target(%arg7 : memref<320x128xf32, #tpu.memory_space<vmem>>) offsets(%dma_start3A_167 : memref<320xi32, #tpu.memory_space<vmem>>) semaphore(%arg9 : memref<!tpu.dma_semaphore, #tpu.memory_space<semaphore_mem>>)
    %dma_wait3A_171 = arith.constant 2560 : i32
    %dma_wait3A_172 = tpu.memref_slice %arg5[%dma_wait3A_171] : memref<12800xi32, #tpu.memory_space<vmem>> -> memref<320xi32, #tpu.memory_space<vmem>>
    %dma_wait3A_173 = arith.constant 0 : i32
    %dma_wait3A_174 = arith.constant 0 : i32
    %dma_wait3A_175 = tpu.memref_slice %arg3[%dma_wait3A_173, %dma_wait3A_174] : memref<40000x128xf32, #tpu.memory_space<hbm>> -> memref<40000x128xf32, #tpu.memory_space<hbm>>
    tpu.wait_indirect_dma semaphore(%arg8 : memref<!tpu.dma_semaphore, #tpu.memory_space<semaphore_mem>>) src(%dma_wait3A_175 : memref<40000x128xf32, #tpu.memory_space<hbm>>) dst(%arg6 : memref<320x128xf32, #tpu.memory_space<vmem>>)
    %add3A_176 = arith.constant 2560 : i32
    %add3A_177 = arith.addi %mul3A_2, %add3A_176 : i32
    %dma_start3A_178 = arith.constant 0 : i32
    %dma_start3A_179 = tpu.memref_slice %arg4[%add3A_177, %dma_start3A_178] : memref<409600x128xf32, #tpu.memory_space<hbm>> -> memref<320x128xf32, #tpu.memory_space<hbm>>
    %dma_start3A_180 = arith.constant 0 : i32
    %dma_start3A_181 = tpu.memref_slice %arg4[%add3A_177, %dma_start3A_180] : memref<409600x128xf32, #tpu.memory_space<hbm>> -> memref<320x128xf32, #tpu.memory_space<hbm>>
    tpu.enqueue_dma source(%arg6 : memref<320x128xf32, #tpu.memory_space<vmem>>) target(%dma_start3A_181 : memref<320x128xf32, #tpu.memory_space<hbm>>) target_semaphore(%arg10 : memref<!tpu.dma_semaphore, #tpu.memory_space<semaphore_mem>>)
    %dma_wait3A_182 = arith.constant 0 : i32
    %dma_wait3A_183 = tpu.memref_slice %arg4[%add3A_177, %dma_wait3A_182] : memref<409600x128xf32, #tpu.memory_space<hbm>> -> memref<320x128xf32, #tpu.memory_space<hbm>>
    %dma_wait3A_184 = arith.constant 0 : i32
    %dma_wait3A_185 = tpu.memref_slice %arg4[%add3A_177, %dma_wait3A_184] : memref<409600x128xf32, #tpu.memory_space<hbm>> -> memref<320x128xf32, #tpu.memory_space<hbm>>
    tpu.wait_dma2 semaphore(%arg10 : memref<!tpu.dma_semaphore, #tpu.memory_space<semaphore_mem>>) src(%arg6 : memref<320x128xf32, #tpu.memory_space<vmem>>) dst(%dma_wait3A_185 : memref<320x128xf32, #tpu.memory_space<hbm>>)
    %dma_start3A_186 = arith.constant 3200 : i32
    %dma_start3A_187 = tpu.memref_slice %arg5[%dma_start3A_186] : memref<12800xi32, #tpu.memory_space<vmem>> -> memref<320xi32, #tpu.memory_space<vmem>>
    %dma_start3A_188 = arith.constant 0 : i32
    %dma_start3A_189 = arith.constant 0 : i32
    %dma_start3A_190 = tpu.memref_slice %arg3[%dma_start3A_188, %dma_start3A_189] : memref<40000x128xf32, #tpu.memory_space<hbm>> -> memref<40000x128xf32, #tpu.memory_space<hbm>>
    tpu.enqueue_indirect_dma source(%dma_start3A_190 : memref<40000x128xf32, #tpu.memory_space<hbm>>) target(%arg6 : memref<320x128xf32, #tpu.memory_space<vmem>>) offsets(%dma_start3A_187 : memref<320xi32, #tpu.memory_space<vmem>>) semaphore(%arg8 : memref<!tpu.dma_semaphore, #tpu.memory_space<semaphore_mem>>)
    %dma_wait3A_191 = arith.constant 2880 : i32
    %dma_wait3A_192 = tpu.memref_slice %arg5[%dma_wait3A_191] : memref<12800xi32, #tpu.memory_space<vmem>> -> memref<320xi32, #tpu.memory_space<vmem>>
    %dma_wait3A_193 = arith.constant 0 : i32
    %dma_wait3A_194 = arith.constant 0 : i32
    %dma_wait3A_195 = tpu.memref_slice %arg3[%dma_wait3A_193, %dma_wait3A_194] : memref<40000x128xf32, #tpu.memory_space<hbm>> -> memref<40000x128xf32, #tpu.memory_space<hbm>>
    tpu.wait_indirect_dma semaphore(%arg9 : memref<!tpu.dma_semaphore, #tpu.memory_space<semaphore_mem>>) src(%dma_wait3A_195 : memref<40000x128xf32, #tpu.memory_space<hbm>>) dst(%arg7 : memref<320x128xf32, #tpu.memory_space<vmem>>)
    %add3A_196 = arith.constant 2880 : i32
    %add3A_197 = arith.addi %mul3A_2, %add3A_196 : i32
    %dma_start3A_198 = arith.constant 0 : i32
    %dma_start3A_199 = tpu.memref_slice %arg4[%add3A_197, %dma_start3A_198] : memref<409600x128xf32, #tpu.memory_space<hbm>> -> memref<320x128xf32, #tpu.memory_space<hbm>>
    %dma_start3A_200 = arith.constant 0 : i32
    %dma_start3A_201 = tpu.memref_slice %arg4[%add3A_197, %dma_start3A_200] : memref<409600x128xf32, #tpu.memory_space<hbm>> -> memref<320x128xf32, #tpu.memory_space<hbm>>
    tpu.enqueue_dma source(%arg7 : memref<320x128xf32, #tpu.memory_space<vmem>>) target(%dma_start3A_201 : memref<320x128xf32, #tpu.memory_space<hbm>>) target_semaphore(%arg11 : memref<!tpu.dma_semaphore, #tpu.memory_space<semaphore_mem>>)
    %dma_wait3A_202 = arith.constant 0 : i32
    %dma_wait3A_203 = tpu.memref_slice %arg4[%add3A_197, %dma_wait3A_202] : memref<409600x128xf32, #tpu.memory_space<hbm>> -> memref<320x128xf32, #tpu.memory_space<hbm>>
    %dma_wait3A_204 = arith.constant 0 : i32
    %dma_wait3A_205 = tpu.memref_slice %arg4[%add3A_197, %dma_wait3A_204] : memref<409600x128xf32, #tpu.memory_space<hbm>> -> memref<320x128xf32, #tpu.memory_space<hbm>>
    tpu.wait_dma2 semaphore(%arg11 : memref<!tpu.dma_semaphore, #tpu.memory_space<semaphore_mem>>) src(%arg7 : memref<320x128xf32, #tpu.memory_space<vmem>>) dst(%dma_wait3A_205 : memref<320x128xf32, #tpu.memory_space<hbm>>)
    %dma_start3A_206 = arith.constant 3520 : i32
    %dma_start3A_207 = tpu.memref_slice %arg5[%dma_start3A_206] : memref<12800xi32, #tpu.memory_space<vmem>> -> memref<320xi32, #tpu.memory_space<vmem>>
    %dma_start3A_208 = arith.constant 0 : i32
    %dma_start3A_209 = arith.constant 0 : i32
    %dma_start3A_210 = tpu.memref_slice %arg3[%dma_start3A_208, %dma_start3A_209] : memref<40000x128xf32, #tpu.memory_space<hbm>> -> memref<40000x128xf32, #tpu.memory_space<hbm>>
    tpu.enqueue_indirect_dma source(%dma_start3A_210 : memref<40000x128xf32, #tpu.memory_space<hbm>>) target(%arg7 : memref<320x128xf32, #tpu.memory_space<vmem>>) offsets(%dma_start3A_207 : memref<320xi32, #tpu.memory_space<vmem>>) semaphore(%arg9 : memref<!tpu.dma_semaphore, #tpu.memory_space<semaphore_mem>>)
    %dma_wait3A_211 = arith.constant 3200 : i32
    %dma_wait3A_212 = tpu.memref_slice %arg5[%dma_wait3A_211] : memref<12800xi32, #tpu.memory_space<vmem>> -> memref<320xi32, #tpu.memory_space<vmem>>
    %dma_wait3A_213 = arith.constant 0 : i32
    %dma_wait3A_214 = arith.constant 0 : i32
    %dma_wait3A_215 = tpu.memref_slice %arg3[%dma_wait3A_213, %dma_wait3A_214] : memref<40000x128xf32, #tpu.memory_space<hbm>> -> memref<40000x128xf32, #tpu.memory_space<hbm>>
    tpu.wait_indirect_dma semaphore(%arg8 : memref<!tpu.dma_semaphore, #tpu.memory_space<semaphore_mem>>) src(%dma_wait3A_215 : memref<40000x128xf32, #tpu.memory_space<hbm>>) dst(%arg6 : memref<320x128xf32, #tpu.memory_space<vmem>>)
    %add3A_216 = arith.constant 3200 : i32
    %add3A_217 = arith.addi %mul3A_2, %add3A_216 : i32
    %dma_start3A_218 = arith.constant 0 : i32
    %dma_start3A_219 = tpu.memref_slice %arg4[%add3A_217, %dma_start3A_218] : memref<409600x128xf32, #tpu.memory_space<hbm>> -> memref<320x128xf32, #tpu.memory_space<hbm>>
    %dma_start3A_220 = arith.constant 0 : i32
    %dma_start3A_221 = tpu.memref_slice %arg4[%add3A_217, %dma_start3A_220] : memref<409600x128xf32, #tpu.memory_space<hbm>> -> memref<320x128xf32, #tpu.memory_space<hbm>>
    tpu.enqueue_dma source(%arg6 : memref<320x128xf32, #tpu.memory_space<vmem>>) target(%dma_start3A_221 : memref<320x128xf32, #tpu.memory_space<hbm>>) target_semaphore(%arg10 : memref<!tpu.dma_semaphore, #tpu.memory_space<semaphore_mem>>)
    %dma_wait3A_222 = arith.constant 0 : i32
    %dma_wait3A_223 = tpu.memref_slice %arg4[%add3A_217, %dma_wait3A_222] : memref<409600x128xf32, #tpu.memory_space<hbm>> -> memref<320x128xf32, #tpu.memory_space<hbm>>
    %dma_wait3A_224 = arith.constant 0 : i32
    %dma_wait3A_225 = tpu.memref_slice %arg4[%add3A_217, %dma_wait3A_224] : memref<409600x128xf32, #tpu.memory_space<hbm>> -> memref<320x128xf32, #tpu.memory_space<hbm>>
    tpu.wait_dma2 semaphore(%arg10 : memref<!tpu.dma_semaphore, #tpu.memory_space<semaphore_mem>>) src(%arg6 : memref<320x128xf32, #tpu.memory_space<vmem>>) dst(%dma_wait3A_225 : memref<320x128xf32, #tpu.memory_space<hbm>>)
    %dma_start3A_226 = arith.constant 3840 : i32
    %dma_start3A_227 = tpu.memref_slice %arg5[%dma_start3A_226] : memref<12800xi32, #tpu.memory_space<vmem>> -> memref<320xi32, #tpu.memory_space<vmem>>
    %dma_start3A_228 = arith.constant 0 : i32
    %dma_start3A_229 = arith.constant 0 : i32
    %dma_start3A_230 = tpu.memref_slice %arg3[%dma_start3A_228, %dma_start3A_229] : memref<40000x128xf32, #tpu.memory_space<hbm>> -> memref<40000x128xf32, #tpu.memory_space<hbm>>
    tpu.enqueue_indirect_dma source(%dma_start3A_230 : memref<40000x128xf32, #tpu.memory_space<hbm>>) target(%arg6 : memref<320x128xf32, #tpu.memory_space<vmem>>) offsets(%dma_start3A_227 : memref<320xi32, #tpu.memory_space<vmem>>) semaphore(%arg8 : memref<!tpu.dma_semaphore, #tpu.memory_space<semaphore_mem>>)
    %dma_wait3A_231 = arith.constant 3520 : i32
    %dma_wait3A_232 = tpu.memref_slice %arg5[%dma_wait3A_231] : memref<12800xi32, #tpu.memory_space<vmem>> -> memref<320xi32, #tpu.memory_space<vmem>>
    %dma_wait3A_233 = arith.constant 0 : i32
    %dma_wait3A_234 = arith.constant 0 : i32
    %dma_wait3A_235 = tpu.memref_slice %arg3[%dma_wait3A_233, %dma_wait3A_234] : memref<40000x128xf32, #tpu.memory_space<hbm>> -> memref<40000x128xf32, #tpu.memory_space<hbm>>
    tpu.wait_indirect_dma semaphore(%arg9 : memref<!tpu.dma_semaphore, #tpu.memory_space<semaphore_mem>>) src(%dma_wait3A_235 : memref<40000x128xf32, #tpu.memory_space<hbm>>) dst(%arg7 : memref<320x128xf32, #tpu.memory_space<vmem>>)
    %add3A_236 = arith.constant 3520 : i32
    %add3A_237 = arith.addi %mul3A_2, %add3A_236 : i32
    %dma_start3A_238 = arith.constant 0 : i32
    %dma_start3A_239 = tpu.memref_slice %arg4[%add3A_237, %dma_start3A_238] : memref<409600x128xf32, #tpu.memory_space<hbm>> -> memref<320x128xf32, #tpu.memory_space<hbm>>
    %dma_start3A_240 = arith.constant 0 : i32
    %dma_start3A_241 = tpu.memref_slice %arg4[%add3A_237, %dma_start3A_240] : memref<409600x128xf32, #tpu.memory_space<hbm>> -> memref<320x128xf32, #tpu.memory_space<hbm>>
    tpu.enqueue_dma source(%arg7 : memref<320x128xf32, #tpu.memory_space<vmem>>) target(%dma_start3A_241 : memref<320x128xf32, #tpu.memory_space<hbm>>) target_semaphore(%arg11 : memref<!tpu.dma_semaphore, #tpu.memory_space<semaphore_mem>>)
    %dma_wait3A_242 = arith.constant 0 : i32
    %dma_wait3A_243 = tpu.memref_slice %arg4[%add3A_237, %dma_wait3A_242] : memref<409600x128xf32, #tpu.memory_space<hbm>> -> memref<320x128xf32, #tpu.memory_space<hbm>>
    %dma_wait3A_244 = arith.constant 0 : i32
    %dma_wait3A_245 = tpu.memref_slice %arg4[%add3A_237, %dma_wait3A_244] : memref<409600x128xf32, #tpu.memory_space<hbm>> -> memref<320x128xf32, #tpu.memory_space<hbm>>
    tpu.wait_dma2 semaphore(%arg11 : memref<!tpu.dma_semaphore, #tpu.memory_space<semaphore_mem>>) src(%arg7 : memref<320x128xf32, #tpu.memory_space<vmem>>) dst(%dma_wait3A_245 : memref<320x128xf32, #tpu.memory_space<hbm>>)
    %dma_start3A_246 = arith.constant 4160 : i32
    %dma_start3A_247 = tpu.memref_slice %arg5[%dma_start3A_246] : memref<12800xi32, #tpu.memory_space<vmem>> -> memref<320xi32, #tpu.memory_space<vmem>>
    %dma_start3A_248 = arith.constant 0 : i32
    %dma_start3A_249 = arith.constant 0 : i32
    %dma_start3A_250 = tpu.memref_slice %arg3[%dma_start3A_248, %dma_start3A_249] : memref<40000x128xf32, #tpu.memory_space<hbm>> -> memref<40000x128xf32, #tpu.memory_space<hbm>>
    tpu.enqueue_indirect_dma source(%dma_start3A_250 : memref<40000x128xf32, #tpu.memory_space<hbm>>) target(%arg7 : memref<320x128xf32, #tpu.memory_space<vmem>>) offsets(%dma_start3A_247 : memref<320xi32, #tpu.memory_space<vmem>>) semaphore(%arg9 : memref<!tpu.dma_semaphore, #tpu.memory_space<semaphore_mem>>)
    %dma_wait3A_251 = arith.constant 3840 : i32
    %dma_wait3A_252 = tpu.memref_slice %arg5[%dma_wait3A_251] : memref<12800xi32, #tpu.memory_space<vmem>> -> memref<320xi32, #tpu.memory_space<vmem>>
    %dma_wait3A_253 = arith.constant 0 : i32
    %dma_wait3A_254 = arith.constant 0 : i32
    %dma_wait3A_255 = tpu.memref_slice %arg3[%dma_wait3A_253, %dma_wait3A_254] : memref<40000x128xf32, #tpu.memory_space<hbm>> -> memref<40000x128xf32, #tpu.memory_space<hbm>>
    tpu.wait_indirect_dma semaphore(%arg8 : memref<!tpu.dma_semaphore, #tpu.memory_space<semaphore_mem>>) src(%dma_wait3A_255 : memref<40000x128xf32, #tpu.memory_space<hbm>>) dst(%arg6 : memref<320x128xf32, #tpu.memory_space<vmem>>)
    %add3A_256 = arith.constant 3840 : i32
    %add3A_257 = arith.addi %mul3A_2, %add3A_256 : i32
    %dma_start3A_258 = arith.constant 0 : i32
    %dma_start3A_259 = tpu.memref_slice %arg4[%add3A_257, %dma_start3A_258] : memref<409600x128xf32, #tpu.memory_space<hbm>> -> memref<320x128xf32, #tpu.memory_space<hbm>>
    %dma_start3A_260 = arith.constant 0 : i32
    %dma_start3A_261 = tpu.memref_slice %arg4[%add3A_257, %dma_start3A_260] : memref<409600x128xf32, #tpu.memory_space<hbm>> -> memref<320x128xf32, #tpu.memory_space<hbm>>
    tpu.enqueue_dma source(%arg6 : memref<320x128xf32, #tpu.memory_space<vmem>>) target(%dma_start3A_261 : memref<320x128xf32, #tpu.memory_space<hbm>>) target_semaphore(%arg10 : memref<!tpu.dma_semaphore, #tpu.memory_space<semaphore_mem>>)
    %dma_wait3A_262 = arith.constant 0 : i32
    %dma_wait3A_263 = tpu.memref_slice %arg4[%add3A_257, %dma_wait3A_262] : memref<409600x128xf32, #tpu.memory_space<hbm>> -> memref<320x128xf32, #tpu.memory_space<hbm>>
    %dma_wait3A_264 = arith.constant 0 : i32
    %dma_wait3A_265 = tpu.memref_slice %arg4[%add3A_257, %dma_wait3A_264] : memref<409600x128xf32, #tpu.memory_space<hbm>> -> memref<320x128xf32, #tpu.memory_space<hbm>>
    tpu.wait_dma2 semaphore(%arg10 : memref<!tpu.dma_semaphore, #tpu.memory_space<semaphore_mem>>) src(%arg6 : memref<320x128xf32, #tpu.memory_space<vmem>>) dst(%dma_wait3A_265 : memref<320x128xf32, #tpu.memory_space<hbm>>)
    %dma_start3A_266 = arith.constant 4480 : i32
    %dma_start3A_267 = tpu.memref_slice %arg5[%dma_start3A_266] : memref<12800xi32, #tpu.memory_space<vmem>> -> memref<320xi32, #tpu.memory_space<vmem>>
    %dma_start3A_268 = arith.constant 0 : i32
    %dma_start3A_269 = arith.constant 0 : i32
    %dma_start3A_270 = tpu.memref_slice %arg3[%dma_start3A_268, %dma_start3A_269] : memref<40000x128xf32, #tpu.memory_space<hbm>> -> memref<40000x128xf32, #tpu.memory_space<hbm>>
    tpu.enqueue_indirect_dma source(%dma_start3A_270 : memref<40000x128xf32, #tpu.memory_space<hbm>>) target(%arg6 : memref<320x128xf32, #tpu.memory_space<vmem>>) offsets(%dma_start3A_267 : memref<320xi32, #tpu.memory_space<vmem>>) semaphore(%arg8 : memref<!tpu.dma_semaphore, #tpu.memory_space<semaphore_mem>>)
    %dma_wait3A_271 = arith.constant 4160 : i32
    %dma_wait3A_272 = tpu.memref_slice %arg5[%dma_wait3A_271] : memref<12800xi32, #tpu.memory_space<vmem>> -> memref<320xi32, #tpu.memory_space<vmem>>
    %dma_wait3A_273 = arith.constant 0 : i32
    %dma_wait3A_274 = arith.constant 0 : i32
    %dma_wait3A_275 = tpu.memref_slice %arg3[%dma_wait3A_273, %dma_wait3A_274] : memref<40000x128xf32, #tpu.memory_space<hbm>> -> memref<40000x128xf32, #tpu.memory_space<hbm>>
    tpu.wait_indirect_dma semaphore(%arg9 : memref<!tpu.dma_semaphore, #tpu.memory_space<semaphore_mem>>) src(%dma_wait3A_275 : memref<40000x128xf32, #tpu.memory_space<hbm>>) dst(%arg7 : memref<320x128xf32, #tpu.memory_space<vmem>>)
    %add3A_276 = arith.constant 4160 : i32
    %add3A_277 = arith.addi %mul3A_2, %add3A_276 : i32
    %dma_start3A_278 = arith.constant 0 : i32
    %dma_start3A_279 = tpu.memref_slice %arg4[%add3A_277, %dma_start3A_278] : memref<409600x128xf32, #tpu.memory_space<hbm>> -> memref<320x128xf32, #tpu.memory_space<hbm>>
    %dma_start3A_280 = arith.constant 0 : i32
    %dma_start3A_281 = tpu.memref_slice %arg4[%add3A_277, %dma_start3A_280] : memref<409600x128xf32, #tpu.memory_space<hbm>> -> memref<320x128xf32, #tpu.memory_space<hbm>>
    tpu.enqueue_dma source(%arg7 : memref<320x128xf32, #tpu.memory_space<vmem>>) target(%dma_start3A_281 : memref<320x128xf32, #tpu.memory_space<hbm>>) target_semaphore(%arg11 : memref<!tpu.dma_semaphore, #tpu.memory_space<semaphore_mem>>)
    %dma_wait3A_282 = arith.constant 0 : i32
    %dma_wait3A_283 = tpu.memref_slice %arg4[%add3A_277, %dma_wait3A_282] : memref<409600x128xf32, #tpu.memory_space<hbm>> -> memref<320x128xf32, #tpu.memory_space<hbm>>
    %dma_wait3A_284 = arith.constant 0 : i32
    %dma_wait3A_285 = tpu.memref_slice %arg4[%add3A_277, %dma_wait3A_284] : memref<409600x128xf32, #tpu.memory_space<hbm>> -> memref<320x128xf32, #tpu.memory_space<hbm>>
    tpu.wait_dma2 semaphore(%arg11 : memref<!tpu.dma_semaphore, #tpu.memory_space<semaphore_mem>>) src(%arg7 : memref<320x128xf32, #tpu.memory_space<vmem>>) dst(%dma_wait3A_285 : memref<320x128xf32, #tpu.memory_space<hbm>>)
    %dma_start3A_286 = arith.constant 4800 : i32
    %dma_start3A_287 = tpu.memref_slice %arg5[%dma_start3A_286] : memref<12800xi32, #tpu.memory_space<vmem>> -> memref<320xi32, #tpu.memory_space<vmem>>
    %dma_start3A_288 = arith.constant 0 : i32
    %dma_start3A_289 = arith.constant 0 : i32
    %dma_start3A_290 = tpu.memref_slice %arg3[%dma_start3A_288, %dma_start3A_289] : memref<40000x128xf32, #tpu.memory_space<hbm>> -> memref<40000x128xf32, #tpu.memory_space<hbm>>
    tpu.enqueue_indirect_dma source(%dma_start3A_290 : memref<40000x128xf32, #tpu.memory_space<hbm>>) target(%arg7 : memref<320x128xf32, #tpu.memory_space<vmem>>) offsets(%dma_start3A_287 : memref<320xi32, #tpu.memory_space<vmem>>) semaphore(%arg9 : memref<!tpu.dma_semaphore, #tpu.memory_space<semaphore_mem>>)
    %dma_wait3A_291 = arith.constant 4480 : i32
    %dma_wait3A_292 = tpu.memref_slice %arg5[%dma_wait3A_291] : memref<12800xi32, #tpu.memory_space<vmem>> -> memref<320xi32, #tpu.memory_space<vmem>>
    %dma_wait3A_293 = arith.constant 0 : i32
    %dma_wait3A_294 = arith.constant 0 : i32
    %dma_wait3A_295 = tpu.memref_slice %arg3[%dma_wait3A_293, %dma_wait3A_294] : memref<40000x128xf32, #tpu.memory_space<hbm>> -> memref<40000x128xf32, #tpu.memory_space<hbm>>
    tpu.wait_indirect_dma semaphore(%arg8 : memref<!tpu.dma_semaphore, #tpu.memory_space<semaphore_mem>>) src(%dma_wait3A_295 : memref<40000x128xf32, #tpu.memory_space<hbm>>) dst(%arg6 : memref<320x128xf32, #tpu.memory_space<vmem>>)
    %add3A_296 = arith.constant 4480 : i32
    %add3A_297 = arith.addi %mul3A_2, %add3A_296 : i32
    %dma_start3A_298 = arith.constant 0 : i32
    %dma_start3A_299 = tpu.memref_slice %arg4[%add3A_297, %dma_start3A_298] : memref<409600x128xf32, #tpu.memory_space<hbm>> -> memref<320x128xf32, #tpu.memory_space<hbm>>
    %dma_start3A_300 = arith.constant 0 : i32
    %dma_start3A_301 = tpu.memref_slice %arg4[%add3A_297, %dma_start3A_300] : memref<409600x128xf32, #tpu.memory_space<hbm>> -> memref<320x128xf32, #tpu.memory_space<hbm>>
    tpu.enqueue_dma source(%arg6 : memref<320x128xf32, #tpu.memory_space<vmem>>) target(%dma_start3A_301 : memref<320x128xf32, #tpu.memory_space<hbm>>) target_semaphore(%arg10 : memref<!tpu.dma_semaphore, #tpu.memory_space<semaphore_mem>>)
    %dma_wait3A_302 = arith.constant 0 : i32
    %dma_wait3A_303 = tpu.memref_slice %arg4[%add3A_297, %dma_wait3A_302] : memref<409600x128xf32, #tpu.memory_space<hbm>> -> memref<320x128xf32, #tpu.memory_space<hbm>>
    %dma_wait3A_304 = arith.constant 0 : i32
    %dma_wait3A_305 = tpu.memref_slice %arg4[%add3A_297, %dma_wait3A_304] : memref<409600x128xf32, #tpu.memory_space<hbm>> -> memref<320x128xf32, #tpu.memory_space<hbm>>
    tpu.wait_dma2 semaphore(%arg10 : memref<!tpu.dma_semaphore, #tpu.memory_space<semaphore_mem>>) src(%arg6 : memref<320x128xf32, #tpu.memory_space<vmem>>) dst(%dma_wait3A_305 : memref<320x128xf32, #tpu.memory_space<hbm>>)
    %dma_start3A_306 = arith.constant 5120 : i32
    %dma_start3A_307 = tpu.memref_slice %arg5[%dma_start3A_306] : memref<12800xi32, #tpu.memory_space<vmem>> -> memref<320xi32, #tpu.memory_space<vmem>>
    %dma_start3A_308 = arith.constant 0 : i32
    %dma_start3A_309 = arith.constant 0 : i32
    %dma_start3A_310 = tpu.memref_slice %arg3[%dma_start3A_308, %dma_start3A_309] : memref<40000x128xf32, #tpu.memory_space<hbm>> -> memref<40000x128xf32, #tpu.memory_space<hbm>>
    tpu.enqueue_indirect_dma source(%dma_start3A_310 : memref<40000x128xf32, #tpu.memory_space<hbm>>) target(%arg6 : memref<320x128xf32, #tpu.memory_space<vmem>>) offsets(%dma_start3A_307 : memref<320xi32, #tpu.memory_space<vmem>>) semaphore(%arg8 : memref<!tpu.dma_semaphore, #tpu.memory_space<semaphore_mem>>)
    %dma_wait3A_311 = arith.constant 4800 : i32
    %dma_wait3A_312 = tpu.memref_slice %arg5[%dma_wait3A_311] : memref<12800xi32, #tpu.memory_space<vmem>> -> memref<320xi32, #tpu.memory_space<vmem>>
    %dma_wait3A_313 = arith.constant 0 : i32
    %dma_wait3A_314 = arith.constant 0 : i32
    %dma_wait3A_315 = tpu.memref_slice %arg3[%dma_wait3A_313, %dma_wait3A_314] : memref<40000x128xf32, #tpu.memory_space<hbm>> -> memref<40000x128xf32, #tpu.memory_space<hbm>>
    tpu.wait_indirect_dma semaphore(%arg9 : memref<!tpu.dma_semaphore, #tpu.memory_space<semaphore_mem>>) src(%dma_wait3A_315 : memref<40000x128xf32, #tpu.memory_space<hbm>>) dst(%arg7 : memref<320x128xf32, #tpu.memory_space<vmem>>)
    %add3A_316 = arith.constant 4800 : i32
    %add3A_317 = arith.addi %mul3A_2, %add3A_316 : i32
    %dma_start3A_318 = arith.constant 0 : i32
    %dma_start3A_319 = tpu.memref_slice %arg4[%add3A_317, %dma_start3A_318] : memref<409600x128xf32, #tpu.memory_space<hbm>> -> memref<320x128xf32, #tpu.memory_space<hbm>>
    %dma_start3A_320 = arith.constant 0 : i32
    %dma_start3A_321 = tpu.memref_slice %arg4[%add3A_317, %dma_start3A_320] : memref<409600x128xf32, #tpu.memory_space<hbm>> -> memref<320x128xf32, #tpu.memory_space<hbm>>
    tpu.enqueue_dma source(%arg7 : memref<320x128xf32, #tpu.memory_space<vmem>>) target(%dma_start3A_321 : memref<320x128xf32, #tpu.memory_space<hbm>>) target_semaphore(%arg11 : memref<!tpu.dma_semaphore, #tpu.memory_space<semaphore_mem>>)
    %dma_wait3A_322 = arith.constant 0 : i32
    %dma_wait3A_323 = tpu.memref_slice %arg4[%add3A_317, %dma_wait3A_322] : memref<409600x128xf32, #tpu.memory_space<hbm>> -> memref<320x128xf32, #tpu.memory_space<hbm>>
    %dma_wait3A_324 = arith.constant 0 : i32
    %dma_wait3A_325 = tpu.memref_slice %arg4[%add3A_317, %dma_wait3A_324] : memref<409600x128xf32, #tpu.memory_space<hbm>> -> memref<320x128xf32, #tpu.memory_space<hbm>>
    tpu.wait_dma2 semaphore(%arg11 : memref<!tpu.dma_semaphore, #tpu.memory_space<semaphore_mem>>) src(%arg7 : memref<320x128xf32, #tpu.memory_space<vmem>>) dst(%dma_wait3A_325 : memref<320x128xf32, #tpu.memory_space<hbm>>)
    %dma_start3A_326 = arith.constant 5440 : i32
    %dma_start3A_327 = tpu.memref_slice %arg5[%dma_start3A_326] : memref<12800xi32, #tpu.memory_space<vmem>> -> memref<320xi32, #tpu.memory_space<vmem>>
    %dma_start3A_328 = arith.constant 0 : i32
    %dma_start3A_329 = arith.constant 0 : i32
    %dma_start3A_330 = tpu.memref_slice %arg3[%dma_start3A_328, %dma_start3A_329] : memref<40000x128xf32, #tpu.memory_space<hbm>> -> memref<40000x128xf32, #tpu.memory_space<hbm>>
    tpu.enqueue_indirect_dma source(%dma_start3A_330 : memref<40000x128xf32, #tpu.memory_space<hbm>>) target(%arg7 : memref<320x128xf32, #tpu.memory_space<vmem>>) offsets(%dma_start3A_327 : memref<320xi32, #tpu.memory_space<vmem>>) semaphore(%arg9 : memref<!tpu.dma_semaphore, #tpu.memory_space<semaphore_mem>>)
    %dma_wait3A_331 = arith.constant 5120 : i32
    %dma_wait3A_332 = tpu.memref_slice %arg5[%dma_wait3A_331] : memref<12800xi32, #tpu.memory_space<vmem>> -> memref<320xi32, #tpu.memory_space<vmem>>
    %dma_wait3A_333 = arith.constant 0 : i32
    %dma_wait3A_334 = arith.constant 0 : i32
    %dma_wait3A_335 = tpu.memref_slice %arg3[%dma_wait3A_333, %dma_wait3A_334] : memref<40000x128xf32, #tpu.memory_space<hbm>> -> memref<40000x128xf32, #tpu.memory_space<hbm>>
    tpu.wait_indirect_dma semaphore(%arg8 : memref<!tpu.dma_semaphore, #tpu.memory_space<semaphore_mem>>) src(%dma_wait3A_335 : memref<40000x128xf32, #tpu.memory_space<hbm>>) dst(%arg6 : memref<320x128xf32, #tpu.memory_space<vmem>>)
    %add3A_336 = arith.constant 5120 : i32
    %add3A_337 = arith.addi %mul3A_2, %add3A_336 : i32
    %dma_start3A_338 = arith.constant 0 : i32
    %dma_start3A_339 = tpu.memref_slice %arg4[%add3A_337, %dma_start3A_338] : memref<409600x128xf32, #tpu.memory_space<hbm>> -> memref<320x128xf32, #tpu.memory_space<hbm>>
    %dma_start3A_340 = arith.constant 0 : i32
    %dma_start3A_341 = tpu.memref_slice %arg4[%add3A_337, %dma_start3A_340] : memref<409600x128xf32, #tpu.memory_space<hbm>> -> memref<320x128xf32, #tpu.memory_space<hbm>>
    tpu.enqueue_dma source(%arg6 : memref<320x128xf32, #tpu.memory_space<vmem>>) target(%dma_start3A_341 : memref<320x128xf32, #tpu.memory_space<hbm>>) target_semaphore(%arg10 : memref<!tpu.dma_semaphore, #tpu.memory_space<semaphore_mem>>)
    %dma_wait3A_342 = arith.constant 0 : i32
    %dma_wait3A_343 = tpu.memref_slice %arg4[%add3A_337, %dma_wait3A_342] : memref<409600x128xf32, #tpu.memory_space<hbm>> -> memref<320x128xf32, #tpu.memory_space<hbm>>
    %dma_wait3A_344 = arith.constant 0 : i32
    %dma_wait3A_345 = tpu.memref_slice %arg4[%add3A_337, %dma_wait3A_344] : memref<409600x128xf32, #tpu.memory_space<hbm>> -> memref<320x128xf32, #tpu.memory_space<hbm>>
    tpu.wait_dma2 semaphore(%arg10 : memref<!tpu.dma_semaphore, #tpu.memory_space<semaphore_mem>>) src(%arg6 : memref<320x128xf32, #tpu.memory_space<vmem>>) dst(%dma_wait3A_345 : memref<320x128xf32, #tpu.memory_space<hbm>>)
    %dma_start3A_346 = arith.constant 5760 : i32
    %dma_start3A_347 = tpu.memref_slice %arg5[%dma_start3A_346] : memref<12800xi32, #tpu.memory_space<vmem>> -> memref<320xi32, #tpu.memory_space<vmem>>
    %dma_start3A_348 = arith.constant 0 : i32
    %dma_start3A_349 = arith.constant 0 : i32
    %dma_start3A_350 = tpu.memref_slice %arg3[%dma_start3A_348, %dma_start3A_349] : memref<40000x128xf32, #tpu.memory_space<hbm>> -> memref<40000x128xf32, #tpu.memory_space<hbm>>
    tpu.enqueue_indirect_dma source(%dma_start3A_350 : memref<40000x128xf32, #tpu.memory_space<hbm>>) target(%arg6 : memref<320x128xf32, #tpu.memory_space<vmem>>) offsets(%dma_start3A_347 : memref<320xi32, #tpu.memory_space<vmem>>) semaphore(%arg8 : memref<!tpu.dma_semaphore, #tpu.memory_space<semaphore_mem>>)
    %dma_wait3A_351 = arith.constant 5440 : i32
    %dma_wait3A_352 = tpu.memref_slice %arg5[%dma_wait3A_351] : memref<12800xi32, #tpu.memory_space<vmem>> -> memref<320xi32, #tpu.memory_space<vmem>>
    %dma_wait3A_353 = arith.constant 0 : i32
    %dma_wait3A_354 = arith.constant 0 : i32
    %dma_wait3A_355 = tpu.memref_slice %arg3[%dma_wait3A_353, %dma_wait3A_354] : memref<40000x128xf32, #tpu.memory_space<hbm>> -> memref<40000x128xf32, #tpu.memory_space<hbm>>
    tpu.wait_indirect_dma semaphore(%arg9 : memref<!tpu.dma_semaphore, #tpu.memory_space<semaphore_mem>>) src(%dma_wait3A_355 : memref<40000x128xf32, #tpu.memory_space<hbm>>) dst(%arg7 : memref<320x128xf32, #tpu.memory_space<vmem>>)
    %add3A_356 = arith.constant 5440 : i32
    %add3A_357 = arith.addi %mul3A_2, %add3A_356 : i32
    %dma_start3A_358 = arith.constant 0 : i32
    %dma_start3A_359 = tpu.memref_slice %arg4[%add3A_357, %dma_start3A_358] : memref<409600x128xf32, #tpu.memory_space<hbm>> -> memref<320x128xf32, #tpu.memory_space<hbm>>
    %dma_start3A_360 = arith.constant 0 : i32
    %dma_start3A_361 = tpu.memref_slice %arg4[%add3A_357, %dma_start3A_360] : memref<409600x128xf32, #tpu.memory_space<hbm>> -> memref<320x128xf32, #tpu.memory_space<hbm>>
    tpu.enqueue_dma source(%arg7 : memref<320x128xf32, #tpu.memory_space<vmem>>) target(%dma_start3A_361 : memref<320x128xf32, #tpu.memory_space<hbm>>) target_semaphore(%arg11 : memref<!tpu.dma_semaphore, #tpu.memory_space<semaphore_mem>>)
    %dma_wait3A_362 = arith.constant 0 : i32
    %dma_wait3A_363 = tpu.memref_slice %arg4[%add3A_357, %dma_wait3A_362] : memref<409600x128xf32, #tpu.memory_space<hbm>> -> memref<320x128xf32, #tpu.memory_space<hbm>>
    %dma_wait3A_364 = arith.constant 0 : i32
    %dma_wait3A_365 = tpu.memref_slice %arg4[%add3A_357, %dma_wait3A_364] : memref<409600x128xf32, #tpu.memory_space<hbm>> -> memref<320x128xf32, #tpu.memory_space<hbm>>
    tpu.wait_dma2 semaphore(%arg11 : memref<!tpu.dma_semaphore, #tpu.memory_space<semaphore_mem>>) src(%arg7 : memref<320x128xf32, #tpu.memory_space<vmem>>) dst(%dma_wait3A_365 : memref<320x128xf32, #tpu.memory_space<hbm>>)
    %dma_start3A_366 = arith.constant 6080 : i32
    %dma_start3A_367 = tpu.memref_slice %arg5[%dma_start3A_366] : memref<12800xi32, #tpu.memory_space<vmem>> -> memref<320xi32, #tpu.memory_space<vmem>>
    %dma_start3A_368 = arith.constant 0 : i32
    %dma_start3A_369 = arith.constant 0 : i32
    %dma_start3A_370 = tpu.memref_slice %arg3[%dma_start3A_368, %dma_start3A_369] : memref<40000x128xf32, #tpu.memory_space<hbm>> -> memref<40000x128xf32, #tpu.memory_space<hbm>>
    tpu.enqueue_indirect_dma source(%dma_start3A_370 : memref<40000x128xf32, #tpu.memory_space<hbm>>) target(%arg7 : memref<320x128xf32, #tpu.memory_space<vmem>>) offsets(%dma_start3A_367 : memref<320xi32, #tpu.memory_space<vmem>>) semaphore(%arg9 : memref<!tpu.dma_semaphore, #tpu.memory_space<semaphore_mem>>)
    %dma_wait3A_371 = arith.constant 5760 : i32
    %dma_wait3A_372 = tpu.memref_slice %arg5[%dma_wait3A_371] : memref<12800xi32, #tpu.memory_space<vmem>> -> memref<320xi32, #tpu.memory_space<vmem>>
    %dma_wait3A_373 = arith.constant 0 : i32
    %dma_wait3A_374 = arith.constant 0 : i32
    %dma_wait3A_375 = tpu.memref_slice %arg3[%dma_wait3A_373, %dma_wait3A_374] : memref<40000x128xf32, #tpu.memory_space<hbm>> -> memref<40000x128xf32, #tpu.memory_space<hbm>>
    tpu.wait_indirect_dma semaphore(%arg8 : memref<!tpu.dma_semaphore, #tpu.memory_space<semaphore_mem>>) src(%dma_wait3A_375 : memref<40000x128xf32, #tpu.memory_space<hbm>>) dst(%arg6 : memref<320x128xf32, #tpu.memory_space<vmem>>)
    %add3A_376 = arith.constant 5760 : i32
    %add3A_377 = arith.addi %mul3A_2, %add3A_376 : i32
    %dma_start3A_378 = arith.constant 0 : i32
    %dma_start3A_379 = tpu.memref_slice %arg4[%add3A_377, %dma_start3A_378] : memref<409600x128xf32, #tpu.memory_space<hbm>> -> memref<320x128xf32, #tpu.memory_space<hbm>>
    %dma_start3A_380 = arith.constant 0 : i32
    %dma_start3A_381 = tpu.memref_slice %arg4[%add3A_377, %dma_start3A_380] : memref<409600x128xf32, #tpu.memory_space<hbm>> -> memref<320x128xf32, #tpu.memory_space<hbm>>
    tpu.enqueue_dma source(%arg6 : memref<320x128xf32, #tpu.memory_space<vmem>>) target(%dma_start3A_381 : memref<320x128xf32, #tpu.memory_space<hbm>>) target_semaphore(%arg10 : memref<!tpu.dma_semaphore, #tpu.memory_space<semaphore_mem>>)
    %dma_wait3A_382 = arith.constant 0 : i32
    %dma_wait3A_383 = tpu.memref_slice %arg4[%add3A_377, %dma_wait3A_382] : memref<409600x128xf32, #tpu.memory_space<hbm>> -> memref<320x128xf32, #tpu.memory_space<hbm>>
    %dma_wait3A_384 = arith.constant 0 : i32
    %dma_wait3A_385 = tpu.memref_slice %arg4[%add3A_377, %dma_wait3A_384] : memref<409600x128xf32, #tpu.memory_space<hbm>> -> memref<320x128xf32, #tpu.memory_space<hbm>>
    tpu.wait_dma2 semaphore(%arg10 : memref<!tpu.dma_semaphore, #tpu.memory_space<semaphore_mem>>) src(%arg6 : memref<320x128xf32, #tpu.memory_space<vmem>>) dst(%dma_wait3A_385 : memref<320x128xf32, #tpu.memory_space<hbm>>)
    %dma_start3A_386 = arith.constant 6400 : i32
    %dma_start3A_387 = tpu.memref_slice %arg5[%dma_start3A_386] : memref<12800xi32, #tpu.memory_space<vmem>> -> memref<320xi32, #tpu.memory_space<vmem>>
    %dma_start3A_388 = arith.constant 0 : i32
    %dma_start3A_389 = arith.constant 0 : i32
    %dma_start3A_390 = tpu.memref_slice %arg3[%dma_start3A_388, %dma_start3A_389] : memref<40000x128xf32, #tpu.memory_space<hbm>> -> memref<40000x128xf32, #tpu.memory_space<hbm>>
    tpu.enqueue_indirect_dma source(%dma_start3A_390 : memref<40000x128xf32, #tpu.memory_space<hbm>>) target(%arg6 : memref<320x128xf32, #tpu.memory_space<vmem>>) offsets(%dma_start3A_387 : memref<320xi32, #tpu.memory_space<vmem>>) semaphore(%arg8 : memref<!tpu.dma_semaphore, #tpu.memory_space<semaphore_mem>>)
    %dma_wait3A_391 = arith.constant 6080 : i32
    %dma_wait3A_392 = tpu.memref_slice %arg5[%dma_wait3A_391] : memref<12800xi32, #tpu.memory_space<vmem>> -> memref<320xi32, #tpu.memory_space<vmem>>
    %dma_wait3A_393 = arith.constant 0 : i32
    %dma_wait3A_394 = arith.constant 0 : i32
    %dma_wait3A_395 = tpu.memref_slice %arg3[%dma_wait3A_393, %dma_wait3A_394] : memref<40000x128xf32, #tpu.memory_space<hbm>> -> memref<40000x128xf32, #tpu.memory_space<hbm>>
    tpu.wait_indirect_dma semaphore(%arg9 : memref<!tpu.dma_semaphore, #tpu.memory_space<semaphore_mem>>) src(%dma_wait3A_395 : memref<40000x128xf32, #tpu.memory_space<hbm>>) dst(%arg7 : memref<320x128xf32, #tpu.memory_space<vmem>>)
    %add3A_396 = arith.constant 6080 : i32
    %add3A_397 = arith.addi %mul3A_2, %add3A_396 : i32
    %dma_start3A_398 = arith.constant 0 : i32
    %dma_start3A_399 = tpu.memref_slice %arg4[%add3A_397, %dma_start3A_398] : memref<409600x128xf32, #tpu.memory_space<hbm>> -> memref<320x128xf32, #tpu.memory_space<hbm>>
    %dma_start3A_400 = arith.constant 0 : i32
    %dma_start3A_401 = tpu.memref_slice %arg4[%add3A_397, %dma_start3A_400] : memref<409600x128xf32, #tpu.memory_space<hbm>> -> memref<320x128xf32, #tpu.memory_space<hbm>>
    tpu.enqueue_dma source(%arg7 : memref<320x128xf32, #tpu.memory_space<vmem>>) target(%dma_start3A_401 : memref<320x128xf32, #tpu.memory_space<hbm>>) target_semaphore(%arg11 : memref<!tpu.dma_semaphore, #tpu.memory_space<semaphore_mem>>)
    %dma_wait3A_402 = arith.constant 0 : i32
    %dma_wait3A_403 = tpu.memref_slice %arg4[%add3A_397, %dma_wait3A_402] : memref<409600x128xf32, #tpu.memory_space<hbm>> -> memref<320x128xf32, #tpu.memory_space<hbm>>
    %dma_wait3A_404 = arith.constant 0 : i32
    %dma_wait3A_405 = tpu.memref_slice %arg4[%add3A_397, %dma_wait3A_404] : memref<409600x128xf32, #tpu.memory_space<hbm>> -> memref<320x128xf32, #tpu.memory_space<hbm>>
    tpu.wait_dma2 semaphore(%arg11 : memref<!tpu.dma_semaphore, #tpu.memory_space<semaphore_mem>>) src(%arg7 : memref<320x128xf32, #tpu.memory_space<vmem>>) dst(%dma_wait3A_405 : memref<320x128xf32, #tpu.memory_space<hbm>>)
    %dma_start3A_406 = arith.constant 6720 : i32
    %dma_start3A_407 = tpu.memref_slice %arg5[%dma_start3A_406] : memref<12800xi32, #tpu.memory_space<vmem>> -> memref<320xi32, #tpu.memory_space<vmem>>
    %dma_start3A_408 = arith.constant 0 : i32
    %dma_start3A_409 = arith.constant 0 : i32
    %dma_start3A_410 = tpu.memref_slice %arg3[%dma_start3A_408, %dma_start3A_409] : memref<40000x128xf32, #tpu.memory_space<hbm>> -> memref<40000x128xf32, #tpu.memory_space<hbm>>
    tpu.enqueue_indirect_dma source(%dma_start3A_410 : memref<40000x128xf32, #tpu.memory_space<hbm>>) target(%arg7 : memref<320x128xf32, #tpu.memory_space<vmem>>) offsets(%dma_start3A_407 : memref<320xi32, #tpu.memory_space<vmem>>) semaphore(%arg9 : memref<!tpu.dma_semaphore, #tpu.memory_space<semaphore_mem>>)
    %dma_wait3A_411 = arith.constant 6400 : i32
    %dma_wait3A_412 = tpu.memref_slice %arg5[%dma_wait3A_411] : memref<12800xi32, #tpu.memory_space<vmem>> -> memref<320xi32, #tpu.memory_space<vmem>>
    %dma_wait3A_413 = arith.constant 0 : i32
    %dma_wait3A_414 = arith.constant 0 : i32
    %dma_wait3A_415 = tpu.memref_slice %arg3[%dma_wait3A_413, %dma_wait3A_414] : memref<40000x128xf32, #tpu.memory_space<hbm>> -> memref<40000x128xf32, #tpu.memory_space<hbm>>
    tpu.wait_indirect_dma semaphore(%arg8 : memref<!tpu.dma_semaphore, #tpu.memory_space<semaphore_mem>>) src(%dma_wait3A_415 : memref<40000x128xf32, #tpu.memory_space<hbm>>) dst(%arg6 : memref<320x128xf32, #tpu.memory_space<vmem>>)
    %add3A_416 = arith.constant 6400 : i32
    %add3A_417 = arith.addi %mul3A_2, %add3A_416 : i32
    %dma_start3A_418 = arith.constant 0 : i32
    %dma_start3A_419 = tpu.memref_slice %arg4[%add3A_417, %dma_start3A_418] : memref<409600x128xf32, #tpu.memory_space<hbm>> -> memref<320x128xf32, #tpu.memory_space<hbm>>
    %dma_start3A_420 = arith.constant 0 : i32
    %dma_start3A_421 = tpu.memref_slice %arg4[%add3A_417, %dma_start3A_420] : memref<409600x128xf32, #tpu.memory_space<hbm>> -> memref<320x128xf32, #tpu.memory_space<hbm>>
    tpu.enqueue_dma source(%arg6 : memref<320x128xf32, #tpu.memory_space<vmem>>) target(%dma_start3A_421 : memref<320x128xf32, #tpu.memory_space<hbm>>) target_semaphore(%arg10 : memref<!tpu.dma_semaphore, #tpu.memory_space<semaphore_mem>>)
    %dma_wait3A_422 = arith.constant 0 : i32
    %dma_wait3A_423 = tpu.memref_slice %arg4[%add3A_417, %dma_wait3A_422] : memref<409600x128xf32, #tpu.memory_space<hbm>> -> memref<320x128xf32, #tpu.memory_space<hbm>>
    %dma_wait3A_424 = arith.constant 0 : i32
    %dma_wait3A_425 = tpu.memref_slice %arg4[%add3A_417, %dma_wait3A_424] : memref<409600x128xf32, #tpu.memory_space<hbm>> -> memref<320x128xf32, #tpu.memory_space<hbm>>
    tpu.wait_dma2 semaphore(%arg10 : memref<!tpu.dma_semaphore, #tpu.memory_space<semaphore_mem>>) src(%arg6 : memref<320x128xf32, #tpu.memory_space<vmem>>) dst(%dma_wait3A_425 : memref<320x128xf32, #tpu.memory_space<hbm>>)
    %dma_start3A_426 = arith.constant 7040 : i32
    %dma_start3A_427 = tpu.memref_slice %arg5[%dma_start3A_426] : memref<12800xi32, #tpu.memory_space<vmem>> -> memref<320xi32, #tpu.memory_space<vmem>>
    %dma_start3A_428 = arith.constant 0 : i32
    %dma_start3A_429 = arith.constant 0 : i32
    %dma_start3A_430 = tpu.memref_slice %arg3[%dma_start3A_428, %dma_start3A_429] : memref<40000x128xf32, #tpu.memory_space<hbm>> -> memref<40000x128xf32, #tpu.memory_space<hbm>>
    tpu.enqueue_indirect_dma source(%dma_start3A_430 : memref<40000x128xf32, #tpu.memory_space<hbm>>) target(%arg6 : memref<320x128xf32, #tpu.memory_space<vmem>>) offsets(%dma_start3A_427 : memref<320xi32, #tpu.memory_space<vmem>>) semaphore(%arg8 : memref<!tpu.dma_semaphore, #tpu.memory_space<semaphore_mem>>)
    %dma_wait3A_431 = arith.constant 6720 : i32
    %dma_wait3A_432 = tpu.memref_slice %arg5[%dma_wait3A_431] : memref<12800xi32, #tpu.memory_space<vmem>> -> memref<320xi32, #tpu.memory_space<vmem>>
    %dma_wait3A_433 = arith.constant 0 : i32
    %dma_wait3A_434 = arith.constant 0 : i32
    %dma_wait3A_435 = tpu.memref_slice %arg3[%dma_wait3A_433, %dma_wait3A_434] : memref<40000x128xf32, #tpu.memory_space<hbm>> -> memref<40000x128xf32, #tpu.memory_space<hbm>>
    tpu.wait_indirect_dma semaphore(%arg9 : memref<!tpu.dma_semaphore, #tpu.memory_space<semaphore_mem>>) src(%dma_wait3A_435 : memref<40000x128xf32, #tpu.memory_space<hbm>>) dst(%arg7 : memref<320x128xf32, #tpu.memory_space<vmem>>)
    %add3A_436 = arith.constant 6720 : i32
    %add3A_437 = arith.addi %mul3A_2, %add3A_436 : i32
    %dma_start3A_438 = arith.constant 0 : i32
    %dma_start3A_439 = tpu.memref_slice %arg4[%add3A_437, %dma_start3A_438] : memref<409600x128xf32, #tpu.memory_space<hbm>> -> memref<320x128xf32, #tpu.memory_space<hbm>>
    %dma_start3A_440 = arith.constant 0 : i32
    %dma_start3A_441 = tpu.memref_slice %arg4[%add3A_437, %dma_start3A_440] : memref<409600x128xf32, #tpu.memory_space<hbm>> -> memref<320x128xf32, #tpu.memory_space<hbm>>
    tpu.enqueue_dma source(%arg7 : memref<320x128xf32, #tpu.memory_space<vmem>>) target(%dma_start3A_441 : memref<320x128xf32, #tpu.memory_space<hbm>>) target_semaphore(%arg11 : memref<!tpu.dma_semaphore, #tpu.memory_space<semaphore_mem>>)
    %dma_wait3A_442 = arith.constant 0 : i32
    %dma_wait3A_443 = tpu.memref_slice %arg4[%add3A_437, %dma_wait3A_442] : memref<409600x128xf32, #tpu.memory_space<hbm>> -> memref<320x128xf32, #tpu.memory_space<hbm>>
    %dma_wait3A_444 = arith.constant 0 : i32
    %dma_wait3A_445 = tpu.memref_slice %arg4[%add3A_437, %dma_wait3A_444] : memref<409600x128xf32, #tpu.memory_space<hbm>> -> memref<320x128xf32, #tpu.memory_space<hbm>>
    tpu.wait_dma2 semaphore(%arg11 : memref<!tpu.dma_semaphore, #tpu.memory_space<semaphore_mem>>) src(%arg7 : memref<320x128xf32, #tpu.memory_space<vmem>>) dst(%dma_wait3A_445 : memref<320x128xf32, #tpu.memory_space<hbm>>)
    %dma_start3A_446 = arith.constant 7360 : i32
    %dma_start3A_447 = tpu.memref_slice %arg5[%dma_start3A_446] : memref<12800xi32, #tpu.memory_space<vmem>> -> memref<320xi32, #tpu.memory_space<vmem>>
    %dma_start3A_448 = arith.constant 0 : i32
    %dma_start3A_449 = arith.constant 0 : i32
    %dma_start3A_450 = tpu.memref_slice %arg3[%dma_start3A_448, %dma_start3A_449] : memref<40000x128xf32, #tpu.memory_space<hbm>> -> memref<40000x128xf32, #tpu.memory_space<hbm>>
    tpu.enqueue_indirect_dma source(%dma_start3A_450 : memref<40000x128xf32, #tpu.memory_space<hbm>>) target(%arg7 : memref<320x128xf32, #tpu.memory_space<vmem>>) offsets(%dma_start3A_447 : memref<320xi32, #tpu.memory_space<vmem>>) semaphore(%arg9 : memref<!tpu.dma_semaphore, #tpu.memory_space<semaphore_mem>>)
    %dma_wait3A_451 = arith.constant 7040 : i32
    %dma_wait3A_452 = tpu.memref_slice %arg5[%dma_wait3A_451] : memref<12800xi32, #tpu.memory_space<vmem>> -> memref<320xi32, #tpu.memory_space<vmem>>
    %dma_wait3A_453 = arith.constant 0 : i32
    %dma_wait3A_454 = arith.constant 0 : i32
    %dma_wait3A_455 = tpu.memref_slice %arg3[%dma_wait3A_453, %dma_wait3A_454] : memref<40000x128xf32, #tpu.memory_space<hbm>> -> memref<40000x128xf32, #tpu.memory_space<hbm>>
    tpu.wait_indirect_dma semaphore(%arg8 : memref<!tpu.dma_semaphore, #tpu.memory_space<semaphore_mem>>) src(%dma_wait3A_455 : memref<40000x128xf32, #tpu.memory_space<hbm>>) dst(%arg6 : memref<320x128xf32, #tpu.memory_space<vmem>>)
    %add3A_456 = arith.constant 7040 : i32
    %add3A_457 = arith.addi %mul3A_2, %add3A_456 : i32
    %dma_start3A_458 = arith.constant 0 : i32
    %dma_start3A_459 = tpu.memref_slice %arg4[%add3A_457, %dma_start3A_458] : memref<409600x128xf32, #tpu.memory_space<hbm>> -> memref<320x128xf32, #tpu.memory_space<hbm>>
    %dma_start3A_460 = arith.constant 0 : i32
    %dma_start3A_461 = tpu.memref_slice %arg4[%add3A_457, %dma_start3A_460] : memref<409600x128xf32, #tpu.memory_space<hbm>> -> memref<320x128xf32, #tpu.memory_space<hbm>>
    tpu.enqueue_dma source(%arg6 : memref<320x128xf32, #tpu.memory_space<vmem>>) target(%dma_start3A_461 : memref<320x128xf32, #tpu.memory_space<hbm>>) target_semaphore(%arg10 : memref<!tpu.dma_semaphore, #tpu.memory_space<semaphore_mem>>)
    %dma_wait3A_462 = arith.constant 0 : i32
    %dma_wait3A_463 = tpu.memref_slice %arg4[%add3A_457, %dma_wait3A_462] : memref<409600x128xf32, #tpu.memory_space<hbm>> -> memref<320x128xf32, #tpu.memory_space<hbm>>
    %dma_wait3A_464 = arith.constant 0 : i32
    %dma_wait3A_465 = tpu.memref_slice %arg4[%add3A_457, %dma_wait3A_464] : memref<409600x128xf32, #tpu.memory_space<hbm>> -> memref<320x128xf32, #tpu.memory_space<hbm>>
    tpu.wait_dma2 semaphore(%arg10 : memref<!tpu.dma_semaphore, #tpu.memory_space<semaphore_mem>>) src(%arg6 : memref<320x128xf32, #tpu.memory_space<vmem>>) dst(%dma_wait3A_465 : memref<320x128xf32, #tpu.memory_space<hbm>>)
    %dma_start3A_466 = arith.constant 7680 : i32
    %dma_start3A_467 = tpu.memref_slice %arg5[%dma_start3A_466] : memref<12800xi32, #tpu.memory_space<vmem>> -> memref<320xi32, #tpu.memory_space<vmem>>
    %dma_start3A_468 = arith.constant 0 : i32
    %dma_start3A_469 = arith.constant 0 : i32
    %dma_start3A_470 = tpu.memref_slice %arg3[%dma_start3A_468, %dma_start3A_469] : memref<40000x128xf32, #tpu.memory_space<hbm>> -> memref<40000x128xf32, #tpu.memory_space<hbm>>
    tpu.enqueue_indirect_dma source(%dma_start3A_470 : memref<40000x128xf32, #tpu.memory_space<hbm>>) target(%arg6 : memref<320x128xf32, #tpu.memory_space<vmem>>) offsets(%dma_start3A_467 : memref<320xi32, #tpu.memory_space<vmem>>) semaphore(%arg8 : memref<!tpu.dma_semaphore, #tpu.memory_space<semaphore_mem>>)
    %dma_wait3A_471 = arith.constant 7360 : i32
    %dma_wait3A_472 = tpu.memref_slice %arg5[%dma_wait3A_471] : memref<12800xi32, #tpu.memory_space<vmem>> -> memref<320xi32, #tpu.memory_space<vmem>>
    %dma_wait3A_473 = arith.constant 0 : i32
    %dma_wait3A_474 = arith.constant 0 : i32
    %dma_wait3A_475 = tpu.memref_slice %arg3[%dma_wait3A_473, %dma_wait3A_474] : memref<40000x128xf32, #tpu.memory_space<hbm>> -> memref<40000x128xf32, #tpu.memory_space<hbm>>
    tpu.wait_indirect_dma semaphore(%arg9 : memref<!tpu.dma_semaphore, #tpu.memory_space<semaphore_mem>>) src(%dma_wait3A_475 : memref<40000x128xf32, #tpu.memory_space<hbm>>) dst(%arg7 : memref<320x128xf32, #tpu.memory_space<vmem>>)
    %add3A_476 = arith.constant 7360 : i32
    %add3A_477 = arith.addi %mul3A_2, %add3A_476 : i32
    %dma_start3A_478 = arith.constant 0 : i32
    %dma_start3A_479 = tpu.memref_slice %arg4[%add3A_477, %dma_start3A_478] : memref<409600x128xf32, #tpu.memory_space<hbm>> -> memref<320x128xf32, #tpu.memory_space<hbm>>
    %dma_start3A_480 = arith.constant 0 : i32
    %dma_start3A_481 = tpu.memref_slice %arg4[%add3A_477, %dma_start3A_480] : memref<409600x128xf32, #tpu.memory_space<hbm>> -> memref<320x128xf32, #tpu.memory_space<hbm>>
    tpu.enqueue_dma source(%arg7 : memref<320x128xf32, #tpu.memory_space<vmem>>) target(%dma_start3A_481 : memref<320x128xf32, #tpu.memory_space<hbm>>) target_semaphore(%arg11 : memref<!tpu.dma_semaphore, #tpu.memory_space<semaphore_mem>>)
    %dma_wait3A_482 = arith.constant 0 : i32
    %dma_wait3A_483 = tpu.memref_slice %arg4[%add3A_477, %dma_wait3A_482] : memref<409600x128xf32, #tpu.memory_space<hbm>> -> memref<320x128xf32, #tpu.memory_space<hbm>>
    %dma_wait3A_484 = arith.constant 0 : i32
    %dma_wait3A_485 = tpu.memref_slice %arg4[%add3A_477, %dma_wait3A_484] : memref<409600x128xf32, #tpu.memory_space<hbm>> -> memref<320x128xf32, #tpu.memory_space<hbm>>
    tpu.wait_dma2 semaphore(%arg11 : memref<!tpu.dma_semaphore, #tpu.memory_space<semaphore_mem>>) src(%arg7 : memref<320x128xf32, #tpu.memory_space<vmem>>) dst(%dma_wait3A_485 : memref<320x128xf32, #tpu.memory_space<hbm>>)
    %dma_start3A_486 = arith.constant 8000 : i32
    %dma_start3A_487 = tpu.memref_slice %arg5[%dma_start3A_486] : memref<12800xi32, #tpu.memory_space<vmem>> -> memref<320xi32, #tpu.memory_space<vmem>>
    %dma_start3A_488 = arith.constant 0 : i32
    %dma_start3A_489 = arith.constant 0 : i32
    %dma_start3A_490 = tpu.memref_slice %arg3[%dma_start3A_488, %dma_start3A_489] : memref<40000x128xf32, #tpu.memory_space<hbm>> -> memref<40000x128xf32, #tpu.memory_space<hbm>>
    tpu.enqueue_indirect_dma source(%dma_start3A_490 : memref<40000x128xf32, #tpu.memory_space<hbm>>) target(%arg7 : memref<320x128xf32, #tpu.memory_space<vmem>>) offsets(%dma_start3A_487 : memref<320xi32, #tpu.memory_space<vmem>>) semaphore(%arg9 : memref<!tpu.dma_semaphore, #tpu.memory_space<semaphore_mem>>)
    %dma_wait3A_491 = arith.constant 7680 : i32
    %dma_wait3A_492 = tpu.memref_slice %arg5[%dma_wait3A_491] : memref<12800xi32, #tpu.memory_space<vmem>> -> memref<320xi32, #tpu.memory_space<vmem>>
    %dma_wait3A_493 = arith.constant 0 : i32
    %dma_wait3A_494 = arith.constant 0 : i32
    %dma_wait3A_495 = tpu.memref_slice %arg3[%dma_wait3A_493, %dma_wait3A_494] : memref<40000x128xf32, #tpu.memory_space<hbm>> -> memref<40000x128xf32, #tpu.memory_space<hbm>>
    tpu.wait_indirect_dma semaphore(%arg8 : memref<!tpu.dma_semaphore, #tpu.memory_space<semaphore_mem>>) src(%dma_wait3A_495 : memref<40000x128xf32, #tpu.memory_space<hbm>>) dst(%arg6 : memref<320x128xf32, #tpu.memory_space<vmem>>)
    %add3A_496 = arith.constant 7680 : i32
    %add3A_497 = arith.addi %mul3A_2, %add3A_496 : i32
    %dma_start3A_498 = arith.constant 0 : i32
    %dma_start3A_499 = tpu.memref_slice %arg4[%add3A_497, %dma_start3A_498] : memref<409600x128xf32, #tpu.memory_space<hbm>> -> memref<320x128xf32, #tpu.memory_space<hbm>>
    %dma_start3A_500 = arith.constant 0 : i32
    %dma_start3A_501 = tpu.memref_slice %arg4[%add3A_497, %dma_start3A_500] : memref<409600x128xf32, #tpu.memory_space<hbm>> -> memref<320x128xf32, #tpu.memory_space<hbm>>
    tpu.enqueue_dma source(%arg6 : memref<320x128xf32, #tpu.memory_space<vmem>>) target(%dma_start3A_501 : memref<320x128xf32, #tpu.memory_space<hbm>>) target_semaphore(%arg10 : memref<!tpu.dma_semaphore, #tpu.memory_space<semaphore_mem>>)
    %dma_wait3A_502 = arith.constant 0 : i32
    %dma_wait3A_503 = tpu.memref_slice %arg4[%add3A_497, %dma_wait3A_502] : memref<409600x128xf32, #tpu.memory_space<hbm>> -> memref<320x128xf32, #tpu.memory_space<hbm>>
    %dma_wait3A_504 = arith.constant 0 : i32
    %dma_wait3A_505 = tpu.memref_slice %arg4[%add3A_497, %dma_wait3A_504] : memref<409600x128xf32, #tpu.memory_space<hbm>> -> memref<320x128xf32, #tpu.memory_space<hbm>>
    tpu.wait_dma2 semaphore(%arg10 : memref<!tpu.dma_semaphore, #tpu.memory_space<semaphore_mem>>) src(%arg6 : memref<320x128xf32, #tpu.memory_space<vmem>>) dst(%dma_wait3A_505 : memref<320x128xf32, #tpu.memory_space<hbm>>)
    %dma_start3A_506 = arith.constant 8320 : i32
    %dma_start3A_507 = tpu.memref_slice %arg5[%dma_start3A_506] : memref<12800xi32, #tpu.memory_space<vmem>> -> memref<320xi32, #tpu.memory_space<vmem>>
    %dma_start3A_508 = arith.constant 0 : i32
    %dma_start3A_509 = arith.constant 0 : i32
    %dma_start3A_510 = tpu.memref_slice %arg3[%dma_start3A_508, %dma_start3A_509] : memref<40000x128xf32, #tpu.memory_space<hbm>> -> memref<40000x128xf32, #tpu.memory_space<hbm>>
    tpu.enqueue_indirect_dma source(%dma_start3A_510 : memref<40000x128xf32, #tpu.memory_space<hbm>>) target(%arg6 : memref<320x128xf32, #tpu.memory_space<vmem>>) offsets(%dma_start3A_507 : memref<320xi32, #tpu.memory_space<vmem>>) semaphore(%arg8 : memref<!tpu.dma_semaphore, #tpu.memory_space<semaphore_mem>>)
    %dma_wait3A_511 = arith.constant 8000 : i32
    %dma_wait3A_512 = tpu.memref_slice %arg5[%dma_wait3A_511] : memref<12800xi32, #tpu.memory_space<vmem>> -> memref<320xi32, #tpu.memory_space<vmem>>
    %dma_wait3A_513 = arith.constant 0 : i32
    %dma_wait3A_514 = arith.constant 0 : i32
    %dma_wait3A_515 = tpu.memref_slice %arg3[%dma_wait3A_513, %dma_wait3A_514] : memref<40000x128xf32, #tpu.memory_space<hbm>> -> memref<40000x128xf32, #tpu.memory_space<hbm>>
    tpu.wait_indirect_dma semaphore(%arg9 : memref<!tpu.dma_semaphore, #tpu.memory_space<semaphore_mem>>) src(%dma_wait3A_515 : memref<40000x128xf32, #tpu.memory_space<hbm>>) dst(%arg7 : memref<320x128xf32, #tpu.memory_space<vmem>>)
    %add3A_516 = arith.constant 8000 : i32
    %add3A_517 = arith.addi %mul3A_2, %add3A_516 : i32
    %dma_start3A_518 = arith.constant 0 : i32
    %dma_start3A_519 = tpu.memref_slice %arg4[%add3A_517, %dma_start3A_518] : memref<409600x128xf32, #tpu.memory_space<hbm>> -> memref<320x128xf32, #tpu.memory_space<hbm>>
    %dma_start3A_520 = arith.constant 0 : i32
    %dma_start3A_521 = tpu.memref_slice %arg4[%add3A_517, %dma_start3A_520] : memref<409600x128xf32, #tpu.memory_space<hbm>> -> memref<320x128xf32, #tpu.memory_space<hbm>>
    tpu.enqueue_dma source(%arg7 : memref<320x128xf32, #tpu.memory_space<vmem>>) target(%dma_start3A_521 : memref<320x128xf32, #tpu.memory_space<hbm>>) target_semaphore(%arg11 : memref<!tpu.dma_semaphore, #tpu.memory_space<semaphore_mem>>)
    %dma_wait3A_522 = arith.constant 0 : i32
    %dma_wait3A_523 = tpu.memref_slice %arg4[%add3A_517, %dma_wait3A_522] : memref<409600x128xf32, #tpu.memory_space<hbm>> -> memref<320x128xf32, #tpu.memory_space<hbm>>
    %dma_wait3A_524 = arith.constant 0 : i32
    %dma_wait3A_525 = tpu.memref_slice %arg4[%add3A_517, %dma_wait3A_524] : memref<409600x128xf32, #tpu.memory_space<hbm>> -> memref<320x128xf32, #tpu.memory_space<hbm>>
    tpu.wait_dma2 semaphore(%arg11 : memref<!tpu.dma_semaphore, #tpu.memory_space<semaphore_mem>>) src(%arg7 : memref<320x128xf32, #tpu.memory_space<vmem>>) dst(%dma_wait3A_525 : memref<320x128xf32, #tpu.memory_space<hbm>>)
    %dma_start3A_526 = arith.constant 8640 : i32
    %dma_start3A_527 = tpu.memref_slice %arg5[%dma_start3A_526] : memref<12800xi32, #tpu.memory_space<vmem>> -> memref<320xi32, #tpu.memory_space<vmem>>
    %dma_start3A_528 = arith.constant 0 : i32
    %dma_start3A_529 = arith.constant 0 : i32
    %dma_start3A_530 = tpu.memref_slice %arg3[%dma_start3A_528, %dma_start3A_529] : memref<40000x128xf32, #tpu.memory_space<hbm>> -> memref<40000x128xf32, #tpu.memory_space<hbm>>
    tpu.enqueue_indirect_dma source(%dma_start3A_530 : memref<40000x128xf32, #tpu.memory_space<hbm>>) target(%arg7 : memref<320x128xf32, #tpu.memory_space<vmem>>) offsets(%dma_start3A_527 : memref<320xi32, #tpu.memory_space<vmem>>) semaphore(%arg9 : memref<!tpu.dma_semaphore, #tpu.memory_space<semaphore_mem>>)
    %dma_wait3A_531 = arith.constant 8320 : i32
    %dma_wait3A_532 = tpu.memref_slice %arg5[%dma_wait3A_531] : memref<12800xi32, #tpu.memory_space<vmem>> -> memref<320xi32, #tpu.memory_space<vmem>>
    %dma_wait3A_533 = arith.constant 0 : i32
    %dma_wait3A_534 = arith.constant 0 : i32
    %dma_wait3A_535 = tpu.memref_slice %arg3[%dma_wait3A_533, %dma_wait3A_534] : memref<40000x128xf32, #tpu.memory_space<hbm>> -> memref<40000x128xf32, #tpu.memory_space<hbm>>
    tpu.wait_indirect_dma semaphore(%arg8 : memref<!tpu.dma_semaphore, #tpu.memory_space<semaphore_mem>>) src(%dma_wait3A_535 : memref<40000x128xf32, #tpu.memory_space<hbm>>) dst(%arg6 : memref<320x128xf32, #tpu.memory_space<vmem>>)
    %add3A_536 = arith.constant 8320 : i32
    %add3A_537 = arith.addi %mul3A_2, %add3A_536 : i32
    %dma_start3A_538 = arith.constant 0 : i32
    %dma_start3A_539 = tpu.memref_slice %arg4[%add3A_537, %dma_start3A_538] : memref<409600x128xf32, #tpu.memory_space<hbm>> -> memref<320x128xf32, #tpu.memory_space<hbm>>
    %dma_start3A_540 = arith.constant 0 : i32
    %dma_start3A_541 = tpu.memref_slice %arg4[%add3A_537, %dma_start3A_540] : memref<409600x128xf32, #tpu.memory_space<hbm>> -> memref<320x128xf32, #tpu.memory_space<hbm>>
    tpu.enqueue_dma source(%arg6 : memref<320x128xf32, #tpu.memory_space<vmem>>) target(%dma_start3A_541 : memref<320x128xf32, #tpu.memory_space<hbm>>) target_semaphore(%arg10 : memref<!tpu.dma_semaphore, #tpu.memory_space<semaphore_mem>>)
    %dma_wait3A_542 = arith.constant 0 : i32
    %dma_wait3A_543 = tpu.memref_slice %arg4[%add3A_537, %dma_wait3A_542] : memref<409600x128xf32, #tpu.memory_space<hbm>> -> memref<320x128xf32, #tpu.memory_space<hbm>>
    %dma_wait3A_544 = arith.constant 0 : i32
    %dma_wait3A_545 = tpu.memref_slice %arg4[%add3A_537, %dma_wait3A_544] : memref<409600x128xf32, #tpu.memory_space<hbm>> -> memref<320x128xf32, #tpu.memory_space<hbm>>
    tpu.wait_dma2 semaphore(%arg10 : memref<!tpu.dma_semaphore, #tpu.memory_space<semaphore_mem>>) src(%arg6 : memref<320x128xf32, #tpu.memory_space<vmem>>) dst(%dma_wait3A_545 : memref<320x128xf32, #tpu.memory_space<hbm>>)
    %dma_start3A_546 = arith.constant 8960 : i32
    %dma_start3A_547 = tpu.memref_slice %arg5[%dma_start3A_546] : memref<12800xi32, #tpu.memory_space<vmem>> -> memref<320xi32, #tpu.memory_space<vmem>>
    %dma_start3A_548 = arith.constant 0 : i32
    %dma_start3A_549 = arith.constant 0 : i32
    %dma_start3A_550 = tpu.memref_slice %arg3[%dma_start3A_548, %dma_start3A_549] : memref<40000x128xf32, #tpu.memory_space<hbm>> -> memref<40000x128xf32, #tpu.memory_space<hbm>>
    tpu.enqueue_indirect_dma source(%dma_start3A_550 : memref<40000x128xf32, #tpu.memory_space<hbm>>) target(%arg6 : memref<320x128xf32, #tpu.memory_space<vmem>>) offsets(%dma_start3A_547 : memref<320xi32, #tpu.memory_space<vmem>>) semaphore(%arg8 : memref<!tpu.dma_semaphore, #tpu.memory_space<semaphore_mem>>)
    %dma_wait3A_551 = arith.constant 8640 : i32
    %dma_wait3A_552 = tpu.memref_slice %arg5[%dma_wait3A_551] : memref<12800xi32, #tpu.memory_space<vmem>> -> memref<320xi32, #tpu.memory_space<vmem>>
    %dma_wait3A_553 = arith.constant 0 : i32
    %dma_wait3A_554 = arith.constant 0 : i32
    %dma_wait3A_555 = tpu.memref_slice %arg3[%dma_wait3A_553, %dma_wait3A_554] : memref<40000x128xf32, #tpu.memory_space<hbm>> -> memref<40000x128xf32, #tpu.memory_space<hbm>>
    tpu.wait_indirect_dma semaphore(%arg9 : memref<!tpu.dma_semaphore, #tpu.memory_space<semaphore_mem>>) src(%dma_wait3A_555 : memref<40000x128xf32, #tpu.memory_space<hbm>>) dst(%arg7 : memref<320x128xf32, #tpu.memory_space<vmem>>)
    %add3A_556 = arith.constant 8640 : i32
    %add3A_557 = arith.addi %mul3A_2, %add3A_556 : i32
    %dma_start3A_558 = arith.constant 0 : i32
    %dma_start3A_559 = tpu.memref_slice %arg4[%add3A_557, %dma_start3A_558] : memref<409600x128xf32, #tpu.memory_space<hbm>> -> memref<320x128xf32, #tpu.memory_space<hbm>>
    %dma_start3A_560 = arith.constant 0 : i32
    %dma_start3A_561 = tpu.memref_slice %arg4[%add3A_557, %dma_start3A_560] : memref<409600x128xf32, #tpu.memory_space<hbm>> -> memref<320x128xf32, #tpu.memory_space<hbm>>
    tpu.enqueue_dma source(%arg7 : memref<320x128xf32, #tpu.memory_space<vmem>>) target(%dma_start3A_561 : memref<320x128xf32, #tpu.memory_space<hbm>>) target_semaphore(%arg11 : memref<!tpu.dma_semaphore, #tpu.memory_space<semaphore_mem>>)
    %dma_wait3A_562 = arith.constant 0 : i32
    %dma_wait3A_563 = tpu.memref_slice %arg4[%add3A_557, %dma_wait3A_562] : memref<409600x128xf32, #tpu.memory_space<hbm>> -> memref<320x128xf32, #tpu.memory_space<hbm>>
    %dma_wait3A_564 = arith.constant 0 : i32
    %dma_wait3A_565 = tpu.memref_slice %arg4[%add3A_557, %dma_wait3A_564] : memref<409600x128xf32, #tpu.memory_space<hbm>> -> memref<320x128xf32, #tpu.memory_space<hbm>>
    tpu.wait_dma2 semaphore(%arg11 : memref<!tpu.dma_semaphore, #tpu.memory_space<semaphore_mem>>) src(%arg7 : memref<320x128xf32, #tpu.memory_space<vmem>>) dst(%dma_wait3A_565 : memref<320x128xf32, #tpu.memory_space<hbm>>)
    %dma_start3A_566 = arith.constant 9280 : i32
    %dma_start3A_567 = tpu.memref_slice %arg5[%dma_start3A_566] : memref<12800xi32, #tpu.memory_space<vmem>> -> memref<320xi32, #tpu.memory_space<vmem>>
    %dma_start3A_568 = arith.constant 0 : i32
    %dma_start3A_569 = arith.constant 0 : i32
    %dma_start3A_570 = tpu.memref_slice %arg3[%dma_start3A_568, %dma_start3A_569] : memref<40000x128xf32, #tpu.memory_space<hbm>> -> memref<40000x128xf32, #tpu.memory_space<hbm>>
    tpu.enqueue_indirect_dma source(%dma_start3A_570 : memref<40000x128xf32, #tpu.memory_space<hbm>>) target(%arg7 : memref<320x128xf32, #tpu.memory_space<vmem>>) offsets(%dma_start3A_567 : memref<320xi32, #tpu.memory_space<vmem>>) semaphore(%arg9 : memref<!tpu.dma_semaphore, #tpu.memory_space<semaphore_mem>>)
    %dma_wait3A_571 = arith.constant 8960 : i32
    %dma_wait3A_572 = tpu.memref_slice %arg5[%dma_wait3A_571] : memref<12800xi32, #tpu.memory_space<vmem>> -> memref<320xi32, #tpu.memory_space<vmem>>
    %dma_wait3A_573 = arith.constant 0 : i32
    %dma_wait3A_574 = arith.constant 0 : i32
    %dma_wait3A_575 = tpu.memref_slice %arg3[%dma_wait3A_573, %dma_wait3A_574] : memref<40000x128xf32, #tpu.memory_space<hbm>> -> memref<40000x128xf32, #tpu.memory_space<hbm>>
    tpu.wait_indirect_dma semaphore(%arg8 : memref<!tpu.dma_semaphore, #tpu.memory_space<semaphore_mem>>) src(%dma_wait3A_575 : memref<40000x128xf32, #tpu.memory_space<hbm>>) dst(%arg6 : memref<320x128xf32, #tpu.memory_space<vmem>>)
    %add3A_576 = arith.constant 8960 : i32
    %add3A_577 = arith.addi %mul3A_2, %add3A_576 : i32
    %dma_start3A_578 = arith.constant 0 : i32
    %dma_start3A_579 = tpu.memref_slice %arg4[%add3A_577, %dma_start3A_578] : memref<409600x128xf32, #tpu.memory_space<hbm>> -> memref<320x128xf32, #tpu.memory_space<hbm>>
    %dma_start3A_580 = arith.constant 0 : i32
    %dma_start3A_581 = tpu.memref_slice %arg4[%add3A_577, %dma_start3A_580] : memref<409600x128xf32, #tpu.memory_space<hbm>> -> memref<320x128xf32, #tpu.memory_space<hbm>>
    tpu.enqueue_dma source(%arg6 : memref<320x128xf32, #tpu.memory_space<vmem>>) target(%dma_start3A_581 : memref<320x128xf32, #tpu.memory_space<hbm>>) target_semaphore(%arg10 : memref<!tpu.dma_semaphore, #tpu.memory_space<semaphore_mem>>)
    %dma_wait3A_582 = arith.constant 0 : i32
    %dma_wait3A_583 = tpu.memref_slice %arg4[%add3A_577, %dma_wait3A_582] : memref<409600x128xf32, #tpu.memory_space<hbm>> -> memref<320x128xf32, #tpu.memory_space<hbm>>
    %dma_wait3A_584 = arith.constant 0 : i32
    %dma_wait3A_585 = tpu.memref_slice %arg4[%add3A_577, %dma_wait3A_584] : memref<409600x128xf32, #tpu.memory_space<hbm>> -> memref<320x128xf32, #tpu.memory_space<hbm>>
    tpu.wait_dma2 semaphore(%arg10 : memref<!tpu.dma_semaphore, #tpu.memory_space<semaphore_mem>>) src(%arg6 : memref<320x128xf32, #tpu.memory_space<vmem>>) dst(%dma_wait3A_585 : memref<320x128xf32, #tpu.memory_space<hbm>>)
    %dma_start3A_586 = arith.constant 9600 : i32
    %dma_start3A_587 = tpu.memref_slice %arg5[%dma_start3A_586] : memref<12800xi32, #tpu.memory_space<vmem>> -> memref<320xi32, #tpu.memory_space<vmem>>
    %dma_start3A_588 = arith.constant 0 : i32
    %dma_start3A_589 = arith.constant 0 : i32
    %dma_start3A_590 = tpu.memref_slice %arg3[%dma_start3A_588, %dma_start3A_589] : memref<40000x128xf32, #tpu.memory_space<hbm>> -> memref<40000x128xf32, #tpu.memory_space<hbm>>
    tpu.enqueue_indirect_dma source(%dma_start3A_590 : memref<40000x128xf32, #tpu.memory_space<hbm>>) target(%arg6 : memref<320x128xf32, #tpu.memory_space<vmem>>) offsets(%dma_start3A_587 : memref<320xi32, #tpu.memory_space<vmem>>) semaphore(%arg8 : memref<!tpu.dma_semaphore, #tpu.memory_space<semaphore_mem>>)
    %dma_wait3A_591 = arith.constant 9280 : i32
    %dma_wait3A_592 = tpu.memref_slice %arg5[%dma_wait3A_591] : memref<12800xi32, #tpu.memory_space<vmem>> -> memref<320xi32, #tpu.memory_space<vmem>>
    %dma_wait3A_593 = arith.constant 0 : i32
    %dma_wait3A_594 = arith.constant 0 : i32
    %dma_wait3A_595 = tpu.memref_slice %arg3[%dma_wait3A_593, %dma_wait3A_594] : memref<40000x128xf32, #tpu.memory_space<hbm>> -> memref<40000x128xf32, #tpu.memory_space<hbm>>
    tpu.wait_indirect_dma semaphore(%arg9 : memref<!tpu.dma_semaphore, #tpu.memory_space<semaphore_mem>>) src(%dma_wait3A_595 : memref<40000x128xf32, #tpu.memory_space<hbm>>) dst(%arg7 : memref<320x128xf32, #tpu.memory_space<vmem>>)
    %add3A_596 = arith.constant 9280 : i32
    %add3A_597 = arith.addi %mul3A_2, %add3A_596 : i32
    %dma_start3A_598 = arith.constant 0 : i32
    %dma_start3A_599 = tpu.memref_slice %arg4[%add3A_597, %dma_start3A_598] : memref<409600x128xf32, #tpu.memory_space<hbm>> -> memref<320x128xf32, #tpu.memory_space<hbm>>
    %dma_start3A_600 = arith.constant 0 : i32
    %dma_start3A_601 = tpu.memref_slice %arg4[%add3A_597, %dma_start3A_600] : memref<409600x128xf32, #tpu.memory_space<hbm>> -> memref<320x128xf32, #tpu.memory_space<hbm>>
    tpu.enqueue_dma source(%arg7 : memref<320x128xf32, #tpu.memory_space<vmem>>) target(%dma_start3A_601 : memref<320x128xf32, #tpu.memory_space<hbm>>) target_semaphore(%arg11 : memref<!tpu.dma_semaphore, #tpu.memory_space<semaphore_mem>>)
    %dma_wait3A_602 = arith.constant 0 : i32
    %dma_wait3A_603 = tpu.memref_slice %arg4[%add3A_597, %dma_wait3A_602] : memref<409600x128xf32, #tpu.memory_space<hbm>> -> memref<320x128xf32, #tpu.memory_space<hbm>>
    %dma_wait3A_604 = arith.constant 0 : i32
    %dma_wait3A_605 = tpu.memref_slice %arg4[%add3A_597, %dma_wait3A_604] : memref<409600x128xf32, #tpu.memory_space<hbm>> -> memref<320x128xf32, #tpu.memory_space<hbm>>
    tpu.wait_dma2 semaphore(%arg11 : memref<!tpu.dma_semaphore, #tpu.memory_space<semaphore_mem>>) src(%arg7 : memref<320x128xf32, #tpu.memory_space<vmem>>) dst(%dma_wait3A_605 : memref<320x128xf32, #tpu.memory_space<hbm>>)
    %dma_start3A_606 = arith.constant 9920 : i32
    %dma_start3A_607 = tpu.memref_slice %arg5[%dma_start3A_606] : memref<12800xi32, #tpu.memory_space<vmem>> -> memref<320xi32, #tpu.memory_space<vmem>>
    %dma_start3A_608 = arith.constant 0 : i32
    %dma_start3A_609 = arith.constant 0 : i32
    %dma_start3A_610 = tpu.memref_slice %arg3[%dma_start3A_608, %dma_start3A_609] : memref<40000x128xf32, #tpu.memory_space<hbm>> -> memref<40000x128xf32, #tpu.memory_space<hbm>>
    tpu.enqueue_indirect_dma source(%dma_start3A_610 : memref<40000x128xf32, #tpu.memory_space<hbm>>) target(%arg7 : memref<320x128xf32, #tpu.memory_space<vmem>>) offsets(%dma_start3A_607 : memref<320xi32, #tpu.memory_space<vmem>>) semaphore(%arg9 : memref<!tpu.dma_semaphore, #tpu.memory_space<semaphore_mem>>)
    %dma_wait3A_611 = arith.constant 9600 : i32
    %dma_wait3A_612 = tpu.memref_slice %arg5[%dma_wait3A_611] : memref<12800xi32, #tpu.memory_space<vmem>> -> memref<320xi32, #tpu.memory_space<vmem>>
    %dma_wait3A_613 = arith.constant 0 : i32
    %dma_wait3A_614 = arith.constant 0 : i32
    %dma_wait3A_615 = tpu.memref_slice %arg3[%dma_wait3A_613, %dma_wait3A_614] : memref<40000x128xf32, #tpu.memory_space<hbm>> -> memref<40000x128xf32, #tpu.memory_space<hbm>>
    tpu.wait_indirect_dma semaphore(%arg8 : memref<!tpu.dma_semaphore, #tpu.memory_space<semaphore_mem>>) src(%dma_wait3A_615 : memref<40000x128xf32, #tpu.memory_space<hbm>>) dst(%arg6 : memref<320x128xf32, #tpu.memory_space<vmem>>)
    %add3A_616 = arith.constant 9600 : i32
    %add3A_617 = arith.addi %mul3A_2, %add3A_616 : i32
    %dma_start3A_618 = arith.constant 0 : i32
    %dma_start3A_619 = tpu.memref_slice %arg4[%add3A_617, %dma_start3A_618] : memref<409600x128xf32, #tpu.memory_space<hbm>> -> memref<320x128xf32, #tpu.memory_space<hbm>>
    %dma_start3A_620 = arith.constant 0 : i32
    %dma_start3A_621 = tpu.memref_slice %arg4[%add3A_617, %dma_start3A_620] : memref<409600x128xf32, #tpu.memory_space<hbm>> -> memref<320x128xf32, #tpu.memory_space<hbm>>
    tpu.enqueue_dma source(%arg6 : memref<320x128xf32, #tpu.memory_space<vmem>>) target(%dma_start3A_621 : memref<320x128xf32, #tpu.memory_space<hbm>>) target_semaphore(%arg10 : memref<!tpu.dma_semaphore, #tpu.memory_space<semaphore_mem>>)
    %dma_wait3A_622 = arith.constant 0 : i32
    %dma_wait3A_623 = tpu.memref_slice %arg4[%add3A_617, %dma_wait3A_622] : memref<409600x128xf32, #tpu.memory_space<hbm>> -> memref<320x128xf32, #tpu.memory_space<hbm>>
    %dma_wait3A_624 = arith.constant 0 : i32
    %dma_wait3A_625 = tpu.memref_slice %arg4[%add3A_617, %dma_wait3A_624] : memref<409600x128xf32, #tpu.memory_space<hbm>> -> memref<320x128xf32, #tpu.memory_space<hbm>>
    tpu.wait_dma2 semaphore(%arg10 : memref<!tpu.dma_semaphore, #tpu.memory_space<semaphore_mem>>) src(%arg6 : memref<320x128xf32, #tpu.memory_space<vmem>>) dst(%dma_wait3A_625 : memref<320x128xf32, #tpu.memory_space<hbm>>)
    %dma_start3A_626 = arith.constant 10240 : i32
    %dma_start3A_627 = tpu.memref_slice %arg5[%dma_start3A_626] : memref<12800xi32, #tpu.memory_space<vmem>> -> memref<320xi32, #tpu.memory_space<vmem>>
    %dma_start3A_628 = arith.constant 0 : i32
    %dma_start3A_629 = arith.constant 0 : i32
    %dma_start3A_630 = tpu.memref_slice %arg3[%dma_start3A_628, %dma_start3A_629] : memref<40000x128xf32, #tpu.memory_space<hbm>> -> memref<40000x128xf32, #tpu.memory_space<hbm>>
    tpu.enqueue_indirect_dma source(%dma_start3A_630 : memref<40000x128xf32, #tpu.memory_space<hbm>>) target(%arg6 : memref<320x128xf32, #tpu.memory_space<vmem>>) offsets(%dma_start3A_627 : memref<320xi32, #tpu.memory_space<vmem>>) semaphore(%arg8 : memref<!tpu.dma_semaphore, #tpu.memory_space<semaphore_mem>>)
    %dma_wait3A_631 = arith.constant 9920 : i32
    %dma_wait3A_632 = tpu.memref_slice %arg5[%dma_wait3A_631] : memref<12800xi32, #tpu.memory_space<vmem>> -> memref<320xi32, #tpu.memory_space<vmem>>
    %dma_wait3A_633 = arith.constant 0 : i32
    %dma_wait3A_634 = arith.constant 0 : i32
    %dma_wait3A_635 = tpu.memref_slice %arg3[%dma_wait3A_633, %dma_wait3A_634] : memref<40000x128xf32, #tpu.memory_space<hbm>> -> memref<40000x128xf32, #tpu.memory_space<hbm>>
    tpu.wait_indirect_dma semaphore(%arg9 : memref<!tpu.dma_semaphore, #tpu.memory_space<semaphore_mem>>) src(%dma_wait3A_635 : memref<40000x128xf32, #tpu.memory_space<hbm>>) dst(%arg7 : memref<320x128xf32, #tpu.memory_space<vmem>>)
    %add3A_636 = arith.constant 9920 : i32
    %add3A_637 = arith.addi %mul3A_2, %add3A_636 : i32
    %dma_start3A_638 = arith.constant 0 : i32
    %dma_start3A_639 = tpu.memref_slice %arg4[%add3A_637, %dma_start3A_638] : memref<409600x128xf32, #tpu.memory_space<hbm>> -> memref<320x128xf32, #tpu.memory_space<hbm>>
    %dma_start3A_640 = arith.constant 0 : i32
    %dma_start3A_641 = tpu.memref_slice %arg4[%add3A_637, %dma_start3A_640] : memref<409600x128xf32, #tpu.memory_space<hbm>> -> memref<320x128xf32, #tpu.memory_space<hbm>>
    tpu.enqueue_dma source(%arg7 : memref<320x128xf32, #tpu.memory_space<vmem>>) target(%dma_start3A_641 : memref<320x128xf32, #tpu.memory_space<hbm>>) target_semaphore(%arg11 : memref<!tpu.dma_semaphore, #tpu.memory_space<semaphore_mem>>)
    %dma_wait3A_642 = arith.constant 0 : i32
    %dma_wait3A_643 = tpu.memref_slice %arg4[%add3A_637, %dma_wait3A_642] : memref<409600x128xf32, #tpu.memory_space<hbm>> -> memref<320x128xf32, #tpu.memory_space<hbm>>
    %dma_wait3A_644 = arith.constant 0 : i32
    %dma_wait3A_645 = tpu.memref_slice %arg4[%add3A_637, %dma_wait3A_644] : memref<409600x128xf32, #tpu.memory_space<hbm>> -> memref<320x128xf32, #tpu.memory_space<hbm>>
    tpu.wait_dma2 semaphore(%arg11 : memref<!tpu.dma_semaphore, #tpu.memory_space<semaphore_mem>>) src(%arg7 : memref<320x128xf32, #tpu.memory_space<vmem>>) dst(%dma_wait3A_645 : memref<320x128xf32, #tpu.memory_space<hbm>>)
    %dma_start3A_646 = arith.constant 10560 : i32
    %dma_start3A_647 = tpu.memref_slice %arg5[%dma_start3A_646] : memref<12800xi32, #tpu.memory_space<vmem>> -> memref<320xi32, #tpu.memory_space<vmem>>
    %dma_start3A_648 = arith.constant 0 : i32
    %dma_start3A_649 = arith.constant 0 : i32
    %dma_start3A_650 = tpu.memref_slice %arg3[%dma_start3A_648, %dma_start3A_649] : memref<40000x128xf32, #tpu.memory_space<hbm>> -> memref<40000x128xf32, #tpu.memory_space<hbm>>
    tpu.enqueue_indirect_dma source(%dma_start3A_650 : memref<40000x128xf32, #tpu.memory_space<hbm>>) target(%arg7 : memref<320x128xf32, #tpu.memory_space<vmem>>) offsets(%dma_start3A_647 : memref<320xi32, #tpu.memory_space<vmem>>) semaphore(%arg9 : memref<!tpu.dma_semaphore, #tpu.memory_space<semaphore_mem>>)
    %dma_wait3A_651 = arith.constant 10240 : i32
    %dma_wait3A_652 = tpu.memref_slice %arg5[%dma_wait3A_651] : memref<12800xi32, #tpu.memory_space<vmem>> -> memref<320xi32, #tpu.memory_space<vmem>>
    %dma_wait3A_653 = arith.constant 0 : i32
    %dma_wait3A_654 = arith.constant 0 : i32
    %dma_wait3A_655 = tpu.memref_slice %arg3[%dma_wait3A_653, %dma_wait3A_654] : memref<40000x128xf32, #tpu.memory_space<hbm>> -> memref<40000x128xf32, #tpu.memory_space<hbm>>
    tpu.wait_indirect_dma semaphore(%arg8 : memref<!tpu.dma_semaphore, #tpu.memory_space<semaphore_mem>>) src(%dma_wait3A_655 : memref<40000x128xf32, #tpu.memory_space<hbm>>) dst(%arg6 : memref<320x128xf32, #tpu.memory_space<vmem>>)
    %add3A_656 = arith.constant 10240 : i32
    %add3A_657 = arith.addi %mul3A_2, %add3A_656 : i32
    %dma_start3A_658 = arith.constant 0 : i32
    %dma_start3A_659 = tpu.memref_slice %arg4[%add3A_657, %dma_start3A_658] : memref<409600x128xf32, #tpu.memory_space<hbm>> -> memref<320x128xf32, #tpu.memory_space<hbm>>
    %dma_start3A_660 = arith.constant 0 : i32
    %dma_start3A_661 = tpu.memref_slice %arg4[%add3A_657, %dma_start3A_660] : memref<409600x128xf32, #tpu.memory_space<hbm>> -> memref<320x128xf32, #tpu.memory_space<hbm>>
    tpu.enqueue_dma source(%arg6 : memref<320x128xf32, #tpu.memory_space<vmem>>) target(%dma_start3A_661 : memref<320x128xf32, #tpu.memory_space<hbm>>) target_semaphore(%arg10 : memref<!tpu.dma_semaphore, #tpu.memory_space<semaphore_mem>>)
    %dma_wait3A_662 = arith.constant 0 : i32
    %dma_wait3A_663 = tpu.memref_slice %arg4[%add3A_657, %dma_wait3A_662] : memref<409600x128xf32, #tpu.memory_space<hbm>> -> memref<320x128xf32, #tpu.memory_space<hbm>>
    %dma_wait3A_664 = arith.constant 0 : i32
    %dma_wait3A_665 = tpu.memref_slice %arg4[%add3A_657, %dma_wait3A_664] : memref<409600x128xf32, #tpu.memory_space<hbm>> -> memref<320x128xf32, #tpu.memory_space<hbm>>
    tpu.wait_dma2 semaphore(%arg10 : memref<!tpu.dma_semaphore, #tpu.memory_space<semaphore_mem>>) src(%arg6 : memref<320x128xf32, #tpu.memory_space<vmem>>) dst(%dma_wait3A_665 : memref<320x128xf32, #tpu.memory_space<hbm>>)
    %dma_start3A_666 = arith.constant 10880 : i32
    %dma_start3A_667 = tpu.memref_slice %arg5[%dma_start3A_666] : memref<12800xi32, #tpu.memory_space<vmem>> -> memref<320xi32, #tpu.memory_space<vmem>>
    %dma_start3A_668 = arith.constant 0 : i32
    %dma_start3A_669 = arith.constant 0 : i32
    %dma_start3A_670 = tpu.memref_slice %arg3[%dma_start3A_668, %dma_start3A_669] : memref<40000x128xf32, #tpu.memory_space<hbm>> -> memref<40000x128xf32, #tpu.memory_space<hbm>>
    tpu.enqueue_indirect_dma source(%dma_start3A_670 : memref<40000x128xf32, #tpu.memory_space<hbm>>) target(%arg6 : memref<320x128xf32, #tpu.memory_space<vmem>>) offsets(%dma_start3A_667 : memref<320xi32, #tpu.memory_space<vmem>>) semaphore(%arg8 : memref<!tpu.dma_semaphore, #tpu.memory_space<semaphore_mem>>)
    %dma_wait3A_671 = arith.constant 10560 : i32
    %dma_wait3A_672 = tpu.memref_slice %arg5[%dma_wait3A_671] : memref<12800xi32, #tpu.memory_space<vmem>> -> memref<320xi32, #tpu.memory_space<vmem>>
    %dma_wait3A_673 = arith.constant 0 : i32
    %dma_wait3A_674 = arith.constant 0 : i32
    %dma_wait3A_675 = tpu.memref_slice %arg3[%dma_wait3A_673, %dma_wait3A_674] : memref<40000x128xf32, #tpu.memory_space<hbm>> -> memref<40000x128xf32, #tpu.memory_space<hbm>>
    tpu.wait_indirect_dma semaphore(%arg9 : memref<!tpu.dma_semaphore, #tpu.memory_space<semaphore_mem>>) src(%dma_wait3A_675 : memref<40000x128xf32, #tpu.memory_space<hbm>>) dst(%arg7 : memref<320x128xf32, #tpu.memory_space<vmem>>)
    %add3A_676 = arith.constant 10560 : i32
    %add3A_677 = arith.addi %mul3A_2, %add3A_676 : i32
    %dma_start3A_678 = arith.constant 0 : i32
    %dma_start3A_679 = tpu.memref_slice %arg4[%add3A_677, %dma_start3A_678] : memref<409600x128xf32, #tpu.memory_space<hbm>> -> memref<320x128xf32, #tpu.memory_space<hbm>>
    %dma_start3A_680 = arith.constant 0 : i32
    %dma_start3A_681 = tpu.memref_slice %arg4[%add3A_677, %dma_start3A_680] : memref<409600x128xf32, #tpu.memory_space<hbm>> -> memref<320x128xf32, #tpu.memory_space<hbm>>
    tpu.enqueue_dma source(%arg7 : memref<320x128xf32, #tpu.memory_space<vmem>>) target(%dma_start3A_681 : memref<320x128xf32, #tpu.memory_space<hbm>>) target_semaphore(%arg11 : memref<!tpu.dma_semaphore, #tpu.memory_space<semaphore_mem>>)
    %dma_wait3A_682 = arith.constant 0 : i32
    %dma_wait3A_683 = tpu.memref_slice %arg4[%add3A_677, %dma_wait3A_682] : memref<409600x128xf32, #tpu.memory_space<hbm>> -> memref<320x128xf32, #tpu.memory_space<hbm>>
    %dma_wait3A_684 = arith.constant 0 : i32
    %dma_wait3A_685 = tpu.memref_slice %arg4[%add3A_677, %dma_wait3A_684] : memref<409600x128xf32, #tpu.memory_space<hbm>> -> memref<320x128xf32, #tpu.memory_space<hbm>>
    tpu.wait_dma2 semaphore(%arg11 : memref<!tpu.dma_semaphore, #tpu.memory_space<semaphore_mem>>) src(%arg7 : memref<320x128xf32, #tpu.memory_space<vmem>>) dst(%dma_wait3A_685 : memref<320x128xf32, #tpu.memory_space<hbm>>)
    %dma_start3A_686 = arith.constant 11200 : i32
    %dma_start3A_687 = tpu.memref_slice %arg5[%dma_start3A_686] : memref<12800xi32, #tpu.memory_space<vmem>> -> memref<320xi32, #tpu.memory_space<vmem>>
    %dma_start3A_688 = arith.constant 0 : i32
    %dma_start3A_689 = arith.constant 0 : i32
    %dma_start3A_690 = tpu.memref_slice %arg3[%dma_start3A_688, %dma_start3A_689] : memref<40000x128xf32, #tpu.memory_space<hbm>> -> memref<40000x128xf32, #tpu.memory_space<hbm>>
    tpu.enqueue_indirect_dma source(%dma_start3A_690 : memref<40000x128xf32, #tpu.memory_space<hbm>>) target(%arg7 : memref<320x128xf32, #tpu.memory_space<vmem>>) offsets(%dma_start3A_687 : memref<320xi32, #tpu.memory_space<vmem>>) semaphore(%arg9 : memref<!tpu.dma_semaphore, #tpu.memory_space<semaphore_mem>>)
    %dma_wait3A_691 = arith.constant 10880 : i32
    %dma_wait3A_692 = tpu.memref_slice %arg5[%dma_wait3A_691] : memref<12800xi32, #tpu.memory_space<vmem>> -> memref<320xi32, #tpu.memory_space<vmem>>
    %dma_wait3A_693 = arith.constant 0 : i32
    %dma_wait3A_694 = arith.constant 0 : i32
    %dma_wait3A_695 = tpu.memref_slice %arg3[%dma_wait3A_693, %dma_wait3A_694] : memref<40000x128xf32, #tpu.memory_space<hbm>> -> memref<40000x128xf32, #tpu.memory_space<hbm>>
    tpu.wait_indirect_dma semaphore(%arg8 : memref<!tpu.dma_semaphore, #tpu.memory_space<semaphore_mem>>) src(%dma_wait3A_695 : memref<40000x128xf32, #tpu.memory_space<hbm>>) dst(%arg6 : memref<320x128xf32, #tpu.memory_space<vmem>>)
    %add3A_696 = arith.constant 10880 : i32
    %add3A_697 = arith.addi %mul3A_2, %add3A_696 : i32
    %dma_start3A_698 = arith.constant 0 : i32
    %dma_start3A_699 = tpu.memref_slice %arg4[%add3A_697, %dma_start3A_698] : memref<409600x128xf32, #tpu.memory_space<hbm>> -> memref<320x128xf32, #tpu.memory_space<hbm>>
    %dma_start3A_700 = arith.constant 0 : i32
    %dma_start3A_701 = tpu.memref_slice %arg4[%add3A_697, %dma_start3A_700] : memref<409600x128xf32, #tpu.memory_space<hbm>> -> memref<320x128xf32, #tpu.memory_space<hbm>>
    tpu.enqueue_dma source(%arg6 : memref<320x128xf32, #tpu.memory_space<vmem>>) target(%dma_start3A_701 : memref<320x128xf32, #tpu.memory_space<hbm>>) target_semaphore(%arg10 : memref<!tpu.dma_semaphore, #tpu.memory_space<semaphore_mem>>)
    %dma_wait3A_702 = arith.constant 0 : i32
    %dma_wait3A_703 = tpu.memref_slice %arg4[%add3A_697, %dma_wait3A_702] : memref<409600x128xf32, #tpu.memory_space<hbm>> -> memref<320x128xf32, #tpu.memory_space<hbm>>
    %dma_wait3A_704 = arith.constant 0 : i32
    %dma_wait3A_705 = tpu.memref_slice %arg4[%add3A_697, %dma_wait3A_704] : memref<409600x128xf32, #tpu.memory_space<hbm>> -> memref<320x128xf32, #tpu.memory_space<hbm>>
    tpu.wait_dma2 semaphore(%arg10 : memref<!tpu.dma_semaphore, #tpu.memory_space<semaphore_mem>>) src(%arg6 : memref<320x128xf32, #tpu.memory_space<vmem>>) dst(%dma_wait3A_705 : memref<320x128xf32, #tpu.memory_space<hbm>>)
    %dma_start3A_706 = arith.constant 11520 : i32
    %dma_start3A_707 = tpu.memref_slice %arg5[%dma_start3A_706] : memref<12800xi32, #tpu.memory_space<vmem>> -> memref<320xi32, #tpu.memory_space<vmem>>
    %dma_start3A_708 = arith.constant 0 : i32
    %dma_start3A_709 = arith.constant 0 : i32
    %dma_start3A_710 = tpu.memref_slice %arg3[%dma_start3A_708, %dma_start3A_709] : memref<40000x128xf32, #tpu.memory_space<hbm>> -> memref<40000x128xf32, #tpu.memory_space<hbm>>
    tpu.enqueue_indirect_dma source(%dma_start3A_710 : memref<40000x128xf32, #tpu.memory_space<hbm>>) target(%arg6 : memref<320x128xf32, #tpu.memory_space<vmem>>) offsets(%dma_start3A_707 : memref<320xi32, #tpu.memory_space<vmem>>) semaphore(%arg8 : memref<!tpu.dma_semaphore, #tpu.memory_space<semaphore_mem>>)
    %dma_wait3A_711 = arith.constant 11200 : i32
    %dma_wait3A_712 = tpu.memref_slice %arg5[%dma_wait3A_711] : memref<12800xi32, #tpu.memory_space<vmem>> -> memref<320xi32, #tpu.memory_space<vmem>>
    %dma_wait3A_713 = arith.constant 0 : i32
    %dma_wait3A_714 = arith.constant 0 : i32
    %dma_wait3A_715 = tpu.memref_slice %arg3[%dma_wait3A_713, %dma_wait3A_714] : memref<40000x128xf32, #tpu.memory_space<hbm>> -> memref<40000x128xf32, #tpu.memory_space<hbm>>
    tpu.wait_indirect_dma semaphore(%arg9 : memref<!tpu.dma_semaphore, #tpu.memory_space<semaphore_mem>>) src(%dma_wait3A_715 : memref<40000x128xf32, #tpu.memory_space<hbm>>) dst(%arg7 : memref<320x128xf32, #tpu.memory_space<vmem>>)
    %add3A_716 = arith.constant 11200 : i32
    %add3A_717 = arith.addi %mul3A_2, %add3A_716 : i32
    %dma_start3A_718 = arith.constant 0 : i32
    %dma_start3A_719 = tpu.memref_slice %arg4[%add3A_717, %dma_start3A_718] : memref<409600x128xf32, #tpu.memory_space<hbm>> -> memref<320x128xf32, #tpu.memory_space<hbm>>
    %dma_start3A_720 = arith.constant 0 : i32
    %dma_start3A_721 = tpu.memref_slice %arg4[%add3A_717, %dma_start3A_720] : memref<409600x128xf32, #tpu.memory_space<hbm>> -> memref<320x128xf32, #tpu.memory_space<hbm>>
    tpu.enqueue_dma source(%arg7 : memref<320x128xf32, #tpu.memory_space<vmem>>) target(%dma_start3A_721 : memref<320x128xf32, #tpu.memory_space<hbm>>) target_semaphore(%arg11 : memref<!tpu.dma_semaphore, #tpu.memory_space<semaphore_mem>>)
    %dma_wait3A_722 = arith.constant 0 : i32
    %dma_wait3A_723 = tpu.memref_slice %arg4[%add3A_717, %dma_wait3A_722] : memref<409600x128xf32, #tpu.memory_space<hbm>> -> memref<320x128xf32, #tpu.memory_space<hbm>>
    %dma_wait3A_724 = arith.constant 0 : i32
    %dma_wait3A_725 = tpu.memref_slice %arg4[%add3A_717, %dma_wait3A_724] : memref<409600x128xf32, #tpu.memory_space<hbm>> -> memref<320x128xf32, #tpu.memory_space<hbm>>
    tpu.wait_dma2 semaphore(%arg11 : memref<!tpu.dma_semaphore, #tpu.memory_space<semaphore_mem>>) src(%arg7 : memref<320x128xf32, #tpu.memory_space<vmem>>) dst(%dma_wait3A_725 : memref<320x128xf32, #tpu.memory_space<hbm>>)
    %dma_start3A_726 = arith.constant 11840 : i32
    %dma_start3A_727 = tpu.memref_slice %arg5[%dma_start3A_726] : memref<12800xi32, #tpu.memory_space<vmem>> -> memref<320xi32, #tpu.memory_space<vmem>>
    %dma_start3A_728 = arith.constant 0 : i32
    %dma_start3A_729 = arith.constant 0 : i32
    %dma_start3A_730 = tpu.memref_slice %arg3[%dma_start3A_728, %dma_start3A_729] : memref<40000x128xf32, #tpu.memory_space<hbm>> -> memref<40000x128xf32, #tpu.memory_space<hbm>>
    tpu.enqueue_indirect_dma source(%dma_start3A_730 : memref<40000x128xf32, #tpu.memory_space<hbm>>) target(%arg7 : memref<320x128xf32, #tpu.memory_space<vmem>>) offsets(%dma_start3A_727 : memref<320xi32, #tpu.memory_space<vmem>>) semaphore(%arg9 : memref<!tpu.dma_semaphore, #tpu.memory_space<semaphore_mem>>)
    %dma_wait3A_731 = arith.constant 11520 : i32
    %dma_wait3A_732 = tpu.memref_slice %arg5[%dma_wait3A_731] : memref<12800xi32, #tpu.memory_space<vmem>> -> memref<320xi32, #tpu.memory_space<vmem>>
    %dma_wait3A_733 = arith.constant 0 : i32
    %dma_wait3A_734 = arith.constant 0 : i32
    %dma_wait3A_735 = tpu.memref_slice %arg3[%dma_wait3A_733, %dma_wait3A_734] : memref<40000x128xf32, #tpu.memory_space<hbm>> -> memref<40000x128xf32, #tpu.memory_space<hbm>>
    tpu.wait_indirect_dma semaphore(%arg8 : memref<!tpu.dma_semaphore, #tpu.memory_space<semaphore_mem>>) src(%dma_wait3A_735 : memref<40000x128xf32, #tpu.memory_space<hbm>>) dst(%arg6 : memref<320x128xf32, #tpu.memory_space<vmem>>)
    %add3A_736 = arith.constant 11520 : i32
    %add3A_737 = arith.addi %mul3A_2, %add3A_736 : i32
    %dma_start3A_738 = arith.constant 0 : i32
    %dma_start3A_739 = tpu.memref_slice %arg4[%add3A_737, %dma_start3A_738] : memref<409600x128xf32, #tpu.memory_space<hbm>> -> memref<320x128xf32, #tpu.memory_space<hbm>>
    %dma_start3A_740 = arith.constant 0 : i32
    %dma_start3A_741 = tpu.memref_slice %arg4[%add3A_737, %dma_start3A_740] : memref<409600x128xf32, #tpu.memory_space<hbm>> -> memref<320x128xf32, #tpu.memory_space<hbm>>
    tpu.enqueue_dma source(%arg6 : memref<320x128xf32, #tpu.memory_space<vmem>>) target(%dma_start3A_741 : memref<320x128xf32, #tpu.memory_space<hbm>>) target_semaphore(%arg10 : memref<!tpu.dma_semaphore, #tpu.memory_space<semaphore_mem>>)
    %dma_wait3A_742 = arith.constant 0 : i32
    %dma_wait3A_743 = tpu.memref_slice %arg4[%add3A_737, %dma_wait3A_742] : memref<409600x128xf32, #tpu.memory_space<hbm>> -> memref<320x128xf32, #tpu.memory_space<hbm>>
    %dma_wait3A_744 = arith.constant 0 : i32
    %dma_wait3A_745 = tpu.memref_slice %arg4[%add3A_737, %dma_wait3A_744] : memref<409600x128xf32, #tpu.memory_space<hbm>> -> memref<320x128xf32, #tpu.memory_space<hbm>>
    tpu.wait_dma2 semaphore(%arg10 : memref<!tpu.dma_semaphore, #tpu.memory_space<semaphore_mem>>) src(%arg6 : memref<320x128xf32, #tpu.memory_space<vmem>>) dst(%dma_wait3A_745 : memref<320x128xf32, #tpu.memory_space<hbm>>)
    %dma_start3A_746 = arith.constant 12160 : i32
    %dma_start3A_747 = tpu.memref_slice %arg5[%dma_start3A_746] : memref<12800xi32, #tpu.memory_space<vmem>> -> memref<320xi32, #tpu.memory_space<vmem>>
    %dma_start3A_748 = arith.constant 0 : i32
    %dma_start3A_749 = arith.constant 0 : i32
    %dma_start3A_750 = tpu.memref_slice %arg3[%dma_start3A_748, %dma_start3A_749] : memref<40000x128xf32, #tpu.memory_space<hbm>> -> memref<40000x128xf32, #tpu.memory_space<hbm>>
    tpu.enqueue_indirect_dma source(%dma_start3A_750 : memref<40000x128xf32, #tpu.memory_space<hbm>>) target(%arg6 : memref<320x128xf32, #tpu.memory_space<vmem>>) offsets(%dma_start3A_747 : memref<320xi32, #tpu.memory_space<vmem>>) semaphore(%arg8 : memref<!tpu.dma_semaphore, #tpu.memory_space<semaphore_mem>>)
    %dma_wait3A_751 = arith.constant 11840 : i32
    %dma_wait3A_752 = tpu.memref_slice %arg5[%dma_wait3A_751] : memref<12800xi32, #tpu.memory_space<vmem>> -> memref<320xi32, #tpu.memory_space<vmem>>
    %dma_wait3A_753 = arith.constant 0 : i32
    %dma_wait3A_754 = arith.constant 0 : i32
    %dma_wait3A_755 = tpu.memref_slice %arg3[%dma_wait3A_753, %dma_wait3A_754] : memref<40000x128xf32, #tpu.memory_space<hbm>> -> memref<40000x128xf32, #tpu.memory_space<hbm>>
    tpu.wait_indirect_dma semaphore(%arg9 : memref<!tpu.dma_semaphore, #tpu.memory_space<semaphore_mem>>) src(%dma_wait3A_755 : memref<40000x128xf32, #tpu.memory_space<hbm>>) dst(%arg7 : memref<320x128xf32, #tpu.memory_space<vmem>>)
    %add3A_756 = arith.constant 11840 : i32
    %add3A_757 = arith.addi %mul3A_2, %add3A_756 : i32
    %dma_start3A_758 = arith.constant 0 : i32
    %dma_start3A_759 = tpu.memref_slice %arg4[%add3A_757, %dma_start3A_758] : memref<409600x128xf32, #tpu.memory_space<hbm>> -> memref<320x128xf32, #tpu.memory_space<hbm>>
    %dma_start3A_760 = arith.constant 0 : i32
    %dma_start3A_761 = tpu.memref_slice %arg4[%add3A_757, %dma_start3A_760] : memref<409600x128xf32, #tpu.memory_space<hbm>> -> memref<320x128xf32, #tpu.memory_space<hbm>>
    tpu.enqueue_dma source(%arg7 : memref<320x128xf32, #tpu.memory_space<vmem>>) target(%dma_start3A_761 : memref<320x128xf32, #tpu.memory_space<hbm>>) target_semaphore(%arg11 : memref<!tpu.dma_semaphore, #tpu.memory_space<semaphore_mem>>)
    %dma_wait3A_762 = arith.constant 0 : i32
    %dma_wait3A_763 = tpu.memref_slice %arg4[%add3A_757, %dma_wait3A_762] : memref<409600x128xf32, #tpu.memory_space<hbm>> -> memref<320x128xf32, #tpu.memory_space<hbm>>
    %dma_wait3A_764 = arith.constant 0 : i32
    %dma_wait3A_765 = tpu.memref_slice %arg4[%add3A_757, %dma_wait3A_764] : memref<409600x128xf32, #tpu.memory_space<hbm>> -> memref<320x128xf32, #tpu.memory_space<hbm>>
    tpu.wait_dma2 semaphore(%arg11 : memref<!tpu.dma_semaphore, #tpu.memory_space<semaphore_mem>>) src(%arg7 : memref<320x128xf32, #tpu.memory_space<vmem>>) dst(%dma_wait3A_765 : memref<320x128xf32, #tpu.memory_space<hbm>>)
    %dma_start3A_766 = arith.constant 12480 : i32
    %dma_start3A_767 = tpu.memref_slice %arg5[%dma_start3A_766] : memref<12800xi32, #tpu.memory_space<vmem>> -> memref<320xi32, #tpu.memory_space<vmem>>
    %dma_start3A_768 = arith.constant 0 : i32
    %dma_start3A_769 = arith.constant 0 : i32
    %dma_start3A_770 = tpu.memref_slice %arg3[%dma_start3A_768, %dma_start3A_769] : memref<40000x128xf32, #tpu.memory_space<hbm>> -> memref<40000x128xf32, #tpu.memory_space<hbm>>
    tpu.enqueue_indirect_dma source(%dma_start3A_770 : memref<40000x128xf32, #tpu.memory_space<hbm>>) target(%arg7 : memref<320x128xf32, #tpu.memory_space<vmem>>) offsets(%dma_start3A_767 : memref<320xi32, #tpu.memory_space<vmem>>) semaphore(%arg9 : memref<!tpu.dma_semaphore, #tpu.memory_space<semaphore_mem>>)
    %dma_wait3A_771 = arith.constant 12160 : i32
    %dma_wait3A_772 = tpu.memref_slice %arg5[%dma_wait3A_771] : memref<12800xi32, #tpu.memory_space<vmem>> -> memref<320xi32, #tpu.memory_space<vmem>>
    %dma_wait3A_773 = arith.constant 0 : i32
    %dma_wait3A_774 = arith.constant 0 : i32
    %dma_wait3A_775 = tpu.memref_slice %arg3[%dma_wait3A_773, %dma_wait3A_774] : memref<40000x128xf32, #tpu.memory_space<hbm>> -> memref<40000x128xf32, #tpu.memory_space<hbm>>
    tpu.wait_indirect_dma semaphore(%arg8 : memref<!tpu.dma_semaphore, #tpu.memory_space<semaphore_mem>>) src(%dma_wait3A_775 : memref<40000x128xf32, #tpu.memory_space<hbm>>) dst(%arg6 : memref<320x128xf32, #tpu.memory_space<vmem>>)
    %add3A_776 = arith.constant 12160 : i32
    %add3A_777 = arith.addi %mul3A_2, %add3A_776 : i32
    %dma_start3A_778 = arith.constant 0 : i32
    %dma_start3A_779 = tpu.memref_slice %arg4[%add3A_777, %dma_start3A_778] : memref<409600x128xf32, #tpu.memory_space<hbm>> -> memref<320x128xf32, #tpu.memory_space<hbm>>
    %dma_start3A_780 = arith.constant 0 : i32
    %dma_start3A_781 = tpu.memref_slice %arg4[%add3A_777, %dma_start3A_780] : memref<409600x128xf32, #tpu.memory_space<hbm>> -> memref<320x128xf32, #tpu.memory_space<hbm>>
    tpu.enqueue_dma source(%arg6 : memref<320x128xf32, #tpu.memory_space<vmem>>) target(%dma_start3A_781 : memref<320x128xf32, #tpu.memory_space<hbm>>) target_semaphore(%arg10 : memref<!tpu.dma_semaphore, #tpu.memory_space<semaphore_mem>>)
    %dma_wait3A_782 = arith.constant 12480 : i32
    %dma_wait3A_783 = tpu.memref_slice %arg5[%dma_wait3A_782] : memref<12800xi32, #tpu.memory_space<vmem>> -> memref<320xi32, #tpu.memory_space<vmem>>
    %dma_wait3A_784 = arith.constant 0 : i32
    %dma_wait3A_785 = arith.constant 0 : i32
    %dma_wait3A_786 = tpu.memref_slice %arg3[%dma_wait3A_784, %dma_wait3A_785] : memref<40000x128xf32, #tpu.memory_space<hbm>> -> memref<40000x128xf32, #tpu.memory_space<hbm>>
    tpu.wait_indirect_dma semaphore(%arg9 : memref<!tpu.dma_semaphore, #tpu.memory_space<semaphore_mem>>) src(%dma_wait3A_786 : memref<40000x128xf32, #tpu.memory_space<hbm>>) dst(%arg7 : memref<320x128xf32, #tpu.memory_space<vmem>>)
    %add3A_787 = arith.constant 12480 : i32
    %add3A_788 = arith.addi %mul3A_2, %add3A_787 : i32
    %dma_start3A_789 = arith.constant 0 : i32
    %dma_start3A_790 = tpu.memref_slice %arg4[%add3A_788, %dma_start3A_789] : memref<409600x128xf32, #tpu.memory_space<hbm>> -> memref<320x128xf32, #tpu.memory_space<hbm>>
    %dma_start3A_791 = arith.constant 0 : i32
    %dma_start3A_792 = tpu.memref_slice %arg4[%add3A_788, %dma_start3A_791] : memref<409600x128xf32, #tpu.memory_space<hbm>> -> memref<320x128xf32, #tpu.memory_space<hbm>>
    tpu.enqueue_dma source(%arg7 : memref<320x128xf32, #tpu.memory_space<vmem>>) target(%dma_start3A_792 : memref<320x128xf32, #tpu.memory_space<hbm>>) target_semaphore(%arg11 : memref<!tpu.dma_semaphore, #tpu.memory_space<semaphore_mem>>)
    %dma_wait3A_793 = arith.constant 0 : i32
    %dma_wait3A_794 = tpu.memref_slice %arg4[%add3A_777, %dma_wait3A_793] : memref<409600x128xf32, #tpu.memory_space<hbm>> -> memref<320x128xf32, #tpu.memory_space<hbm>>
    %dma_wait3A_795 = arith.constant 0 : i32
    %dma_wait3A_796 = tpu.memref_slice %arg4[%add3A_777, %dma_wait3A_795] : memref<409600x128xf32, #tpu.memory_space<hbm>> -> memref<320x128xf32, #tpu.memory_space<hbm>>
    tpu.wait_dma2 semaphore(%arg10 : memref<!tpu.dma_semaphore, #tpu.memory_space<semaphore_mem>>) src(%arg6 : memref<320x128xf32, #tpu.memory_space<vmem>>) dst(%dma_wait3A_796 : memref<320x128xf32, #tpu.memory_space<hbm>>)
    %dma_wait3A_797 = arith.constant 0 : i32
    %dma_wait3A_798 = tpu.memref_slice %arg4[%add3A_788, %dma_wait3A_797] : memref<409600x128xf32, #tpu.memory_space<hbm>> -> memref<320x128xf32, #tpu.memory_space<hbm>>
    %dma_wait3A_799 = arith.constant 0 : i32
    %dma_wait3A_800 = tpu.memref_slice %arg4[%add3A_788, %dma_wait3A_799] : memref<409600x128xf32, #tpu.memory_space<hbm>> -> memref<320x128xf32, #tpu.memory_space<hbm>>
    tpu.wait_dma2 semaphore(%arg11 : memref<!tpu.dma_semaphore, #tpu.memory_space<semaphore_mem>>) src(%arg7 : memref<320x128xf32, #tpu.memory_space<vmem>>) dst(%dma_wait3A_800 : memref<320x128xf32, #tpu.memory_space<hbm>>)
    return
  }
}

module attributes {stable_mosaic.version = 14 : i64} {
  func.func @_rank_body(%arg0: i32, %arg1: memref<64x200xi32, #tpu.memory_space<vmem>>, %arg2: memref<64x200xf32, #tpu.memory_space<vmem>>, %arg3: memref<64x100xi32, #tpu.memory_space<vmem>>) attributes {dimension_semantics = [#tpu.dimension_semantics<arbitrary>], iteration_bounds = array<i64: 64>, scalar_prefetch = 0 : i64, scratch_operands = 0 : i64, tpu.core_type = #tpu.core_type<tc>, window_params = [{transform_indices = @transform_0, window_bounds = array<i64: 64, 200>}, {transform_indices = @transform_1, window_bounds = array<i64: 64, 200>}, {transform_indices = @transform_2, window_bounds = array<i64: 64, 100>}]} {
    %get3A = arith.constant 0 : index
    %get3A_0 = arith.constant 0 : index
    %get3A_1 = vector.load %arg1[%get3A, %get3A_0] : memref<64x200xi32, #tpu.memory_space<vmem>>, vector<64x200xi32>
    %get3A_2 = arith.constant 0 : index
    %get3A_3 = arith.constant 0 : index
    %get3A_4 = vector.load %arg2[%get3A_2, %get3A_3] : memref<64x200xf32, #tpu.memory_space<vmem>>, vector<64x200xf32>
    %eq3A = arith.constant 0 : i32
    %eq3A_5 = vector.broadcast %eq3A : i32 to vector<64x200xi32>
    %eq3A_6 = arith.cmpi eq, %get3A_1, %eq3A_5 : vector<64x200xi32>
    %jit3A = arith.constant 0x7F800000 : f32
    %broadcast_in_dim3A = vector.broadcast %jit3A : f32 to vector<64x200xf32>
    %select_n3A = arith.select %eq3A_6, %broadcast_in_dim3A, %get3A_4 : vector<64x200xi1>, vector<64x200xf32>
    %broadcast_in_dim3A_7 = vector.shape_cast %select_n3A : vector<64x200xf32> to vector<64x200x1xf32>
    %broadcast_in_dim3A_8 = vector.shape_cast %select_n3A : vector<64x200xf32> to vector<64x1x200xf32>
    %iota3A = tpu.iota {dimensions = array<i32: 2>} : vector<1x200x200xi32>
    %iota3A_9 = tpu.iota {dimensions = array<i32: 1>} : vector<1x200x200xi32>
    %lt3A = arith.cmpi slt, %iota3A, %iota3A_9 : vector<1x200x200xi32>
    %lt3A_10 = vector.broadcast %broadcast_in_dim3A_8 : vector<64x1x200xf32> to vector<64x200x200xf32>
    %lt3A_11 = vector.broadcast %broadcast_in_dim3A_7 : vector<64x200x1xf32> to vector<64x200x200xf32>
    %lt3A_12 = arith.cmpf olt, %lt3A_10, %lt3A_11 : vector<64x200x200xf32>
    %eq3A_13 = vector.broadcast %broadcast_in_dim3A_8 : vector<64x1x200xf32> to vector<64x200x200xf32>
    %eq3A_14 = vector.broadcast %broadcast_in_dim3A_7 : vector<64x200x1xf32> to vector<64x200x200xf32>
    %eq3A_15 = arith.cmpf oeq, %eq3A_13, %eq3A_14 : vector<64x200x200xf32>
    %and3A = vector.broadcast %lt3A : vector<1x200x200xi1> to vector<64x200x200xi1>
    %and3A_16 = arith.andi %eq3A_15, %and3A : vector<64x200x200xi1>
    %or3A = arith.ori %lt3A_12, %and3A_16 : vector<64x200x200xi1>
    %convert_element_type3A = arith.extui %or3A : vector<64x200x200xi1> to vector<64x200x200xi32>
    %convert_element_type3A_17 = arith.sitofp %convert_element_type3A : vector<64x200x200xi32> to vector<64x200x200xf32>
    %reduce_sum3A = arith.constant dense<0.000000e+00> : vector<64x200xf32>
    %reduce_sum3A_18 = vector.multi_reduction <add>, %convert_element_type3A_17, %reduce_sum3A [2] : vector<64x200x200xf32> to vector<64x200xf32>
    %iota3A_19 = tpu.iota {dimensions = array<i32: 0>} : vector<200x100xi32>
    %iota3A_20 = tpu.iota {dimensions = array<i32: 1>} : vector<200x100xi32>
    %mul3A = arith.constant 2 : i32
    %mul3A_21 = vector.broadcast %mul3A : i32 to vector<200x100xi32>
    %mul3A_22 = arith.muli %mul3A_21, %iota3A_20 : vector<200x100xi32>
    %eq3A_23 = arith.cmpi eq, %iota3A_19, %mul3A_22 : vector<200x100xi32>
    %jit3A_24 = arith.constant 2.000000e+02 : f32
    %jit3A_25 = arith.constant 0.000000e+00 : f32
    %broadcast_in_dim3A_26 = vector.broadcast %jit3A_24 : f32 to vector<200x100xf32>
    %broadcast_in_dim3A_27 = vector.broadcast %jit3A_25 : f32 to vector<200x100xf32>
    %select_n3A_28 = arith.select %eq3A_23, %broadcast_in_dim3A_26, %broadcast_in_dim3A_27 : vector<200x100xi1>, vector<200x100xf32>
    %mul3A_29 = arith.constant 2 : i32
    %mul3A_30 = vector.broadcast %mul3A_29 : i32 to vector<200x100xi32>
    %mul3A_31 = arith.muli %mul3A_30, %iota3A_20 : vector<200x100xi32>
    %add3A = arith.constant 1 : i32
    %add3A_32 = vector.broadcast %add3A : i32 to vector<200x100xi32>
    %add3A_33 = arith.addi %mul3A_31, %add3A_32 : vector<200x100xi32>
    %eq3A_34 = arith.cmpi eq, %iota3A_19, %add3A_33 : vector<200x100xi32>
    %jit3A_35 = arith.constant 1.000000e+00 : f32
    %jit3A_36 = arith.constant 0.000000e+00 : f32
    %broadcast_in_dim3A_37 = vector.broadcast %jit3A_35 : f32 to vector<200x100xf32>
    %broadcast_in_dim3A_38 = vector.broadcast %jit3A_36 : f32 to vector<200x100xf32>
    %select_n3A_39 = arith.select %eq3A_34, %broadcast_in_dim3A_37, %broadcast_in_dim3A_38 : vector<200x100xi1>, vector<200x100xf32>
    %add3A_40 = arith.addf %select_n3A_28, %select_n3A_39 : vector<200x100xf32>
    %dot_general3A = arith.constant dense<0.000000e+00> : vector<64x100xf32>
    %dot_general3A_41 = tpu.matmul %reduce_sum3A_18, %add3A_40, %dot_general3A {dimension_numbers = #tpu.dot_dimension_numbers<[1], [0], [0], [1], [0, 0, 1, 1], [], []>, transpose_lhs_hint = false} : vector<64x200xf32>, vector<200x100xf32>, vector<64x100xf32> -> vector<64x100xf32>
    %add3A_42 = arith.constant 5.000000e-01 : f32
    %add3A_43 = vector.broadcast %add3A_42 : f32 to vector<64x100xf32>
    %add3A_44 = arith.addf %dot_general3A_41, %add3A_43 : vector<64x100xf32>
    %convert_element_type3A_45 = arith.fptosi %add3A_44 : vector<64x100xf32> to vector<64x100xi32>
    %swap3A = arith.constant 0 : index
    %swap3A_46 = arith.constant 0 : index
    %swap3A_47 = vector.load %arg3[%swap3A, %swap3A_46] : memref<64x100xi32, #tpu.memory_space<vmem>>, vector<64x100xi32>
    tpu.vector_store %arg3[%swap3A, %swap3A_46], %convert_element_type3A_45 {strides = array<i32>} : memref<64x100xi32, #tpu.memory_space<vmem>>, vector<64x100xi32>,
    return
  }
  func.func @transform_0(%arg0: i32) -> (i32, i32) {
    %c0_i32 = arith.constant 0 : i32
    %c0_i32_0 = arith.constant 0 : i32
    return %arg0, %c0_i32 : i32, i32
  }
  func.func @transform_1(%arg0: i32) -> (i32, i32) {
    %c0_i32 = arith.constant 0 : i32
    %c0_i32_0 = arith.constant 0 : i32
    return %arg0, %c0_i32 : i32, i32
  }
  func.func @transform_2(%arg0: i32) -> (i32, i32) {
    %c0_i32 = arith.constant 0 : i32
    %c0_i32_0 = arith.constant 0 : i32
    return %arg0, %c0_i32 : i32, i32
  }
}

module attributes {stable_mosaic.version = 14 : i64} {
  func.func @_pair_table_body(%arg0: i32, %arg1: memref<200x64xf32, #tpu.memory_space<vmem>>, %arg2: memref<1600x128xf32, #tpu.memory_space<vmem>>) attributes {dimension_semantics = [#tpu.dimension_semantics<arbitrary>], iteration_bounds = array<i64: 25>, scalar_prefetch = 0 : i64, scratch_operands = 0 : i64, tpu.core_type = #tpu.core_type<tc>, window_params = [{pipeline_mode = #tpu.pipeline_mode<synchronous>, transform_indices = @transform_0, window_bounds = array<i64: 200, 64>}, {transform_indices = @transform_1, window_bounds = array<i64: 1600, 128>}]} {
    %mul3A = arith.constant 8 : i32
    %mul3A_0 = arith.muli %mul3A, %arg0 : i32
    %get3A = arith.index_cast %mul3A_0 : i32 to index
    %get3A_1 = arith.constant 0 : index
    %get3A_2 = vector.load %arg1[%get3A, %get3A_1] : memref<200x64xf32, #tpu.memory_space<vmem>>, vector<8x64xf32>
    %broadcast_in_dim3A = vector.shape_cast %get3A_2 : vector<8x64xf32> to vector<8x1x64xf32>
    %broadcast_in_dim3A_3 = vector.shape_cast %broadcast_in_dim3A : vector<8x1x64xf32> to vector<8x1x64xf32>
    %broadcast_in_dim3A_4 = vector.broadcast %broadcast_in_dim3A_3 : vector<8x1x64xf32> to vector<8x200x64xf32>
    %get3A_5 = arith.constant 0 : index
    %get3A_6 = arith.constant 0 : index
    %get3A_7 = vector.load %arg1[%get3A_5, %get3A_6] : memref<200x64xf32, #tpu.memory_space<vmem>>, vector<200x64xf32>
    %broadcast_in_dim3A_8 = vector.shape_cast %get3A_7 : vector<200x64xf32> to vector<1x200x64xf32>
    %broadcast_in_dim3A_9 = vector.shape_cast %broadcast_in_dim3A_8 : vector<1x200x64xf32> to vector<1x200x64xf32>
    %broadcast_in_dim3A_10 = vector.broadcast %broadcast_in_dim3A_9 : vector<1x200x64xf32> to vector<8x200x64xf32>
    %reshape3A = vector.shape_cast %broadcast_in_dim3A_4 : vector<8x200x64xf32> to vector<1600x64xf32>
    %swap3A = arith.constant 0 : index
    %swap3A_11 = arith.constant 0 : index
    %swap3A_12 = vector.load %arg2[%swap3A, %swap3A_11] : memref<1600x128xf32, #tpu.memory_space<vmem>>, vector<1600x64xf32>
    tpu.vector_store %arg2[%swap3A, %swap3A_11], %reshape3A {strides = array<i32>} : memref<1600x128xf32, #tpu.memory_space<vmem>>, vector<1600x64xf32>,
    %reshape3A_13 = vector.shape_cast %broadcast_in_dim3A_10 : vector<8x200x64xf32> to vector<1600x64xf32>
    %swap3A_14 = arith.constant 0 : index
    %swap3A_15 = arith.constant 64 : index
    %swap3A_16 = vector.load %arg2[%swap3A_14, %swap3A_15] : memref<1600x128xf32, #tpu.memory_space<vmem>>, vector<1600x64xf32>
    tpu.vector_store %arg2[%swap3A_14, %swap3A_15], %reshape3A_13 {strides = array<i32>} : memref<1600x128xf32, #tpu.memory_space<vmem>>, vector<1600x64xf32>,
    return
  }
  func.func @transform_0(%arg0: i32) -> (i32, i32) {
    %c0_i32 = arith.constant 0 : i32
    %c0_i32_0 = arith.constant 0 : i32
    %c0_i32_1 = arith.constant 0 : i32
    return %c0_i32, %c0_i32_0 : i32, i32
  }
  func.func @transform_1(%arg0: i32) -> (i32, i32) {
    %c0_i32 = arith.constant 0 : i32
    %c0_i32_0 = arith.constant 0 : i32
    return %arg0, %c0_i32 : i32, i32
  }
}

</mosaic_0001>

<sc_bundles>
// kernel: kernel.5.cloned.1.call-start
scs
__scs_entry_jumppad:
0x0: {  	(pc) =	sbr.rel $0x88, $3  }
0x1: {  	(tag) =	ssettag $0x0;
	lr =	simm.s32 $0x1  }
0x2: {  	[smem:$0x3F9E] =	sst lr;
	_ =	strace $0xD0000000  }
0x3: {  	_ = 	snop  }
0x4: {  	_ = 	snop  }
0x5: {  	_ = 	snop  }
0x6: {  	_ = 	snop  }
0x7: {  	_ = 	snop  }
__scs_overlays_trampoline_lowered:
0x8: {  	[smem:$0x3FAD] =	sst s0  }
0x9: {  	[smem:$0x3FAE] =	sst s1  }
0xa: {  	[smem:$0x3FAF] =	sst s2  }
0xb: {  	[smem:$0x3FB0] =	sst s3  }
0xc: {  	[smem:$0x3FB1] =	sst s4  }
0xd: {  	[smem:$0x3FB2] =	sst s5  }
0xe: {  	[smem:$0x3FB3] =	sst s6  }
0xf: {  	[smem:$0x3FB4] =	sst s7  }
0x10: {  	[smem:$0x3FB5] =	sst s8  }
0x11: {  	[smem:$0x3FB6] =	sst s9;
	s0 =	simm.s32 @!p0 $0x0  }
0x12: {  	s1 =	sld [smem:$0x3F9C];
	s0 =	simm.s32 @p0 $0x1  }
0x13: {  	[smem:$0x3FB7] =	sst s0;
	s0 =	simm.s32 @!p1 $0x0  }
0x14: {  	s2 =	sld [smem:$0x3F9B];
	s0 =	simm.s32 @p1 $0x1  }
0x15: {  	[smem:$0x3FB8] =	sst s0;
	s0 =	simm.s32 @!p2 $0x0  }
0x16: {  	s3 =	sld [smem:$0x3FDB];
	s0 =	simm.s32 @p2 $0x1  }
0x17: {  	s4 =	simm.s32 $0x1BF5;
	[smem:$0x3FBA] =	sst s0  }
0x18: {  	s0 =	sld [smem:$0x3F9D];
	_ =	swait.ge [sflag:s4], $0x0  }
0x19: {  	s7 =	sld [smem:$0x3F9E]  }
0x1a: {  	s8 =	sadd.s32 $0xFFFFE003, lr  }
0x1b: {  	s9 =	sadd.s32 $0xFFFFFEF7, lr;
	s5 =	simm.s32 $0xFFFFFFFF;
	p2 =	slt.u32 s8, $0xFFFFF086  }
0x1c: {  	p1 =	slt.u32 s9, $0xF7A;
	s5 =	simm.s32 @!p2 $0x0  }
0x1d: {  	s5 =	simm.s32 @p1 $0x1;
	p0 =	seq.s32 s7, s2  }
0x1e: {  	s7 =	smul.u32 @!p0 $0xF7A, s2;
	p2 =	seq.s32 @!p0 s5, $0x0  }
0x1f: {  	s9 =	smul.u32 $0xF7A, s1;
	s8 =	simm.s32 @!p0 $0x1BF5;
	p2 =	por !p2, p0  }
0x20: {  	[sflag:s8] =	ssyncset.s32 @!p0 $0xFFFFF086;
	s6 =	sadd.s32 @!p0 s3, s7;
	s7 =	simm.s32 @!p0 $0x108  }
0x21: {  	s3 =	sadd.s32 s3, s9;
	s6 =	sadd.s32 @!p0 $0x88, s6;
	s7 =	simm.s32 @p2 $0x1082  }
0x22: {  	[simem:s7], [sflag:s8] =	dma.local @!p0 [hbm:s6], $0xF7A  }
0x23: {  	s9 =	sor.u32 $0xD0000000, s2;
	s6 =	simm.s32 $0x108;
	_ =	swait.ge @!p0 [sflag:s8], $0x0  }
0x24: {  	s3 =	sadd.s32 $0x88, s3;
	s6 =	simm.s32 @!p1 $0x1082;
	[sflag:s4] =	ssyncset.s32 $0xFFFFF086  }
0x25: {  	[simem:s6], [sflag:s4] =	dma.local [hbm:s3], $0xF7A  }
0x26: {  	[smem:$0x3F9E] =	sst s1;
	(tag) =	ssettag s2;
	_ =	strace s9  }
0x27: {  	s1 =	sld [smem:$0x3FAE]  }
0x28: {  	s2 =	sld [smem:$0x3FAF]  }
0x29: {  	s4 =	sld [smem:$0x3FB1]  }
0x2a: {  	p0 =	seq.s32 s5, $0x0;
	s5 =	sld [smem:$0x3FB2]  }
0x2b: {  	s6 =	sld [smem:$0x3FB3]  }
0x2c: {  	s7 =	sld [smem:$0x3FB4]  }
0x2d: {  	s3 =	simm.s32 $0x108;
	s8 =	sld [smem:$0x3FB5]  }
0x2e: {  	s3 =	simm.s32 @!p0 $0x1082;
	s9 =	sld [smem:$0x3FB6]  }
0x2f: {  	lr =	sadd.s32 s0, s3;
	s0 =	sld [smem:$0x3FAD]  }
0x30: {  	s3 =	sld [smem:$0x3FB0]  }
0x31: {  	[smem:$0x3FB9] =	sst s10  }
0x32: {  	s10 =	sld [smem:$0x3FB7];
	_ =	sdelay $0x3  }
0x33: {  	p0 =	seq.s32 s10, $0x1;
	s10 =	sld [smem:$0x3FB9];
	_ =	sdelay $0x3  }
0x34: {  	[smem:$0x3FB9] =	sst s10  }
0x35: {  	s10 =	sld [smem:$0x3FB8];
	_ =	sdelay $0x3  }
0x36: {  	p1 =	seq.s32 s10, $0x1;
	s10 =	sld [smem:$0x3FB9];
	_ =	sdelay $0x3  }
0x37: {  	[smem:$0x3FB9] =	sst s10  }
0x38: {  	s10 =	sld [smem:$0x3FBA]  }
0x39: {  	_ = 	snop;
	(pc) =	sbr.ind lr, $3  }
0x3a: {  	_ = 	snop  }
0x3b: {  	_ = 	snop  }
0x3c: {  	p2 =	seq.s32 s10, $0x1;
	s10 =	sld [smem:$0x3FB9]  }
0x3d: {  	_ =	shalt  }
0x3e: {  	_ =	shalt  }
0x3f: {  	_ =	shalt  }
0x40: {  	_ =	shalt  }
0x41: {  	_ =	shalt  }
0x42: {  	_ =	shalt  }
0x43: {  	_ =	shalt  }
0x44: {  	_ =	shalt  }
0x45: {  	_ =	shalt  }
0x46: {  	_ =	shalt  }
0x47: {  	_ =	shalt  }
0x48: {  	_ =	shalt  }
0x49: {  	_ =	shalt  }
0x4a: {  	_ =	shalt  }
0x4b: {  	_ =	shalt  }
0x4c: {  	_ =	shalt  }
0x4d: {  	_ =	shalt  }
0x4e: {  	_ =	shalt  }
0x4f: {  	_ =	shalt  }
0x50: {  	_ =	shalt  }
0x51: {  	_ =	shalt  }
0x52: {  	_ =	shalt  }
0x53: {  	_ =	shalt  }
0x54: {  	_ =	shalt  }
0x55: {  	_ =	shalt  }
0x56: {  	_ =	shalt  }
0x57: {  	_ =	shalt  }
0x58: {  	_ =	shalt  }
0x59: {  	_ =	shalt  }
0x5a: {  	_ =	shalt  }
0x5b: {  	_ =	shalt  }
0x5c: {  	_ =	shalt  }
0x5d: {  	_ =	shalt  }
0x5e: {  	_ =	shalt  }
0x5f: {  	_ =	shalt  }
0x60: {  	_ =	shalt  }
0x61: {  	_ =	shalt  }
0x62: {  	_ =	shalt  }
0x63: {  	_ =	shalt  }
0x64: {  	_ =	shalt  }
0x65: {  	_ =	shalt  }
0x66: {  	_ =	shalt  }
0x67: {  	_ =	shalt  }
0x68: {  	_ =	shalt  }
0x69: {  	_ =	shalt  }
0x6a: {  	_ =	shalt  }
0x6b: {  	_ =	shalt  }
0x6c: {  	_ =	shalt  }
0x6d: {  	_ =	shalt  }
0x6e: {  	_ =	shalt  }
0x6f: {  	_ =	shalt  }
0x70: {  	_ =	shalt  }
0x71: {  	_ =	shalt  }
0x72: {  	_ =	shalt  }
0x73: {  	_ =	shalt  }
0x74: {  	_ =	shalt  }
0x75: {  	_ =	shalt  }
0x76: {  	_ =	shalt  }
0x77: {  	_ =	shalt  }
0x78: {  	_ =	shalt  }
0x79: {  	_ =	shalt  }
0x7a: {  	_ =	shalt  }
0x7b: {  	_ =	shalt  }
0x7c: {  	_ =	shalt  }
0x7d: {  	_ =	shalt  }
0x7e: {  	_ =	shalt  }
0x7f: {  	_ =	shalt  }
0x80: {  	_ =	shalt  }
0x81: {  	_ =	shalt  }
0x82: {  	_ =	shalt  }
0x83: {  	_ =	shalt  }
0x84: {  	_ =	shalt  }
0x85: {  	_ =	shalt  }
0x86: {  	_ =	shalt  }
0x87: {  	_ =	shalt  }
.Lfunc_end0:
.L_simem_size_0:
called_computation.1_lowered:
.L_overlay_start_0:
0x88: {  	s2 =	sld [smem:$0x3FD9]  }
0x89: {  	s3 =	sld [smem:$0x3FFE];
	_ =	sdelay $0x1  }
0x8a: {  	s1 =	srdreg.scid  }
0x8b: {  	s0 =	sand.u32 $0x1, s1  }
0x8c: {  	s17 =	sshll.u32 s0, $0xA;
	s2 =	sadd.s32 s3, s2  }
0x8d: {  	s2 =	sadd.s32 s2, s17  }
0x8e: {  	[smem:$0x3FC5] =	sst s2  }
0x8f: {  	_ = 	snop  }
0x90: {  	s2 =	sld [smem:$0x3FD0];
	(tm) =	ssettm $0x1  }
0x91: {  	s18 =	sld [smem:$0x3FFB];
	_ =	sdelay $0x3  }
0x92: {  	_ =	strace s18  }
0x93: {  	s3 =	sld [smem:$0x3FFC];
	_ =	sdelay $0x3  }
0x94: {  	_ =	strace s3  }
0x95: {  	s3 =	sld [smem:$0x3FFD];
	_ =	sdelay $0x3  }
0x96: {  	_ =	strace s3  }
0x97: {  	_ =	strace $0x8FFFFFFF  }
0x98: {  	s19 =	sld [smem:$0x3FDB];
	_ =	sdelay $0x1  }
0x99: {  	s4 =	simm.s32 $_scs_section_size  }
0x9a: {  	s5 =	simm.s32 $_size__tile_overlayer_lowered;
	s6 =	simm.s32 $_tile_overlayer_lowered  }
0x9b: {  	s22 =	simm.s32 $0x1BFF;
	s21 =	sshll.u32 s6, $0x1;
	s3 =	sadd.s32 s4, s19  }
0x9c: {  	s7 =	simm.s32 $0x0;
	s20 =	sshll.u32 s5, $0x1;
	s5 =	sadd.s32 s21, s3  }
0x9d: {  	[timem:s7], [sflag:s22] =	dma.local [hbm:s5], s20  }
0x9e: {  	_ =	swait.ge [sflag:s22], s20  }
0x9f: {  	s4 =	ssub.s32 $0x0, s20;
	[sflag:s22] =	ssyncset.done $0x0  }
0xa0: {  	[sflag:s22] =	ssyncadd.s32 s4;
	_ =	sdelay $0x1  }
0xa1: {  	s23 =	simm.s32 $0x1B8B  }
0xa2: {  	_ =	swait.ge [sflag:s23], $0x1  }
0xa3: {  	[sflag:s23] =	ssyncset.done $0x0  }
0xa4: {  	s25 =	simm.s32 $0x1B8E;
	s24 =	sld [smem:$0x3FFE];
	[sflag:s23] =	ssyncadd.s32 $0xFFFFFFFF  }
0xa5: {  	s26 =	simm.s32 $execute0_lowered;
	[smem:$0x3FD2] =	sst s25  }
0xa6: {  	s5 =	sshll.u32 s26, $0x1;
	_ =	strace $0x80000046;
	[dreg:$0x1] =	wrdreg $0xFFFFFFFF  }
0xa7: {  	s28 =	simm.s32 $_size_execute0_lowered;
	s3 =	sadd.s32 s3, s5;
	[dreg:$0x0] =	wrdreg $0x0  }
0xa8: {  	s5 =	sshll.u32 s28, $0x1;
	[dreg:$0x2] =	wrdreg s3  }
0xa9: {  	[dreg:$0x3] =	wrdreg s5  }
0xaa: {  	[dreg:$0x4] =	wrdreg $0xC0  }
0xab: {  	_ =	task [dreg:s7], $0x5FFFF  }
0xac: {  	[dreg:$0x1] =	wrdreg $0xFFFFFFFF  }
0xad: {  	[dreg:$0x0] =	wrdreg $0x60  }
0xae: {  	[dreg:$0x2] =	wrdreg s24  }
0xaf: {  	[dreg:$0x3] =	wrdreg s2  }
0xb0: {  	[dreg:$0x4] =	wrdreg $0x9  }
0xb1: {  	_ =	task.clear_ibuf [dreg:s7], $0x5FFFF;
	_ =	strace $0x90000046  }
0xb2: {  	s29 =	simm.s32 $0x9;
	_ =	strace $0x80000048  }
0xb3: {  	_ =	swait.ge [sflag:s29], $0x1  }
0xb4: {  	[sflag:s29] =	ssyncadd.s32 $0xFFFFFFFF  }
0xb5: {  	_ =	strace $0x90000048  }
0xb6: {  	_ =	sfence  }
0xb7: {  	s30 =	sld [smem:$0x0];
	_ =	sdelay $0x2  }
0xb8: {  	s31 =	sshll.u32 s1, $0xD;
	s1 =	sshrl.u32 s1, $0x2  }
0xb9: {  	s3 =	sand.u32 $0x4000, s31;
	s1 =	sadd.s32 s1, s30  }
0xba: {  	s0 =	sor.u32 s3, s0;
	s1 =	sshll.u32 s1, $0x11  }
0xbb: {  	s0 =	sor.u32 s1, s0  }
0xbc: {  	s0 =	sadd.s32 $0x8F2B, s0  }
0xbd: {  	[sflag:s0] =	ssyncadd.remote.s32 $0x1  }
0xbe: {  	_ =	sfence.sel $0xFFFF  }
0xbf: {  	[dreg:$0x0] =	wrdreg $0xFFFFFFFF;
	(pc) =	sbr.abs _section_cstart, $3  }
0xc0: {  	[dreg:$0x1] =	wrdreg $0xFFFFFFFF  }
0xc1: {  	_ =	task.clear_ibuf [dreg:s7], $0x2FFFF;
	_ =	strace $0x9FFFFFFF  }
0xc2: {  	(tm) =	ssettm $0x7FFFFFFF  }
0xc3: {  	_ =	shalt  }
tec
execute0_lowered:
.L_overlay_start_1:
0x0: {  	(tag) =	ssettag $0x1  }
0x1: {  	s0 =	srdreg.scid;
	s2 =	stileid.u32  }
0x2: {  	s1 =	sand.u32 $0x1, s0;
	s11 =	sshll.u32 s2, $0x1  }
0x3: {  	s0 =	sor.u32 s1, s11  }
0x4: {  	s5 =	smul.u32 $0x640, s0  }
0x5: {  	s3 =	rddreg [dreg:$0x0];
	s2 =	simm.s32 $0x0;
	s6 =	smul.u32 $0x32000, s0  }
0x6: {  	[smem:$0x7FF] =	sst s2;
	s0 =	smul.u32 $0x190000, s0  }
0x7: {  	s4 =	rddreg [dreg:$0x1];
	_ =	strace $0x80000047;
	s5 =	sadd.s32 s5, s3  }
0x8: {  	s30 =	sadd.s32 s4, s6;
	s0 =	sshrl.u32 s0, $0x3;
	s5 =	sadd.s32 $0xC00, s5  }
0x9: {  	s12 =	sadd.s32 $0x1400, s30;
	s4 =	sadd.s32 s4, s0;
	[dreg:$0x3] =	wrdreg s5  }
0xa: {  	[dreg:$0x4] =	wrdreg s12;
	s0 =	sadd.s32 $0x2800, s4  }
0xb: {  	s13 =	sadd.s32 $0x3C00, s4;
	[dreg:$0x5] =	wrdreg s0  }
0xc: {  	s14 =	sadd.s32 $0x5000, s4;
	[dreg:$0x6] =	wrdreg s13  }
0xd: {  	s15 =	sadd.s32 $0x6400, s4;
	[dreg:$0x7] =	wrdreg s14  }
0xe: {  	s16 =	sadd.s32 $0x7800, s4;
	[dreg:$0x8] =	wrdreg s15  }
0xf: {  	s17 =	sadd.s32 $0x8C00, s4;
	[dreg:$0x9] =	wrdreg s16  }
0x10: {  	s18 =	sadd.s32 $0xA000, s4;
	[dreg:$0xa] =	wrdreg s17  }
0x11: {  	s19 =	sadd.s32 $0xB400, s4;
	[dreg:$0xb] =	wrdreg s18  }
0x12: {  	s20 =	sadd.s32 $0xC800, s4;
	[dreg:$0xc] =	wrdreg s19  }
0x13: {  	s21 =	sadd.s32 $0xDC00, s4;
	[dreg:$0xd] =	wrdreg s20  }
0x14: {  	s22 =	sadd.s32 $0xF000, s4;
	[dreg:$0xe] =	wrdreg s21  }
0x15: {  	s23 =	sadd.s32 $0x10400, s4;
	[dreg:$0xf] =	wrdreg s22  }
0x16: {  	s24 =	sadd.s32 $0x11800, s4;
	[dreg:$0x10] =	wrdreg s23  }
0x17: {  	s25 =	sadd.s32 $0x12C00, s4;
	[dreg:$0x11] =	wrdreg s24  }
0x18: {  	s26 =	sadd.s32 $0x14000, s4;
	[dreg:$0x12] =	wrdreg s25  }
0x19: {  	s5 =	sadd.s32 $0x15400, s4;
	[dreg:$0x13] =	wrdreg s26  }
0x1a: {  	s6 =	sadd.s32 $0x16800, s4;
	[dreg:$0x14] =	wrdreg s5  }
0x1b: {  	s7 =	sadd.s32 $0x17C00, s4;
	[dreg:$0x15] =	wrdreg s6  }
0x1c: {  	s8 =	sadd.s32 $0x19000, s4;
	[dreg:$0x16] =	wrdreg s7  }
0x1d: {  	s9 =	sadd.s32 $0x1A400, s4;
	[dreg:$0x17] =	wrdreg s8  }
0x1e: {  	s10 =	sadd.s32 $0x1B800, s4;
	[dreg:$0x18] =	wrdreg s9  }
0x1f: {  	s11 =	sadd.s32 $0x1CC00, s4;
	[dreg:$0x19] =	wrdreg s10  }
0x20: {  	s12 =	sadd.s32 $0x1E000, s4;
	[dreg:$0x1a] =	wrdreg s11  }
0x21: {  	[dreg:$0x1b] =	wrdreg s12  }
0x22: {  	s13 =	sadd.s32 $0x1F400, s4;
	s0 =	rddreg [dreg:$0x3]  }
0x23: {  	s14 =	sadd.s32 $0x20800, s4;
	[dreg:$0x1c] =	wrdreg s13  }
0x24: {  	s15 =	sadd.s32 $0x21C00, s4;
	[dreg:$0x1d] =	wrdreg s14  }
0x25: {  	s16 =	sadd.s32 $0x23000, s4;
	[dreg:$0x1e] =	wrdreg s15  }
0x26: {  	s17 =	sadd.s32 $0x24400, s4;
	[dreg:$0x1f] =	wrdreg s16  }
0x27: {  	s18 =	sadd.s32 $0x25800, s4;
	[smem:$0x7DF] =	sst s17  }
0x28: {  	s19 =	sadd.s32 $0x26C00, s4;
	[smem:$0x7E0] =	sst s18  }
0x29: {  	s20 =	sadd.s32 $0x28000, s4;
	[smem:$0x7E1] =	sst s19  }
0x2a: {  	s21 =	sadd.s32 $0x29400, s4;
	[smem:$0x7E2] =	sst s20  }
0x2b: {  	s22 =	sadd.s32 $0x2A800, s4;
	[smem:$0x7E3] =	sst s21  }
0x2c: {  	s23 =	sadd.s32 $0x2BC00, s4;
	[smem:$0x7E4] =	sst s22  }
0x2d: {  	s24 =	sadd.s32 $0x2D000, s4;
	[smem:$0x7E5] =	sst s23  }
0x2e: {  	s25 =	sadd.s32 $0x2E400, s4;
	[smem:$0x7E6] =	sst s24  }
0x2f: {  	s26 =	sadd.s32 $0x2F800, s4;
	[smem:$0x7E7] =	sst s25  }
0x30: {  	s5 =	sadd.s32 $0x30C00, s4;
	[smem:$0x7E8] =	sst s26  }
0x31: {  	s6 =	simm.s32 $0x280;
	[smem:$0x7E9] =	sst s5  }
0x32: {  	s7 =	simm.s32 $0x3C0;
	[smem:$0x7EA] =	sst s6  }
0x33: {  	s31 =	simm.s32 $0x5;
	s8 =	simm.s32 $0x500;
	[smem:$0x7EB] =	sst s7  }
0x34: {  	s29 =	simm.s32 $0x1B80;
	s9 =	simm.s32 $0x640;
	[smem:$0x7EC] =	sst s8  }
0x35: {  	s28 =	simm.s32 $0x1CC0;
	s10 =	simm.s32 $0x780;
	[smem:$0x7ED] =	sst s9  }
0x36: {  	p0 =	por $0x0, $0x0;
	s11 =	simm.s32 $0x8C0;
	[smem:$0x7EE] =	sst s10  }
0x37: {  	s1 =	ssub.s32 $0x2, s1;
	s12 =	simm.s32 $0xA00;
	[smem:$0x7EF] =	sst s11  }
0x38: {  	s3 =	sadd.s32 $0xD400, s3;
	[smem:$0x7F0] =	sst s12;
	s13 =	simm.s32 $0xB40  }
0x39: {  	s4 =	simm.s32 $0xD200;
	s14 =	simm.s32 $0xC80;
	[smem:$0x7F1] =	sst s13  }
0x3a: {  	s15 =	simm.s32 $0xDC0;
	s16 =	sshrl.u32 s1, $0x1;
	[smem:$0x7F2] =	sst s14  }
0x3b: {  	s17 =	simm.s32 $0xF00;
	s18 =	simm.s32 $0x1040;
	[smem:$0x7F3] =	sst s15  }
0x3c: {  	s19 =	simm.s32 $0x1180;
	s20 =	simm.s32 $0x12C0;
	[smem:$0x7F4] =	sst s17  }
0x3d: {  	s7 =	simm.s32 $0x140;
	s21 =	simm.s32 $0x1400;
	[smem:$0x7F5] =	sst s18  }
0x3e: {  	s5 =	simm.s32 $0x3200;
	s22 =	simm.s32 $0x1540;
	[smem:$0x7F6] =	sst s19  }
0x3f: {  	s23 =	simm.s32 $0x1680;
	s9 =	simm.s32 $0x1;
	[smem:$0x7F7] =	sst s20  }
0x40: {  	s24 =	simm.s32 $0x17C0;
	s6 =	simm.s32 $0x3;
	[smem:$0x7F8] =	sst s21  }
0x41: {  	s25 =	simm.s32 $0x1900;
	s10 =	simm.s32 $0x2;
	[smem:$0x7F9] =	sst s22  }
0x42: {  	s26 =	simm.s32 $0x1A40;
	s8 =	simm.s32 $0x4;
	[smem:$0x7FA] =	sst s23  }
0x43: {  	s12 =	simm.s32 $0x2F80;
	s1 =	ssub.s32 s1, s16;
	[smem:$0x7FB] =	sst s24  }
0x44: {  	s11 =	simm.s32 $0x30C0;
	[smem:$0x7FC] =	sst s25;
	s1 =	smax.u32 s1, $0x1  }
0x45: {  	[smem:$0x7FD] =	sst s26;
	s26 =	simm.s32 $0x1E00;
	p1 =	sne.s32 s1, $0x1  }
.Ltmp0:
0x46: {  	s25 =	simm.s32 $0x1F40;
	s24 =	simm.s32 $0x2080;
	(pc) =	sbr.rel @!p1 .LBB2_3-.Ltmp0, $4  }
0x47: {  	s23 =	simm.s32 $0x21C0;
	s22 =	simm.s32 $0x2300;
	s21 =	simm.s32 $0x2440  }
0x48: {  	s20 =	simm.s32 $0x2580;
	s19 =	simm.s32 $0x26C0;
	s18 =	simm.s32 $0x2800  }
0x49: {  	s17 =	simm.s32 $0x2940;
	s16 =	simm.s32 $0x2A80;
	s15 =	simm.s32 $0x2BC0  }
0x4a: {  	s14 =	simm.s32 $0x2D00;
	s13 =	simm.s32 $0x2E40;
	s1 =	sadd.s32 $0xFFFFFFFF, s1  }
0x4b: {  	[tilespmem:s2], [sflag:$0x5] =	stream.linear.gather [hbm4b:s0+s2], $0x3200, $0x38;
	[tilespmem:$0x17200] =	vst v63  }
0x4c: {  	_ =	swait.ge [sflag:s31], $0x3200  }
0x4d: {  	[sflag:s31] =	ssyncset.done $0x0  }
0x4e: {  	[sflag:s31] =	ssyncadd.s32 $0xFFFFCE00  }
0x4f: {  	[tilespmem:s5], [sflag:$0x1] =	stream.indirect.gather [hbm4b:s3+s7], $0x80, s2, s7, $0xb8;
	[tilespmem:$0x17200] =	vst v63  }
0x50: {  	_ = 	snop  }
0x51: {  	[tilespmem:s4], [sflag:$0x2] =	stream.indirect.gather [hbm4b:s3+s7], $0x80, s7, s7, $0xb8;
	[tilespmem:$0x17200] =	vst v63  }
0x52: {  	_ =	swait.ge [sflag:s9], $0xA000  }
0x53: {  	[sflag:s9] =	ssyncset.done $0x0  }
0x54: {  	[sflag:s9] =	ssyncadd.s32 $0xFFFF6000  }
0x55: {  	[hbm4b:s30+s2] =	stream.linear.scatter [tilespmem:s5], [sflag:$0x3], $0xA000, $0x38;
	[tilespmem:$0x17200] =	vst v63  }
0x56: {  	_ =	swait.ge [sflag:s6], $0xA000  }
0x57: {  	s0 =	sld [smem:$0x7EA]  }
0x58: {  	[sflag:s6] =	ssyncset.done $0x0  }
0x59: {  	[sflag:s6] =	ssyncadd.s32 $0xFFFF6000  }
0x5a: {  	[tilespmem:s5], [sflag:$0x1] =	stream.indirect.gather [hbm4b:s3+s7], $0x80, s0, s7, $0xb8;
	[tilespmem:$0x17200] =	vst v63  }
0x5b: {  	_ =	swait.ge [sflag:s10], $0xA000  }
0x5c: {  	[sflag:s10] =	ssyncset.done $0x0  }
0x5d: {  	s0 =	rddreg [dreg:$0x4];
	[sflag:s10] =	ssyncadd.s32 $0xFFFF6000  }
0x5e: {  	[hbm4b:s0+s2] =	stream.linear.scatter [tilespmem:s4], [sflag:$0x4], $0xA000, $0x38;
	[tilespmem:$0x17200] =	vst v63  }
0x5f: {  	_ =	swait.ge [sflag:s8], $0xA000  }
0x60: {  	s0 =	sld [smem:$0x7EB]  }
0x61: {  	[sflag:s8] =	ssyncset.done $0x0  }
0x62: {  	[sflag:s8] =	ssyncadd.s32 $0xFFFF6000  }
0x63: {  	[tilespmem:s4], [sflag:$0x2] =	stream.indirect.gather [hbm4b:s3+s7], $0x80, s0, s7, $0xb8;
	[tilespmem:$0x17200] =	vst v63  }
0x64: {  	_ =	swait.ge [sflag:s9], $0xA000  }
0x65: {  	[sflag:s9] =	ssyncset.done $0x0  }
0x66: {  	s0 =	rddreg [dreg:$0x5];
	[sflag:s9] =	ssyncadd.s32 $0xFFFF6000  }
0x67: {  	[hbm4b:s0+s2] =	stream.linear.scatter [tilespmem:s5], [sflag:$0x3], $0xA000, $0x38;
	[tilespmem:$0x17200] =	vst v63  }
0x68: {  	_ =	swait.ge [sflag:s6], $0xA000  }
0x69: {  	s0 =	sld [smem:$0x7EC]  }
0x6a: {  	[sflag:s6] =	ssyncset.done $0x0  }
0x6b: {  	[sflag:s6] =	ssyncadd.s32 $0xFFFF6000  }
0x6c: {  	[tilespmem:s5], [sflag:$0x1] =	stream.indirect.gather [hbm4b:s3+s7], $0x80, s0, s7, $0xb8;
	[tilespmem:$0x17200] =	vst v63  }
0x6d: {  	_ =	swait.ge [sflag:s10], $0xA000  }
0x6e: {  	[sflag:s10] =	ssyncset.done $0x0  }
0x6f: {  	s0 =	rddreg [dreg:$0x6];
	[sflag:s10] =	ssyncadd.s32 $0xFFFF6000  }
0x70: {  	[hbm4b:s0+s2] =	stream.linear.scatter [tilespmem:s4], [sflag:$0x4], $0xA000, $0x38;
	[tilespmem:$0x17200] =	vst v63  }
0x71: {  	_ =	swait.ge [sflag:s8], $0xA000  }
0x72: {  	s0 =	sld [smem:$0x7ED]  }
0x73: {  	[sflag:s8] =	ssyncset.done $0x0  }
0x74: {  	[sflag:s8] =	ssyncadd.s32 $0xFFFF6000  }
0x75: {  	[tilespmem:s4], [sflag:$0x2] =	stream.indirect.gather [hbm4b:s3+s7], $0x80, s0, s7, $0xb8;
	[tilespmem:$0x17200] =	vst v63  }
0x76: {  	_ =	swait.ge [sflag:s9], $0xA000  }
0x77: {  	[sflag:s9] =	ssyncset.done $0x0  }
0x78: {  	s0 =	rddreg [dreg:$0x7];
	[sflag:s9] =	ssyncadd.s32 $0xFFFF6000  }
0x79: {  	[hbm4b:s0+s2] =	stream.linear.scatter [tilespmem:s5], [sflag:$0x3], $0xA000, $0x38;
	[tilespmem:$0x17200] =	vst v63  }
0x7a: {  	_ =	swait.ge [sflag:s6], $0xA000  }
0x7b: {  	s0 =	sld [smem:$0x7EE]  }
0x7c: {  	[sflag:s6] =	ssyncset.done $0x0  }
0x7d: {  	[sflag:s6] =	ssyncadd.s32 $0xFFFF6000  }
0x7e: {  	[tilespmem:s5], [sflag:$0x1] =	stream.indirect.gather [hbm4b:s3+s7], $0x80, s0, s7, $0xb8;
	[tilespmem:$0x17200] =	vst v63  }
0x7f: {  	_ =	swait.ge [sflag:s10], $0xA000  }
0x80: {  	[sflag:s10] =	ssyncset.done $0x0  }
0x81: {  	s0 =	rddreg [dreg:$0x8];
	[sflag:s10] =	ssyncadd.s32 $0xFFFF6000  }
0x82: {  	[hbm4b:s0+s2] =	stream.linear.scatter [tilespmem:s4], [sflag:$0x4], $0xA000, $0x38;
	[tilespmem:$0x17200] =	vst v63  }
0x83: {  	_ =	swait.ge [sflag:s8], $0xA000  }
0x84: {  	s0 =	sld [smem:$0x7EF]  }
0x85: {  	[sflag:s8] =	ssyncset.done $0x0  }
0x86: {  	[sflag:s8] =	ssyncadd.s32 $0xFFFF6000  }
0x87: {  	[tilespmem:s4], [sflag:$0x2] =	stream.indirect.gather [hbm4b:s3+s7], $0x80, s0, s7, $0xb8;
	[tilespmem:$0x17200] =	vst v63  }
0x88: {  	_ =	swait.ge [sflag:s9], $0xA000  }
0x89: {  	[sflag:s9] =	ssyncset.done $0x0  }
0x8a: {  	s0 =	rddreg [dreg:$0x9];
	[sflag:s9] =	ssyncadd.s32 $0xFFFF6000  }
0x8b: {  	[hbm4b:s0+s2] =	stream.linear.scatter [tilespmem:s5], [sflag:$0x3], $0xA000, $0x38;
	[tilespmem:$0x17200] =	vst v63  }
0x8c: {  	_ =	swait.ge [sflag:s6], $0xA000  }
0x8d: {  	s0 =	sld [smem:$0x7F0]  }
0x8e: {  	[sflag:s6] =	ssyncset.done $0x0  }
0x8f: {  	[sflag:s6] =	ssyncadd.s32 $0xFFFF6000  }
0x90: {  	[tilespmem:s5], [sflag:$0x1] =	stream.indirect.gather [hbm4b:s3+s7], $0x80, s0, s7, $0xb8;
	[tilespmem:$0x17200] =	vst v63  }
0x91: {  	_ =	swait.ge [sflag:s10], $0xA000  }
0x92: {  	[sflag:s10] =	ssyncset.done $0x0  }
0x93: {  	s0 =	rddreg [dreg:$0xa];
	[sflag:s10] =	ssyncadd.s32 $0xFFFF6000  }
0x94: {  	[hbm4b:s0+s2] =	stream.linear.scatter [tilespmem:s4], [sflag:$0x4], $0xA000, $0x38;
	[tilespmem:$0x17200] =	vst v63  }
0x95: {  	_ =	swait.ge [sflag:s8], $0xA000  }
0x96: {  	s0 =	sld [smem:$0x7F1]  }
0x97: {  	[sflag:s8] =	ssyncset.done $0x0  }
0x98: {  	[sflag:s8] =	ssyncadd.s32 $0xFFFF6000  }
0x99: {  	[tilespmem:s4], [sflag:$0x2] =	stream.indirect.gather [hbm4b:s3+s7], $0x80, s0, s7, $0xb8;
	[tilespmem:$0x17200] =	vst v63  }
0x9a: {  	_ =	swait.ge [sflag:s9], $0xA000  }
0x9b: {  	[sflag:s9] =	ssyncset.done $0x0  }
0x9c: {  	s0 =	rddreg [dreg:$0xb];
	[sflag:s9] =	ssyncadd.s32 $0xFFFF6000  }
0x9d: {  	[hbm4b:s0+s2] =	stream.linear.scatter [tilespmem:s5], [sflag:$0x3], $0xA000, $0x38;
	[tilespmem:$0x17200] =	vst v63  }
0x9e: {  	_ =	swait.ge [sflag:s6], $0xA000  }
0x9f: {  	s0 =	sld [smem:$0x7F2]  }
0xa0: {  	[sflag:s6] =	ssyncset.done $0x0  }
0xa1: {  	[sflag:s6] =	ssyncadd.s32 $0xFFFF6000  }
0xa2: {  	[tilespmem:s5], [sflag:$0x1] =	stream.indirect.gather [hbm4b:s3+s7], $0x80, s0, s7, $0xb8;
	[tilespmem:$0x17200] =	vst v63  }
0xa3: {  	_ =	swait.ge [sflag:s10], $0xA000  }
0xa4: {  	[sflag:s10] =	ssyncset.done $0x0  }
0xa5: {  	s0 =	rddreg [dreg:$0xc];
	[sflag:s10] =	ssyncadd.s32 $0xFFFF6000  }
0xa6: {  	[hbm4b:s0+s2] =	stream.linear.scatter [tilespmem:s4], [sflag:$0x4], $0xA000, $0x38;
	[tilespmem:$0x17200] =	vst v63  }
0xa7: {  	_ =	swait.ge [sflag:s8], $0xA000  }
0xa8: {  	s0 =	sld [smem:$0x7F3]  }
0xa9: {  	[sflag:s8] =	ssyncset.done $0x0  }
0xaa: {  	[sflag:s8] =	ssyncadd.s32 $0xFFFF6000  }
0xab: {  	[tilespmem:s4], [sflag:$0x2] =	stream.indirect.gather [hbm4b:s3+s7], $0x80, s0, s7, $0xb8;
	[tilespmem:$0x17200] =	vst v63  }
0xac: {  	_ =	swait.ge [sflag:s9], $0xA000  }
0xad: {  	[sflag:s9] =	ssyncset.done $0x0  }
0xae: {  	s0 =	rddreg [dreg:$0xd];
	[sflag:s9] =	ssyncadd.s32 $0xFFFF6000  }
0xaf: {  	[hbm4b:s0+s2] =	stream.linear.scatter [tilespmem:s5], [sflag:$0x3], $0xA000, $0x38;
	[tilespmem:$0x17200] =	vst v63  }
0xb0: {  	_ =	swait.ge [sflag:s6], $0xA000  }
0xb1: {  	s0 =	sld [smem:$0x7F4]  }
0xb2: {  	[sflag:s6] =	ssyncset.done $0x0  }
0xb3: {  	[sflag:s6] =	ssyncadd.s32 $0xFFFF6000  }
0xb4: {  	[tilespmem:s5], [sflag:$0x1] =	stream.indirect.gather [hbm4b:s3+s7], $0x80, s0, s7, $0xb8;
	[tilespmem:$0x17200] =	vst v63  }
0xb5: {  	_ =	swait.ge [sflag:s10], $0xA000  }
0xb6: {  	[sflag:s10] =	ssyncset.done $0x0  }
0xb7: {  	s0 =	rddreg [dreg:$0xe];
	[sflag:s10] =	ssyncadd.s32 $0xFFFF6000  }
0xb8: {  	[hbm4b:s0+s2] =	stream.linear.scatter [tilespmem:s4], [sflag:$0x4], $0xA000, $0x38;
	[tilespmem:$0x17200] =	vst v63  }
0xb9: {  	_ =	swait.ge [sflag:s8], $0xA000  }
0xba: {  	s0 =	sld [smem:$0x7F5]  }
0xbb: {  	[sflag:s8] =	ssyncset.done $0x0  }
0xbc: {  	[sflag:s8] =	ssyncadd.s32 $0xFFFF6000  }
0xbd: {  	[tilespmem:s4], [sflag:$0x2] =	stream.indirect.gather [hbm4b:s3+s7], $0x80, s0, s7, $0xb8;
	[tilespmem:$0x17200] =	vst v63  }
0xbe: {  	_ =	swait.ge [sflag:s9], $0xA000  }
0xbf: {  	[sflag:s9] =	ssyncset.done $0x0  }
0xc0: {  	s0 =	rddreg [dreg:$0xf];
	[sflag:s9] =	ssyncadd.s32 $0xFFFF6000  }
0xc1: {  	[hbm4b:s0+s2] =	stream.linear.scatter [tilespmem:s5], [sflag:$0x3], $0xA000, $0x38;
	[tilespmem:$0x17200] =	vst v63  }
0xc2: {  	_ =	swait.ge [sflag:s6], $0xA000  }
0xc3: {  	s0 =	sld [smem:$0x7F6]  }
0xc4: {  	[sflag:s6] =	ssyncset.done $0x0  }
0xc5: {  	[sflag:s6] =	ssyncadd.s32 $0xFFFF6000  }
0xc6: {  	[tilespmem:s5], [sflag:$0x1] =	stream.indirect.gather [hbm4b:s3+s7], $0x80, s0, s7, $0xb8;
	[tilespmem:$0x17200] =	vst v63  }
0xc7: {  	_ =	swait.ge [sflag:s10], $0xA000  }
0xc8: {  	[sflag:s10] =	ssyncset.done $0x0  }
0xc9: {  	s0 =	rddreg [dreg:$0x10];
	[sflag:s10] =	ssyncadd.s32 $0xFFFF6000  }
0xca: {  	[hbm4b:s0+s2] =	stream.linear.scatter [tilespmem:s4], [sflag:$0x4], $0xA000, $0x38;
	[tilespmem:$0x17200] =	vst v63  }
0xcb: {  	_ =	swait.ge [sflag:s8], $0xA000  }
0xcc: {  	s0 =	sld [smem:$0x7F7]  }
0xcd: {  	[sflag:s8] =	ssyncset.done $0x0  }
0xce: {  	[sflag:s8] =	ssyncadd.s32 $0xFFFF6000  }
0xcf: {  	[tilespmem:s4], [sflag:$0x2] =	stream.indirect.gather [hbm4b:s3+s7], $0x80, s0, s7, $0xb8;
	[tilespmem:$0x17200] =	vst v63  }
0xd0: {  	_ =	swait.ge [sflag:s9], $0xA000  }
0xd1: {  	[sflag:s9] =	ssyncset.done $0x0  }
0xd2: {  	s0 =	rddreg [dreg:$0x11];
	[sflag:s9] =	ssyncadd.s32 $0xFFFF6000  }
0xd3: {  	[hbm4b:s0+s2] =	stream.linear.scatter [tilespmem:s5], [sflag:$0x3], $0xA000, $0x38;
	[tilespmem:$0x17200] =	vst v63  }
0xd4: {  	_ =	swait.ge [sflag:s6], $0xA000  }
0xd5: {  	s0 =	sld [smem:$0x7F8]  }
0xd6: {  	[sflag:s6] =	ssyncset.done $0x0  }
0xd7: {  	[sflag:s6] =	ssyncadd.s32 $0xFFFF6000  }
0xd8: {  	[tilespmem:s5], [sflag:$0x1] =	stream.indirect.gather [hbm4b:s3+s7], $0x80, s0, s7, $0xb8;
	[tilespmem:$0x17200] =	vst v63  }
0xd9: {  	_ =	swait.ge [sflag:s10], $0xA000  }
0xda: {  	[sflag:s10] =	ssyncset.done $0x0  }
0xdb: {  	s0 =	rddreg [dreg:$0x12];
	[sflag:s10] =	ssyncadd.s32 $0xFFFF6000  }
0xdc: {  	[hbm4b:s0+s2] =	stream.linear.scatter [tilespmem:s4], [sflag:$0x4], $0xA000, $0x38;
	[tilespmem:$0x17200] =	vst v63  }
0xdd: {  	_ =	swait.ge [sflag:s8], $0xA000  }
0xde: {  	s0 =	sld [smem:$0x7F9]  }
0xdf: {  	[sflag:s8] =	ssyncset.done $0x0  }
0xe0: {  	[sflag:s8] =	ssyncadd.s32 $0xFFFF6000  }
0xe1: {  	[tilespmem:s4], [sflag:$0x2] =	stream.indirect.gather [hbm4b:s3+s7], $0x80, s0, s7, $0xb8;
	[tilespmem:$0x17200] =	vst v63  }
0xe2: {  	_ =	swait.ge [sflag:s9], $0xA000  }
0xe3: {  	[sflag:s9] =	ssyncset.done $0x0  }
0xe4: {  	s0 =	rddreg [dreg:$0x13];
	[sflag:s9] =	ssyncadd.s32 $0xFFFF6000  }
0xe5: {  	[hbm4b:s0+s2] =	stream.linear.scatter [tilespmem:s5], [sflag:$0x3], $0xA000, $0x38;
	[tilespmem:$0x17200] =	vst v63  }
0xe6: {  	_ =	swait.ge [sflag:s6], $0xA000  }
0xe7: {  	s0 =	sld [smem:$0x7FA]  }
0xe8: {  	[sflag:s6] =	ssyncset.done $0x0  }
0xe9: {  	[sflag:s6] =	ssyncadd.s32 $0xFFFF6000  }
0xea: {  	[tilespmem:s5], [sflag:$0x1] =	stream.indirect.gather [hbm4b:s3+s7], $0x80, s0, s7, $0xb8;
	[tilespmem:$0x17200] =	vst v63  }
0xeb: {  	_ =	swait.ge [sflag:s10], $0xA000  }
0xec: {  	[sflag:s10] =	ssyncset.done $0x0  }
0xed: {  	s0 =	rddreg [dreg:$0x14];
	[sflag:s10] =	ssyncadd.s32 $0xFFFF6000  }
0xee: {  	[hbm4b:s0+s2] =	stream.linear.scatter [tilespmem:s4], [sflag:$0x4], $0xA000, $0x38;
	[tilespmem:$0x17200] =	vst v63  }
0xef: {  	_ =	swait.ge [sflag:s8], $0xA000  }
0xf0: {  	s0 =	sld [smem:$0x7FB]  }
0xf1: {  	[sflag:s8] =	ssyncset.done $0x0  }
0xf2: {  	[sflag:s8] =	ssyncadd.s32 $0xFFFF6000  }
0xf3: {  	[tilespmem:s4], [sflag:$0x2] =	stream.indirect.gather [hbm4b:s3+s7], $0x80, s0, s7, $0xb8;
	[tilespmem:$0x17200] =	vst v63  }
0xf4: {  	_ =	swait.ge [sflag:s9], $0xA000  }
0xf5: {  	[sflag:s9] =	ssyncset.done $0x0  }
0xf6: {  	s0 =	rddreg [dreg:$0x15];
	[sflag:s9] =	ssyncadd.s32 $0xFFFF6000  }
0xf7: {  	[hbm4b:s0+s2] =	stream.linear.scatter [tilespmem:s5], [sflag:$0x3], $0xA000, $0x38;
	[tilespmem:$0x17200] =	vst v63  }
0xf8: {  	_ =	swait.ge [sflag:s6], $0xA000  }
0xf9: {  	s0 =	sld [smem:$0x7FC]  }
0xfa: {  	[sflag:s6] =	ssyncset.done $0x0  }
0xfb: {  	[sflag:s6] =	ssyncadd.s32 $0xFFFF6000  }
0xfc: {  	[tilespmem:s5], [sflag:$0x1] =	stream.indirect.gather [hbm4b:s3+s7], $0x80, s0, s7, $0xb8;
	[tilespmem:$0x17200] =	vst v63  }
0xfd: {  	_ =	swait.ge [sflag:s10], $0xA000  }
0xfe: {  	[sflag:s10] =	ssyncset.done $0x0  }
0xff: {  	s0 =	rddreg [dreg:$0x16];
	[sflag:s10] =	ssyncadd.s32 $0xFFFF6000  }
0x100: {  	[hbm4b:s0+s2] =	stream.linear.scatter [tilespmem:s4], [sflag:$0x4], $0xA000, $0x38;
	[tilespmem:$0x17200] =	vst v63  }
0x101: {  	_ =	swait.ge [sflag:s8], $0xA000  }
0x102: {  	s0 =	sld [smem:$0x7FD]  }
0x103: {  	[sflag:s8] =	ssyncset.done $0x0  }
0x104: {  	[sflag:s8] =	ssyncadd.s32 $0xFFFF6000  }
0x105: {  	[tilespmem:s4], [sflag:$0x2] =	stream.indirect.gather [hbm4b:s3+s7], $0x80, s0, s7, $0xb8;
	[tilespmem:$0x17200] =	vst v63  }
0x106: {  	_ =	swait.ge [sflag:s9], $0xA000  }
0x107: {  	[sflag:s9] =	ssyncset.done $0x0  }
0x108: {  	s0 =	rddreg [dreg:$0x17];
	[sflag:s9] =	ssyncadd.s32 $0xFFFF6000  }
0x109: {  	[hbm4b:s0+s2] =	stream.linear.scatter [tilespmem:s5], [sflag:$0x3], $0xA000, $0x38;
	[tilespmem:$0x17200] =	vst v63  }
0x10a: {  	_ =	swait.ge [sflag:s6], $0xA000  }
0x10b: {  	[sflag:s6] =	ssyncset.done $0x0  }
0x10c: {  	[sflag:s6] =	ssyncadd.s32 $0xFFFF6000  }
0x10d: {  	[tilespmem:s5], [sflag:$0x1] =	stream.indirect.gather [hbm4b:s3+s7], $0x80, s29, s7, $0xb8;
	[tilespmem:$0x17200] =	vst v63  }
0x10e: {  	_ =	swait.ge [sflag:s10], $0xA000  }
0x10f: {  	[sflag:s10] =	ssyncset.done $0x0  }
0x110: {  	s0 =	rddreg [dreg:$0x18];
	[sflag:s10] =	ssyncadd.s32 $0xFFFF6000  }
0x111: {  	[hbm4b:s0+s2] =	stream.linear.scatter [tilespmem:s4], [sflag:$0x4], $0xA000, $0x38;
	[tilespmem:$0x17200] =	vst v63  }
0x112: {  	_ =	swait.ge [sflag:s8], $0xA000  }
0x113: {  	[sflag:s8] =	ssyncset.done $0x0  }
0x114: {  	[sflag:s8] =	ssyncadd.s32 $0xFFFF6000  }
0x115: {  	[tilespmem:s4], [sflag:$0x2] =	stream.indirect.gather [hbm4b:s3+s7], $0x80, s28, s7, $0xb8;
	[tilespmem:$0x17200] =	vst v63  }
0x116: {  	_ =	swait.ge [sflag:s9], $0xA000  }
0x117: {  	[sflag:s9] =	ssyncset.done $0x0  }
0x118: {  	s0 =	rddreg [dreg:$0x19];
	[sflag:s9] =	ssyncadd.s32 $0xFFFF6000  }
0x119: {  	[hbm4b:s0+s2] =	stream.linear.scatter [tilespmem:s5], [sflag:$0x3], $0xA000, $0x38;
	[tilespmem:$0x17200] =	vst v63  }
0x11a: {  	_ =	swait.ge [sflag:s6], $0xA000  }
0x11b: {  	[sflag:s6] =	ssyncset.done $0x0  }
0x11c: {  	[sflag:s6] =	ssyncadd.s32 $0xFFFF6000  }
0x11d: {  	[tilespmem:s5], [sflag:$0x1] =	stream.indirect.gather [hbm4b:s3+s7], $0x80, s26, s7, $0xb8;
	[tilespmem:$0x17200] =	vst v63  }
0x11e: {  	_ =	swait.ge [sflag:s10], $0xA000  }
0x11f: {  	[sflag:s10] =	ssyncset.done $0x0  }
0x120: {  	s0 =	rddreg [dreg:$0x1a];
	[sflag:s10] =	ssyncadd.s32 $0xFFFF6000  }
0x121: {  	[hbm4b:s0+s2] =	stream.linear.scatter [tilespmem:s4], [sflag:$0x4], $0xA000, $0x38;
	[tilespmem:$0x17200] =	vst v63  }
0x122: {  	_ =	swait.ge [sflag:s8], $0xA000  }
0x123: {  	[sflag:s8] =	ssyncset.done $0x0  }
0x124: {  	[sflag:s8] =	ssyncadd.s32 $0xFFFF6000  }
0x125: {  	[tilespmem:s4], [sflag:$0x2] =	stream.indirect.gather [hbm4b:s3+s7], $0x80, s25, s7, $0xb8;
	[tilespmem:$0x17200] =	vst v63  }
0x126: {  	_ =	swait.ge [sflag:s9], $0xA000  }
0x127: {  	[sflag:s9] =	ssyncset.done $0x0  }
0x128: {  	s0 =	rddreg [dreg:$0x1b];
	[sflag:s9] =	ssyncadd.s32 $0xFFFF6000  }
0x129: {  	[hbm4b:s0+s2] =	stream.linear.scatter [tilespmem:s5], [sflag:$0x3], $0xA000, $0x38;
	[tilespmem:$0x17200] =	vst v63  }
0x12a: {  	_ =	swait.ge [sflag:s6], $0xA000  }
0x12b: {  	[sflag:s6] =	ssyncset.done $0x0  }
0x12c: {  	[sflag:s6] =	ssyncadd.s32 $0xFFFF6000  }
0x12d: {  	[tilespmem:s5], [sflag:$0x1] =	stream.indirect.gather [hbm4b:s3+s7], $0x80, s24, s7, $0xb8;
	[tilespmem:$0x17200] =	vst v63  }
0x12e: {  	_ =	swait.ge [sflag:s10], $0xA000  }
0x12f: {  	[sflag:s10] =	ssyncset.done $0x0  }
0x130: {  	s0 =	rddreg [dreg:$0x1c];
	[sflag:s10] =	ssyncadd.s32 $0xFFFF6000  }
0x131: {  	[hbm4b:s0+s2] =	stream.linear.scatter [tilespmem:s4], [sflag:$0x4], $0xA000, $0x38;
	[tilespmem:$0x17200] =	vst v63  }
0x132: {  	_ =	swait.ge [sflag:s8], $0xA000  }
0x133: {  	[sflag:s8] =	ssyncset.done $0x0  }
0x134: {  	[sflag:s8] =	ssyncadd.s32 $0xFFFF6000  }
0x135: {  	[tilespmem:s4], [sflag:$0x2] =	stream.indirect.gather [hbm4b:s3+s7], $0x80, s23, s7, $0xb8;
	[tilespmem:$0x17200] =	vst v63  }
0x136: {  	_ =	swait.ge [sflag:s9], $0xA000  }
0x137: {  	[sflag:s9] =	ssyncset.done $0x0  }
0x138: {  	s0 =	rddreg [dreg:$0x1d];
	[sflag:s9] =	ssyncadd.s32 $0xFFFF6000  }
0x139: {  	[hbm4b:s0+s2] =	stream.linear.scatter [tilespmem:s5], [sflag:$0x3], $0xA000, $0x38;
	[tilespmem:$0x17200] =	vst v63  }
0x13a: {  	_ =	swait.ge [sflag:s6], $0xA000  }
0x13b: {  	[sflag:s6] =	ssyncset.done $0x0  }
0x13c: {  	[sflag:s6] =	ssyncadd.s32 $0xFFFF6000  }
0x13d: {  	[tilespmem:s5], [sflag:$0x1] =	stream.indirect.gather [hbm4b:s3+s7], $0x80, s22, s7, $0xb8;
	[tilespmem:$0x17200] =	vst v63  }
0x13e: {  	_ =	swait.ge [sflag:s10], $0xA000  }
0x13f: {  	[sflag:s10] =	ssyncset.done $0x0  }
0x140: {  	s0 =	rddreg [dreg:$0x1e];
	[sflag:s10] =	ssyncadd.s32 $0xFFFF6000  }
0x141: {  	[hbm4b:s0+s2] =	stream.linear.scatter [tilespmem:s4], [sflag:$0x4], $0xA000, $0x38;
	[tilespmem:$0x17200] =	vst v63  }
0x142: {  	_ =	swait.ge [sflag:s8], $0xA000  }
0x143: {  	[sflag:s8] =	ssyncset.done $0x0  }
0x144: {  	[sflag:s8] =	ssyncadd.s32 $0xFFFF6000  }
0x145: {  	[tilespmem:s4], [sflag:$0x2] =	stream.indirect.gather [hbm4b:s3+s7], $0x80, s21, s7, $0xb8;
	[tilespmem:$0x17200] =	vst v63  }
0x146: {  	_ =	swait.ge [sflag:s9], $0xA000  }
0x147: {  	[sflag:s9] =	ssyncset.done $0x0  }
0x148: {  	s0 =	rddreg [dreg:$0x1f];
	[sflag:s9] =	ssyncadd.s32 $0xFFFF6000  }
0x149: {  	[hbm4b:s0+s2] =	stream.linear.scatter [tilespmem:s5], [sflag:$0x3], $0xA000, $0x38;
	[tilespmem:$0x17200] =	vst v63  }
0x14a: {  	_ =	swait.ge [sflag:s6], $0xA000  }
0x14b: {  	[sflag:s6] =	ssyncset.done $0x0  }
0x14c: {  	[sflag:s6] =	ssyncadd.s32 $0xFFFF6000  }
0x14d: {  	[tilespmem:s5], [sflag:$0x1] =	stream.indirect.gather [hbm4b:s3+s7], $0x80, s20, s7, $0xb8;
	[tilespmem:$0x17200] =	vst v63  }
0x14e: {  	_ =	swait.ge [sflag:s10], $0xA000  }
0x14f: {  	s0 =	sld [smem:$0x7DF]  }
0x150: {  	[sflag:s10] =	ssyncset.done $0x0  }
0x151: {  	[sflag:s10] =	ssyncadd.s32 $0xFFFF6000  }
0x152: {  	[hbm4b:s0+s2] =	stream.linear.scatter [tilespmem:s4], [sflag:$0x4], $0xA000, $0x38;
	[tilespmem:$0x17200] =	vst v63  }
0x153: {  	_ =	swait.ge [sflag:s8], $0xA000  }
0x154: {  	[sflag:s8] =	ssyncset.done $0x0  }
0x155: {  	[sflag:s8] =	ssyncadd.s32 $0xFFFF6000  }
0x156: {  	[tilespmem:s4], [sflag:$0x2] =	stream.indirect.gather [hbm4b:s3+s7], $0x80, s19, s7, $0xb8;
	[tilespmem:$0x17200] =	vst v63  }
0x157: {  	_ =	swait.ge [sflag:s9], $0xA000  }
0x158: {  	s0 =	sld [smem:$0x7E0]  }
0x159: {  	[sflag:s9] =	ssyncset.done $0x0  }
0x15a: {  	[sflag:s9] =	ssyncadd.s32 $0xFFFF6000  }
0x15b: {  	[hbm4b:s0+s2] =	stream.linear.scatter [tilespmem:s5], [sflag:$0x3], $0xA000, $0x38;
	[tilespmem:$0x17200] =	vst v63  }
0x15c: {  	_ =	swait.ge [sflag:s6], $0xA000  }
0x15d: {  	[sflag:s6] =	ssyncset.done $0x0  }
0x15e: {  	[sflag:s6] =	ssyncadd.s32 $0xFFFF6000  }
0x15f: {  	[tilespmem:s5], [sflag:$0x1] =	stream.indirect.gather [hbm4b:s3+s7], $0x80, s18, s7, $0xb8;
	[tilespmem:$0x17200] =	vst v63  }
0x160: {  	_ =	swait.ge [sflag:s10], $0xA000  }
0x161: {  	s0 =	sld [smem:$0x7E1]  }
0x162: {  	[sflag:s10] =	ssyncset.done $0x0  }
0x163: {  	[sflag:s10] =	ssyncadd.s32 $0xFFFF6000  }
0x164: {  	[hbm4b:s0+s2] =	stream.linear.scatter [tilespmem:s4], [sflag:$0x4], $0xA000, $0x38;
	[tilespmem:$0x17200] =	vst v63  }
0x165: {  	_ =	swait.ge [sflag:s8], $0xA000  }
0x166: {  	[sflag:s8] =	ssyncset.done $0x0  }
0x167: {  	[sflag:s8] =	ssyncadd.s32 $0xFFFF6000  }
0x168: {  	[tilespmem:s4], [sflag:$0x2] =	stream.indirect.gather [hbm4b:s3+s7], $0x80, s17, s7, $0xb8;
	[tilespmem:$0x17200] =	vst v63  }
0x169: {  	_ =	swait.ge [sflag:s9], $0xA000  }
0x16a: {  	s0 =	sld [smem:$0x7E2]  }
0x16b: {  	[sflag:s9] =	ssyncset.done $0x0  }
0x16c: {  	[sflag:s9] =	ssyncadd.s32 $0xFFFF6000  }
0x16d: {  	[hbm4b:s0+s2] =	stream.linear.scatter [tilespmem:s5], [sflag:$0x3], $0xA000, $0x38;
	[tilespmem:$0x17200] =	vst v63  }
0x16e: {  	_ =	swait.ge [sflag:s6], $0xA000  }
0x16f: {  	[sflag:s6] =	ssyncset.done $0x0  }
0x170: {  	[sflag:s6] =	ssyncadd.s32 $0xFFFF6000  }
0x171: {  	[tilespmem:s5], [sflag:$0x1] =	stream.indirect.gather [hbm4b:s3+s7], $0x80, s16, s7, $0xb8;
	[tilespmem:$0x17200] =	vst v63  }
0x172: {  	_ =	swait.ge [sflag:s10], $0xA000  }
0x173: {  	s0 =	sld [smem:$0x7E3]  }
0x174: {  	[sflag:s10] =	ssyncset.done $0x0  }
0x175: {  	[sflag:s10] =	ssyncadd.s32 $0xFFFF6000  }
0x176: {  	[hbm4b:s0+s2] =	stream.linear.scatter [tilespmem:s4], [sflag:$0x4], $0xA000, $0x38;
	[tilespmem:$0x17200] =	vst v63  }
0x177: {  	_ =	swait.ge [sflag:s8], $0xA000  }
0x178: {  	[sflag:s8] =	ssyncset.done $0x0  }
0x179: {  	[sflag:s8] =	ssyncadd.s32 $0xFFFF6000  }
0x17a: {  	[tilespmem:s4], [sflag:$0x2] =	stream.indirect.gather [hbm4b:s3+s7], $0x80, s15, s7, $0xb8;
	[tilespmem:$0x17200] =	vst v63  }
0x17b: {  	_ =	swait.ge [sflag:s9], $0xA000  }
0x17c: {  	s0 =	sld [smem:$0x7E4]  }
0x17d: {  	[sflag:s9] =	ssyncset.done $0x0  }
0x17e: {  	[sflag:s9] =	ssyncadd.s32 $0xFFFF6000  }
0x17f: {  	[hbm4b:s0+s2] =	stream.linear.scatter [tilespmem:s5], [sflag:$0x3], $0xA000, $0x38;
	[tilespmem:$0x17200] =	vst v63  }
0x180: {  	_ =	swait.ge [sflag:s6], $0xA000  }
0x181: {  	[sflag:s6] =	ssyncset.done $0x0  }
0x182: {  	[sflag:s6] =	ssyncadd.s32 $0xFFFF6000  }
0x183: {  	[tilespmem:s5], [sflag:$0x1] =	stream.indirect.gather [hbm4b:s3+s7], $0x80, s14, s7, $0xb8;
	[tilespmem:$0x17200] =	vst v63  }
0x184: {  	_ =	swait.ge [sflag:s10], $0xA000  }
0x185: {  	s0 =	sld [smem:$0x7E5]  }
0x186: {  	[sflag:s10] =	ssyncset.done $0x0  }
0x187: {  	[sflag:s10] =	ssyncadd.s32 $0xFFFF6000  }
0x188: {  	[hbm4b:s0+s2] =	stream.linear.scatter [tilespmem:s4], [sflag:$0x4], $0xA000, $0x38;
	[tilespmem:$0x17200] =	vst v63  }
0x189: {  	_ =	swait.ge [sflag:s8], $0xA000  }
0x18a: {  	[sflag:s8] =	ssyncset.done $0x0  }
0x18b: {  	[sflag:s8] =	ssyncadd.s32 $0xFFFF6000  }
0x18c: {  	[tilespmem:s4], [sflag:$0x2] =	stream.indirect.gather [hbm4b:s3+s7], $0x80, s13, s7, $0xb8;
	[tilespmem:$0x17200] =	vst v63  }
0x18d: {  	_ =	swait.ge [sflag:s9], $0xA000  }
0x18e: {  	s0 =	sld [smem:$0x7E6]  }
0x18f: {  	[sflag:s9] =	ssyncset.done $0x0  }
0x190: {  	[sflag:s9] =	ssyncadd.s32 $0xFFFF6000  }
0x191: {  	[hbm4b:s0+s2] =	stream.linear.scatter [tilespmem:s5], [sflag:$0x3], $0xA000, $0x38;
	[tilespmem:$0x17200] =	vst v63  }
0x192: {  	_ =	swait.ge [sflag:s6], $0xA000  }
0x193: {  	[sflag:s6] =	ssyncset.done $0x0  }
0x194: {  	[sflag:s6] =	ssyncadd.s32 $0xFFFF6000  }
0x195: {  	[tilespmem:s5], [sflag:$0x1] =	stream.indirect.gather [hbm4b:s3+s7], $0x80, s12, s7, $0xb8;
	[tilespmem:$0x17200] =	vst v63  }
0x196: {  	_ =	swait.ge [sflag:s10], $0xA000  }
0x197: {  	s0 =	sld [smem:$0x7E7]  }
0x198: {  	[sflag:s10] =	ssyncset.done $0x0  }
0x199: {  	[sflag:s10] =	ssyncadd.s32 $0xFFFF6000  }
0x19a: {  	[hbm4b:s0+s2] =	stream.linear.scatter [tilespmem:s4], [sflag:$0x4], $0xA000, $0x38;
	[tilespmem:$0x17200] =	vst v63  }
0x19b: {  	_ =	swait.ge [sflag:s8], $0xA000  }
0x19c: {  	[sflag:s8] =	ssyncset.done $0x0  }
0x19d: {  	[sflag:s8] =	ssyncadd.s32 $0xFFFF6000  }
0x19e: {  	[tilespmem:s4], [sflag:$0x2] =	stream.indirect.gather [hbm4b:s3+s7], $0x80, s11, s7, $0xb8;
	[tilespmem:$0x17200] =	vst v63  }
0x19f: {  	_ =	swait.ge [sflag:s9], $0xA000  }
0x1a0: {  	s0 =	sld [smem:$0x7E8]  }
0x1a1: {  	[sflag:s9] =	ssyncset.done $0x0  }
0x1a2: {  	[sflag:s9] =	ssyncadd.s32 $0xFFFF6000  }
0x1a3: {  	[hbm4b:s0+s2] =	stream.linear.scatter [tilespmem:s5], [sflag:$0x3], $0xA000, $0x38;
	[tilespmem:$0x17200] =	vst v63  }
0x1a4: {  	_ =	swait.ge [sflag:s10], $0xA000  }
0x1a5: {  	s0 =	sld [smem:$0x7E9]  }
0x1a6: {  	[sflag:s10] =	ssyncset.done $0x0  }
0x1a7: {  	p1 =	sne.s32 s1, $0x1;
	[sflag:s10] =	ssyncadd.s32 $0xFFFF6000  }
0x1a8: {  	[hbm4b:s0+s2] =	stream.linear.scatter [tilespmem:s4], [sflag:$0x4], $0xA000, $0x38;
	[tilespmem:$0x17200] =	vst v63  }
.Ltmp1:
0x1a9: {  	_ =	swait.ge [sflag:s6], $0xA000;
	(pc) =	sbr.rel @!p1 .LBB2_3-.Ltmp1, $4  }
0x1aa: {  	[sflag:s6] =	ssyncset.done $0x0  }
0x1ab: {  	[sflag:s6] =	ssyncadd.s32 $0xFFFF6000  }
0x1ac: {  	s1 =	sadd.s32 $0xFFFFFFFF, s1;
	_ =	swait.ge [sflag:s8], $0xA000  }
0x1ad: {  	p0 =	por $0x1, $0x1;
	s0 =	rddreg [dreg:$0x3];
	[sflag:s8] =	ssyncset.done $0x0  }
.LBB2_2:
0x1ae: {  	[sflag:s8] =	ssyncadd.s32 $0xFFFF6000  }
0x1af: {  	[tilespmem:s2], [sflag:$0x5] =	stream.linear.gather [hbm4b:s0+s2], $0x3200, $0x38;
	[tilespmem:$0x17200] =	vst v63  }
0x1b0: {  	_ =	swait.ge [sflag:s31], $0x3200  }
0x1b1: {  	[sflag:s31] =	ssyncset.done $0x0  }
0x1b2: {  	[sflag:s31] =	ssyncadd.s32 $0xFFFFCE00  }
0x1b3: {  	[tilespmem:s5], [sflag:$0x1] =	stream.indirect.gather [hbm4b:s3+s7], $0x80, s2, s7, $0xb8;
	[tilespmem:$0x17200] =	vst v63  }
0x1b4: {  	_ = 	snop  }
0x1b5: {  	[tilespmem:s4], [sflag:$0x2] =	stream.indirect.gather [hbm4b:s3+s7], $0x80, s7, s7, $0xb8;
	[tilespmem:$0x17200] =	vst v63  }
0x1b6: {  	_ =	swait.ge [sflag:s9], $0xA000  }
0x1b7: {  	[sflag:s9] =	ssyncset.done $0x0  }
0x1b8: {  	[sflag:s9] =	ssyncadd.s32 $0xFFFF6000  }
0x1b9: {  	[hbm4b:s30+s2] =	stream.linear.scatter [tilespmem:s5], [sflag:$0x3], $0xA000, $0x38;
	[tilespmem:$0x17200] =	vst v63  }
0x1ba: {  	_ =	swait.ge [sflag:s6], $0xA000  }
0x1bb: {  	s0 =	sld [smem:$0x7EA]  }
0x1bc: {  	[sflag:s6] =	ssyncset.done $0x0  }
0x1bd: {  	[sflag:s6] =	ssyncadd.s32 $0xFFFF6000  }
0x1be: {  	[tilespmem:s5], [sflag:$0x1] =	stream.indirect.gather [hbm4b:s3+s7], $0x80, s0, s7, $0xb8;
	[tilespmem:$0x17200] =	vst v63  }
0x1bf: {  	_ =	swait.ge [sflag:s10], $0xA000  }
0x1c0: {  	[sflag:s10] =	ssyncset.done $0x0  }
0x1c1: {  	s0 =	rddreg [dreg:$0x4];
	[sflag:s10] =	ssyncadd.s32 $0xFFFF6000  }
0x1c2: {  	[hbm4b:s0+s2] =	stream.linear.scatter [tilespmem:s4], [sflag:$0x4], $0xA000, $0x38;
	[tilespmem:$0x17200] =	vst v63  }
0x1c3: {  	_ =	swait.ge [sflag:s8], $0xA000  }
0x1c4: {  	s0 =	sld [smem:$0x7EB]  }
0x1c5: {  	[sflag:s8] =	ssyncset.done $0x0  }
0x1c6: {  	[sflag:s8] =	ssyncadd.s32 $0xFFFF6000  }
0x1c7: {  	[tilespmem:s4], [sflag:$0x2] =	stream.indirect.gather [hbm4b:s3+s7], $0x80, s0, s7, $0xb8;
	[tilespmem:$0x17200] =	vst v63  }
0x1c8: {  	_ =	swait.ge [sflag:s9], $0xA000  }
0x1c9: {  	[sflag:s9] =	ssyncset.done $0x0  }
0x1ca: {  	s0 =	rddreg [dreg:$0x5];
	[sflag:s9] =	ssyncadd.s32 $0xFFFF6000  }
0x1cb: {  	[hbm4b:s0+s2] =	stream.linear.scatter [tilespmem:s5], [sflag:$0x3], $0xA000, $0x38;
	[tilespmem:$0x17200] =	vst v63  }
0x1cc: {  	_ =	swait.ge [sflag:s6], $0xA000  }
0x1cd: {  	s0 =	sld [smem:$0x7EC]  }
0x1ce: {  	[sflag:s6] =	ssyncset.done $0x0  }
0x1cf: {  	[sflag:s6] =	ssyncadd.s32 $0xFFFF6000  }
0x1d0: {  	[tilespmem:s5], [sflag:$0x1] =	stream.indirect.gather [hbm4b:s3+s7], $0x80, s0, s7, $0xb8;
	[tilespmem:$0x17200] =	vst v63  }
0x1d1: {  	_ =	swait.ge [sflag:s10], $0xA000  }
0x1d2: {  	[sflag:s10] =	ssyncset.done $0x0  }
0x1d3: {  	s0 =	rddreg [dreg:$0x6];
	[sflag:s10] =	ssyncadd.s32 $0xFFFF6000  }
0x1d4: {  	[hbm4b:s0+s2] =	stream.linear.scatter [tilespmem:s4], [sflag:$0x4], $0xA000, $0x38;
	[tilespmem:$0x17200] =	vst v63  }
0x1d5: {  	_ =	swait.ge [sflag:s8], $0xA000  }
0x1d6: {  	s0 =	sld [smem:$0x7ED]  }
0x1d7: {  	[sflag:s8] =	ssyncset.done $0x0  }
0x1d8: {  	[sflag:s8] =	ssyncadd.s32 $0xFFFF6000  }
0x1d9: {  	[tilespmem:s4], [sflag:$0x2] =	stream.indirect.gather [hbm4b:s3+s7], $0x80, s0, s7, $0xb8;
	[tilespmem:$0x17200] =	vst v63  }
0x1da: {  	_ =	swait.ge [sflag:s9], $0xA000  }
0x1db: {  	[sflag:s9] =	ssyncset.done $0x0  }
0x1dc: {  	s0 =	rddreg [dreg:$0x7];
	[sflag:s9] =	ssyncadd.s32 $0xFFFF6000  }
0x1dd: {  	[hbm4b:s0+s2] =	stream.linear.scatter [tilespmem:s5], [sflag:$0x3], $0xA000, $0x38;
	[tilespmem:$0x17200] =	vst v63  }
0x1de: {  	_ =	swait.ge [sflag:s6], $0xA000  }
0x1df: {  	s0 =	sld [smem:$0x7EE]  }
0x1e0: {  	[sflag:s6] =	ssyncset.done $0x0  }
0x1e1: {  	[sflag:s6] =	ssyncadd.s32 $0xFFFF6000  }
0x1e2: {  	[tilespmem:s5], [sflag:$0x1] =	stream.indirect.gather [hbm4b:s3+s7], $0x80, s0, s7, $0xb8;
	[tilespmem:$0x17200] =	vst v63  }
0x1e3: {  	_ =	swait.ge [sflag:s10], $0xA000  }
0x1e4: {  	[sflag:s10] =	ssyncset.done $0x0  }
0x1e5: {  	s0 =	rddreg [dreg:$0x8];
	[sflag:s10] =	ssyncadd.s32 $0xFFFF6000  }
0x1e6: {  	[hbm4b:s0+s2] =	stream.linear.scatter [tilespmem:s4], [sflag:$0x4], $0xA000, $0x38;
	[tilespmem:$0x17200] =	vst v63  }
0x1e7: {  	_ =	swait.ge [sflag:s8], $0xA000  }
0x1e8: {  	s0 =	sld [smem:$0x7EF]  }
0x1e9: {  	[sflag:s8] =	ssyncset.done $0x0  }
0x1ea: {  	[sflag:s8] =	ssyncadd.s32 $0xFFFF6000  }
0x1eb: {  	[tilespmem:s4], [sflag:$0x2] =	stream.indirect.gather [hbm4b:s3+s7], $0x80, s0, s7, $0xb8;
	[tilespmem:$0x17200] =	vst v63  }
0x1ec: {  	_ =	swait.ge [sflag:s9], $0xA000  }
0x1ed: {  	[sflag:s9] =	ssyncset.done $0x0  }
0x1ee: {  	s0 =	rddreg [dreg:$0x9];
	[sflag:s9] =	ssyncadd.s32 $0xFFFF6000  }
0x1ef: {  	[hbm4b:s0+s2] =	stream.linear.scatter [tilespmem:s5], [sflag:$0x3], $0xA000, $0x38;
	[tilespmem:$0x17200] =	vst v63  }
0x1f0: {  	_ =	swait.ge [sflag:s6], $0xA000  }
0x1f1: {  	s0 =	sld [smem:$0x7F0]  }
0x1f2: {  	[sflag:s6] =	ssyncset.done $0x0  }
0x1f3: {  	[sflag:s6] =	ssyncadd.s32 $0xFFFF6000  }
0x1f4: {  	[tilespmem:s5], [sflag:$0x1] =	stream.indirect.gather [hbm4b:s3+s7], $0x80, s0, s7, $0xb8;
	[tilespmem:$0x17200] =	vst v63  }
0x1f5: {  	_ =	swait.ge [sflag:s10], $0xA000  }
0x1f6: {  	[sflag:s10] =	ssyncset.done $0x0  }
0x1f7: {  	s0 =	rddreg [dreg:$0xa];
	[sflag:s10] =	ssyncadd.s32 $0xFFFF6000  }
0x1f8: {  	[hbm4b:s0+s2] =	stream.linear.scatter [tilespmem:s4], [sflag:$0x4], $0xA000, $0x38;
	[tilespmem:$0x17200] =	vst v63  }
0x1f9: {  	_ =	swait.ge [sflag:s8], $0xA000  }
0x1fa: {  	s0 =	sld [smem:$0x7F1]  }
0x1fb: {  	[sflag:s8] =	ssyncset.done $0x0  }
0x1fc: {  	[sflag:s8] =	ssyncadd.s32 $0xFFFF6000  }
0x1fd: {  	[tilespmem:s4], [sflag:$0x2] =	stream.indirect.gather [hbm4b:s3+s7], $0x80, s0, s7, $0xb8;
	[tilespmem:$0x17200] =	vst v63  }
0x1fe: {  	_ =	swait.ge [sflag:s9], $0xA000  }
0x1ff: {  	[sflag:s9] =	ssyncset.done $0x0  }
0x200: {  	s0 =	rddreg [dreg:$0xb];
	[sflag:s9] =	ssyncadd.s32 $0xFFFF6000  }
0x201: {  	[hbm4b:s0+s2] =	stream.linear.scatter [tilespmem:s5], [sflag:$0x3], $0xA000, $0x38;
	[tilespmem:$0x17200] =	vst v63  }
0x202: {  	_ =	swait.ge [sflag:s6], $0xA000  }
0x203: {  	s0 =	sld [smem:$0x7F2]  }
0x204: {  	[sflag:s6] =	ssyncset.done $0x0  }
0x205: {  	[sflag:s6] =	ssyncadd.s32 $0xFFFF6000  }
0x206: {  	[tilespmem:s5], [sflag:$0x1] =	stream.indirect.gather [hbm4b:s3+s7], $0x80, s0, s7, $0xb8;
	[tilespmem:$0x17200] =	vst v63  }
0x207: {  	_ =	swait.ge [sflag:s10], $0xA000  }
0x208: {  	[sflag:s10] =	ssyncset.done $0x0  }
0x209: {  	s0 =	rddreg [dreg:$0xc];
	[sflag:s10] =	ssyncadd.s32 $0xFFFF6000  }
0x20a: {  	[hbm4b:s0+s2] =	stream.linear.scatter [tilespmem:s4], [sflag:$0x4], $0xA000, $0x38;
	[tilespmem:$0x17200] =	vst v63  }
0x20b: {  	_ =	swait.ge [sflag:s8], $0xA000  }
0x20c: {  	s0 =	sld [smem:$0x7F3]  }
0x20d: {  	[sflag:s8] =	ssyncset.done $0x0  }
0x20e: {  	[sflag:s8] =	ssyncadd.s32 $0xFFFF6000  }
0x20f: {  	[tilespmem:s4], [sflag:$0x2] =	stream.indirect.gather [hbm4b:s3+s7], $0x80, s0, s7, $0xb8;
	[tilespmem:$0x17200] =	vst v63  }
0x210: {  	_ =	swait.ge [sflag:s9], $0xA000  }
0x211: {  	[sflag:s9] =	ssyncset.done $0x0  }
0x212: {  	s0 =	rddreg [dreg:$0xd];
	[sflag:s9] =	ssyncadd.s32 $0xFFFF6000  }
0x213: {  	[hbm4b:s0+s2] =	stream.linear.scatter [tilespmem:s5], [sflag:$0x3], $0xA000, $0x38;
	[tilespmem:$0x17200] =	vst v63  }
0x214: {  	_ =	swait.ge [sflag:s6], $0xA000  }
0x215: {  	s0 =	sld [smem:$0x7F4]  }
0x216: {  	[sflag:s6] =	ssyncset.done $0x0  }
0x217: {  	[sflag:s6] =	ssyncadd.s32 $0xFFFF6000  }
0x218: {  	[tilespmem:s5], [sflag:$0x1] =	stream.indirect.gather [hbm4b:s3+s7], $0x80, s0, s7, $0xb8;
	[tilespmem:$0x17200] =	vst v63  }
0x219: {  	_ =	swait.ge [sflag:s10], $0xA000  }
0x21a: {  	[sflag:s10] =	ssyncset.done $0x0  }
0x21b: {  	s0 =	rddreg [dreg:$0xe];
	[sflag:s10] =	ssyncadd.s32 $0xFFFF6000  }
0x21c: {  	[hbm4b:s0+s2] =	stream.linear.scatter [tilespmem:s4], [sflag:$0x4], $0xA000, $0x38;
	[tilespmem:$0x17200] =	vst v63  }
0x21d: {  	_ =	swait.ge [sflag:s8], $0xA000  }
0x21e: {  	s0 =	sld [smem:$0x7F5]  }
0x21f: {  	[sflag:s8] =	ssyncset.done $0x0  }
0x220: {  	[sflag:s8] =	ssyncadd.s32 $0xFFFF6000  }
0x221: {  	[tilespmem:s4], [sflag:$0x2] =	stream.indirect.gather [hbm4b:s3+s7], $0x80, s0, s7, $0xb8;
	[tilespmem:$0x17200] =	vst v63  }
0x222: {  	_ =	swait.ge [sflag:s9], $0xA000  }
0x223: {  	[sflag:s9] =	ssyncset.done $0x0  }
0x224: {  	s0 =	rddreg [dreg:$0xf];
	[sflag:s9] =	ssyncadd.s32 $0xFFFF6000  }
0x225: {  	[hbm4b:s0+s2] =	stream.linear.scatter [tilespmem:s5], [sflag:$0x3], $0xA000, $0x38;
	[tilespmem:$0x17200] =	vst v63  }
0x226: {  	_ =	swait.ge [sflag:s6], $0xA000  }
0x227: {  	s0 =	sld [smem:$0x7F6]  }
0x228: {  	[sflag:s6] =	ssyncset.done $0x0  }
0x229: {  	[sflag:s6] =	ssyncadd.s32 $0xFFFF6000  }
0x22a: {  	[tilespmem:s5], [sflag:$0x1] =	stream.indirect.gather [hbm4b:s3+s7], $0x80, s0, s7, $0xb8;
	[tilespmem:$0x17200] =	vst v63  }
0x22b: {  	_ =	swait.ge [sflag:s10], $0xA000  }
0x22c: {  	[sflag:s10] =	ssyncset.done $0x0  }
0x22d: {  	s0 =	rddreg [dreg:$0x10];
	[sflag:s10] =	ssyncadd.s32 $0xFFFF6000  }
0x22e: {  	[hbm4b:s0+s2] =	stream.linear.scatter [tilespmem:s4], [sflag:$0x4], $0xA000, $0x38;
	[tilespmem:$0x17200] =	vst v63  }
0x22f: {  	_ =	swait.ge [sflag:s8], $0xA000  }
0x230: {  	s0 =	sld [smem:$0x7F7]  }
0x231: {  	[sflag:s8] =	ssyncset.done $0x0  }
0x232: {  	[sflag:s8] =	ssyncadd.s32 $0xFFFF6000  }
0x233: {  	[tilespmem:s4], [sflag:$0x2] =	stream.indirect.gather [hbm4b:s3+s7], $0x80, s0, s7, $0xb8;
	[tilespmem:$0x17200] =	vst v63  }
0x234: {  	_ =	swait.ge [sflag:s9], $0xA000  }
0x235: {  	[sflag:s9] =	ssyncset.done $0x0  }
0x236: {  	s0 =	rddreg [dreg:$0x11];
	[sflag:s9] =	ssyncadd.s32 $0xFFFF6000  }
0x237: {  	[hbm4b:s0+s2] =	stream.linear.scatter [tilespmem:s5], [sflag:$0x3], $0xA000, $0x38;
	[tilespmem:$0x17200] =	vst v63  }
0x238: {  	_ =	swait.ge [sflag:s6], $0xA000  }
0x239: {  	s0 =	sld [smem:$0x7F8]  }
0x23a: {  	[sflag:s6] =	ssyncset.done $0x0  }
0x23b: {  	[sflag:s6] =	ssyncadd.s32 $0xFFFF6000  }
0x23c: {  	[tilespmem:s5], [sflag:$0x1] =	stream.indirect.gather [hbm4b:s3+s7], $0x80, s0, s7, $0xb8;
	[tilespmem:$0x17200] =	vst v63  }
0x23d: {  	_ =	swait.ge [sflag:s10], $0xA000  }
0x23e: {  	[sflag:s10] =	ssyncset.done $0x0  }
0x23f: {  	s0 =	rddreg [dreg:$0x12];
	[sflag:s10] =	ssyncadd.s32 $0xFFFF6000  }
0x240: {  	[hbm4b:s0+s2] =	stream.linear.scatter [tilespmem:s4], [sflag:$0x4], $0xA000, $0x38;
	[tilespmem:$0x17200] =	vst v63  }
0x241: {  	_ =	swait.ge [sflag:s8], $0xA000  }
0x242: {  	s0 =	sld [smem:$0x7F9]  }
0x243: {  	[sflag:s8] =	ssyncset.done $0x0  }
0x244: {  	[sflag:s8] =	ssyncadd.s32 $0xFFFF6000  }
0x245: {  	[tilespmem:s4], [sflag:$0x2] =	stream.indirect.gather [hbm4b:s3+s7], $0x80, s0, s7, $0xb8;
	[tilespmem:$0x17200] =	vst v63  }
0x246: {  	_ =	swait.ge [sflag:s9], $0xA000  }
0x247: {  	[sflag:s9] =	ssyncset.done $0x0  }
0x248: {  	s0 =	rddreg [dreg:$0x13];
	[sflag:s9] =	ssyncadd.s32 $0xFFFF6000  }
0x249: {  	[hbm4b:s0+s2] =	stream.linear.scatter [tilespmem:s5], [sflag:$0x3], $0xA000, $0x38;
	[tilespmem:$0x17200] =	vst v63  }
0x24a: {  	_ =	swait.ge [sflag:s6], $0xA000  }
0x24b: {  	s0 =	sld [smem:$0x7FA]  }
0x24c: {  	[sflag:s6] =	ssyncset.done $0x0  }
0x24d: {  	[sflag:s6] =	ssyncadd.s32 $0xFFFF6000  }
0x24e: {  	[tilespmem:s5], [sflag:$0x1] =	stream.indirect.gather [hbm4b:s3+s7], $0x80, s0, s7, $0xb8;
	[tilespmem:$0x17200] =	vst v63  }
0x24f: {  	_ =	swait.ge [sflag:s10], $0xA000  }
0x250: {  	[sflag:s10] =	ssyncset.done $0x0  }
0x251: {  	s0 =	rddreg [dreg:$0x14];
	[sflag:s10] =	ssyncadd.s32 $0xFFFF6000  }
0x252: {  	[hbm4b:s0+s2] =	stream.linear.scatter [tilespmem:s4], [sflag:$0x4], $0xA000, $0x38;
	[tilespmem:$0x17200] =	vst v63  }
0x253: {  	_ =	swait.ge [sflag:s8], $0xA000  }
0x254: {  	s0 =	sld [smem:$0x7FB]  }
0x255: {  	[sflag:s8] =	ssyncset.done $0x0  }
0x256: {  	[sflag:s8] =	ssyncadd.s32 $0xFFFF6000  }
0x257: {  	[tilespmem:s4], [sflag:$0x2] =	stream.indirect.gather [hbm4b:s3+s7], $0x80, s0, s7, $0xb8;
	[tilespmem:$0x17200] =	vst v63  }
0x258: {  	_ =	swait.ge [sflag:s9], $0xA000  }
0x259: {  	[sflag:s9] =	ssyncset.done $0x0  }
0x25a: {  	s0 =	rddreg [dreg:$0x15];
	[sflag:s9] =	ssyncadd.s32 $0xFFFF6000  }
0x25b: {  	[hbm4b:s0+s2] =	stream.linear.scatter [tilespmem:s5], [sflag:$0x3], $0xA000, $0x38;
	[tilespmem:$0x17200] =	vst v63  }
0x25c: {  	_ =	swait.ge [sflag:s6], $0xA000  }
0x25d: {  	s0 =	sld [smem:$0x7FC]  }
0x25e: {  	[sflag:s6] =	ssyncset.done $0x0  }
0x25f: {  	[sflag:s6] =	ssyncadd.s32 $0xFFFF6000  }
0x260: {  	[tilespmem:s5], [sflag:$0x1] =	stream.indirect.gather [hbm4b:s3+s7], $0x80, s0, s7, $0xb8;
	[tilespmem:$0x17200] =	vst v63  }
0x261: {  	_ =	swait.ge [sflag:s10], $0xA000  }
0x262: {  	[sflag:s10] =	ssyncset.done $0x0  }
0x263: {  	s0 =	rddreg [dreg:$0x16];
	[sflag:s10] =	ssyncadd.s32 $0xFFFF6000  }
0x264: {  	[hbm4b:s0+s2] =	stream.linear.scatter [tilespmem:s4], [sflag:$0x4], $0xA000, $0x38;
	[tilespmem:$0x17200] =	vst v63  }
0x265: {  	_ =	swait.ge [sflag:s8], $0xA000  }
0x266: {  	s0 =	sld [smem:$0x7FD]  }
0x267: {  	[sflag:s8] =	ssyncset.done $0x0  }
0x268: {  	[sflag:s8] =	ssyncadd.s32 $0xFFFF6000  }
0x269: {  	[tilespmem:s4], [sflag:$0x2] =	stream.indirect.gather [hbm4b:s3+s7], $0x80, s0, s7, $0xb8;
	[tilespmem:$0x17200] =	vst v63  }
0x26a: {  	_ =	swait.ge [sflag:s9], $0xA000  }
0x26b: {  	[sflag:s9] =	ssyncset.done $0x0  }
0x26c: {  	s0 =	rddreg [dreg:$0x17];
	[sflag:s9] =	ssyncadd.s32 $0xFFFF6000  }
0x26d: {  	[hbm4b:s0+s2] =	stream.linear.scatter [tilespmem:s5], [sflag:$0x3], $0xA000, $0x38;
	[tilespmem:$0x17200] =	vst v63  }
0x26e: {  	_ =	swait.ge [sflag:s6], $0xA000  }
0x26f: {  	[sflag:s6] =	ssyncset.done $0x0  }
0x270: {  	[sflag:s6] =	ssyncadd.s32 $0xFFFF6000  }
0x271: {  	[tilespmem:s5], [sflag:$0x1] =	stream.indirect.gather [hbm4b:s3+s7], $0x80, s29, s7, $0xb8;
	[tilespmem:$0x17200] =	vst v63  }
0x272: {  	_ =	swait.ge [sflag:s10], $0xA000  }
0x273: {  	[sflag:s10] =	ssyncset.done $0x0  }
0x274: {  	s0 =	rddreg [dreg:$0x18];
	[sflag:s10] =	ssyncadd.s32 $0xFFFF6000  }
0x275: {  	[hbm4b:s0+s2] =	stream.linear.scatter [tilespmem:s4], [sflag:$0x4], $0xA000, $0x38;
	[tilespmem:$0x17200] =	vst v63  }
0x276: {  	_ =	swait.ge [sflag:s8], $0xA000  }
0x277: {  	[sflag:s8] =	ssyncset.done $0x0  }
0x278: {  	[sflag:s8] =	ssyncadd.s32 $0xFFFF6000  }
0x279: {  	[tilespmem:s4], [sflag:$0x2] =	stream.indirect.gather [hbm4b:s3+s7], $0x80, s28, s7, $0xb8;
	[tilespmem:$0x17200] =	vst v63  }
0x27a: {  	_ =	swait.ge [sflag:s9], $0xA000  }
0x27b: {  	[sflag:s9] =	ssyncset.done $0x0  }
0x27c: {  	s0 =	rddreg [dreg:$0x19];
	[sflag:s9] =	ssyncadd.s32 $0xFFFF6000  }
0x27d: {  	[hbm4b:s0+s2] =	stream.linear.scatter [tilespmem:s5], [sflag:$0x3], $0xA000, $0x38;
	[tilespmem:$0x17200] =	vst v63  }
0x27e: {  	_ =	swait.ge [sflag:s6], $0xA000  }
0x27f: {  	[sflag:s6] =	ssyncset.done $0x0  }
0x280: {  	[sflag:s6] =	ssyncadd.s32 $0xFFFF6000  }
0x281: {  	[tilespmem:s5], [sflag:$0x1] =	stream.indirect.gather [hbm4b:s3+s7], $0x80, s26, s7, $0xb8;
	[tilespmem:$0x17200] =	vst v63  }
0x282: {  	_ =	swait.ge [sflag:s10], $0xA000  }
0x283: {  	[sflag:s10] =	ssyncset.done $0x0  }
0x284: {  	s0 =	rddreg [dreg:$0x1a];
	[sflag:s10] =	ssyncadd.s32 $0xFFFF6000  }
0x285: {  	[hbm4b:s0+s2] =	stream.linear.scatter [tilespmem:s4], [sflag:$0x4], $0xA000, $0x38;
	[tilespmem:$0x17200] =	vst v63  }
0x286: {  	_ =	swait.ge [sflag:s8], $0xA000  }
0x287: {  	[sflag:s8] =	ssyncset.done $0x0  }
0x288: {  	[sflag:s8] =	ssyncadd.s32 $0xFFFF6000  }
0x289: {  	[tilespmem:s4], [sflag:$0x2] =	stream.indirect.gather [hbm4b:s3+s7], $0x80, s25, s7, $0xb8;
	[tilespmem:$0x17200] =	vst v63  }
0x28a: {  	_ =	swait.ge [sflag:s9], $0xA000  }
0x28b: {  	[sflag:s9] =	ssyncset.done $0x0  }
0x28c: {  	s0 =	rddreg [dreg:$0x1b];
	[sflag:s9] =	ssyncadd.s32 $0xFFFF6000  }
0x28d: {  	[hbm4b:s0+s2] =	stream.linear.scatter [tilespmem:s5], [sflag:$0x3], $0xA000, $0x38;
	[tilespmem:$0x17200] =	vst v63  }
0x28e: {  	_ =	swait.ge [sflag:s6], $0xA000  }
0x28f: {  	[sflag:s6] =	ssyncset.done $0x0  }
0x290: {  	[sflag:s6] =	ssyncadd.s32 $0xFFFF6000  }
0x291: {  	[tilespmem:s5], [sflag:$0x1] =	stream.indirect.gather [hbm4b:s3+s7], $0x80, s24, s7, $0xb8;
	[tilespmem:$0x17200] =	vst v63  }
0x292: {  	_ =	swait.ge [sflag:s10], $0xA000  }
0x293: {  	[sflag:s10] =	ssyncset.done $0x0  }
0x294: {  	s0 =	rddreg [dreg:$0x1c];
	[sflag:s10] =	ssyncadd.s32 $0xFFFF6000  }
0x295: {  	[hbm4b:s0+s2] =	stream.linear.scatter [tilespmem:s4], [sflag:$0x4], $0xA000, $0x38;
	[tilespmem:$0x17200] =	vst v63  }
0x296: {  	_ =	swait.ge [sflag:s8], $0xA000  }
0x297: {  	[sflag:s8] =	ssyncset.done $0x0  }
0x298: {  	[sflag:s8] =	ssyncadd.s32 $0xFFFF6000  }
0x299: {  	[tilespmem:s4], [sflag:$0x2] =	stream.indirect.gather [hbm4b:s3+s7], $0x80, s23, s7, $0xb8;
	[tilespmem:$0x17200] =	vst v63  }
0x29a: {  	_ =	swait.ge [sflag:s9], $0xA000  }
0x29b: {  	[sflag:s9] =	ssyncset.done $0x0  }
0x29c: {  	s0 =	rddreg [dreg:$0x1d];
	[sflag:s9] =	ssyncadd.s32 $0xFFFF6000  }
0x29d: {  	[hbm4b:s0+s2] =	stream.linear.scatter [tilespmem:s5], [sflag:$0x3], $0xA000, $0x38;
	[tilespmem:$0x17200] =	vst v63  }
0x29e: {  	_ =	swait.ge [sflag:s6], $0xA000  }
0x29f: {  	[sflag:s6] =	ssyncset.done $0x0  }
0x2a0: {  	[sflag:s6] =	ssyncadd.s32 $0xFFFF6000  }
0x2a1: {  	[tilespmem:s5], [sflag:$0x1] =	stream.indirect.gather [hbm4b:s3+s7], $0x80, s22, s7, $0xb8;
	[tilespmem:$0x17200] =	vst v63  }
0x2a2: {  	_ =	swait.ge [sflag:s10], $0xA000  }
0x2a3: {  	[sflag:s10] =	ssyncset.done $0x0  }
0x2a4: {  	s0 =	rddreg [dreg:$0x1e];
	[sflag:s10] =	ssyncadd.s32 $0xFFFF6000  }
0x2a5: {  	[hbm4b:s0+s2] =	stream.linear.scatter [tilespmem:s4], [sflag:$0x4], $0xA000, $0x38;
	[tilespmem:$0x17200] =	vst v63  }
0x2a6: {  	_ =	swait.ge [sflag:s8], $0xA000  }
0x2a7: {  	[sflag:s8] =	ssyncset.done $0x0  }
0x2a8: {  	[sflag:s8] =	ssyncadd.s32 $0xFFFF6000  }
0x2a9: {  	[tilespmem:s4], [sflag:$0x2] =	stream.indirect.gather [hbm4b:s3+s7], $0x80, s21, s7, $0xb8;
	[tilespmem:$0x17200] =	vst v63  }
0x2aa: {  	_ =	swait.ge [sflag:s9], $0xA000  }
0x2ab: {  	[sflag:s9] =	ssyncset.done $0x0  }
0x2ac: {  	s0 =	rddreg [dreg:$0x1f];
	[sflag:s9] =	ssyncadd.s32 $0xFFFF6000  }
0x2ad: {  	[hbm4b:s0+s2] =	stream.linear.scatter [tilespmem:s5], [sflag:$0x3], $0xA000, $0x38;
	[tilespmem:$0x17200] =	vst v63  }
0x2ae: {  	_ =	swait.ge [sflag:s6], $0xA000  }
0x2af: {  	[sflag:s6] =	ssyncset.done $0x0  }
0x2b0: {  	[sflag:s6] =	ssyncadd.s32 $0xFFFF6000  }
0x2b1: {  	[tilespmem:s5], [sflag:$0x1] =	stream.indirect.gather [hbm4b:s3+s7], $0x80, s20, s7, $0xb8;
	[tilespmem:$0x17200] =	vst v63  }
0x2b2: {  	_ =	swait.ge [sflag:s10], $0xA000  }
0x2b3: {  	s0 =	sld [smem:$0x7DF]  }
0x2b4: {  	[sflag:s10] =	ssyncset.done $0x0  }
0x2b5: {  	[sflag:s10] =	ssyncadd.s32 $0xFFFF6000  }
0x2b6: {  	[hbm4b:s0+s2] =	stream.linear.scatter [tilespmem:s4], [sflag:$0x4], $0xA000, $0x38;
	[tilespmem:$0x17200] =	vst v63  }
0x2b7: {  	_ =	swait.ge [sflag:s8], $0xA000  }
0x2b8: {  	[sflag:s8] =	ssyncset.done $0x0  }
0x2b9: {  	[sflag:s8] =	ssyncadd.s32 $0xFFFF6000  }
0x2ba: {  	[tilespmem:s4], [sflag:$0x2] =	stream.indirect.gather [hbm4b:s3+s7], $0x80, s19, s7, $0xb8;
	[tilespmem:$0x17200] =	vst v63  }
0x2bb: {  	_ =	swait.ge [sflag:s9], $0xA000  }
0x2bc: {  	s0 =	sld [smem:$0x7E0]  }
0x2bd: {  	[sflag:s9] =	ssyncset.done $0x0  }
0x2be: {  	[sflag:s9] =	ssyncadd.s32 $0xFFFF6000  }
0x2bf: {  	[hbm4b:s0+s2] =	stream.linear.scatter [tilespmem:s5], [sflag:$0x3], $0xA000, $0x38;
	[tilespmem:$0x17200] =	vst v63  }
0x2c0: {  	_ =	swait.ge [sflag:s6], $0xA000  }
0x2c1: {  	[sflag:s6] =	ssyncset.done $0x0  }
0x2c2: {  	[sflag:s6] =	ssyncadd.s32 $0xFFFF6000  }
0x2c3: {  	[tilespmem:s5], [sflag:$0x1] =	stream.indirect.gather [hbm4b:s3+s7], $0x80, s18, s7, $0xb8;
	[tilespmem:$0x17200] =	vst v63  }
0x2c4: {  	_ =	swait.ge [sflag:s10], $0xA000  }
0x2c5: {  	s0 =	sld [smem:$0x7E1]  }
0x2c6: {  	[sflag:s10] =	ssyncset.done $0x0  }
0x2c7: {  	[sflag:s10] =	ssyncadd.s32 $0xFFFF6000  }
0x2c8: {  	[hbm4b:s0+s2] =	stream.linear.scatter [tilespmem:s4], [sflag:$0x4], $0xA000, $0x38;
	[tilespmem:$0x17200] =	vst v63  }
0x2c9: {  	_ =	swait.ge [sflag:s8], $0xA000  }
0x2ca: {  	[sflag:s8] =	ssyncset.done $0x0  }
0x2cb: {  	[sflag:s8] =	ssyncadd.s32 $0xFFFF6000  }
0x2cc: {  	[tilespmem:s4], [sflag:$0x2] =	stream.indirect.gather [hbm4b:s3+s7], $0x80, s17, s7, $0xb8;
	[tilespmem:$0x17200] =	vst v63  }
0x2cd: {  	_ =	swait.ge [sflag:s9], $0xA000  }
0x2ce: {  	s0 =	sld [smem:$0x7E2]  }
0x2cf: {  	[sflag:s9] =	ssyncset.done $0x0  }
0x2d0: {  	[sflag:s9] =	ssyncadd.s32 $0xFFFF6000  }
0x2d1: {  	[hbm4b:s0+s2] =	stream.linear.scatter [tilespmem:s5], [sflag:$0x3], $0xA000, $0x38;
	[tilespmem:$0x17200] =	vst v63  }
0x2d2: {  	_ =	swait.ge [sflag:s6], $0xA000  }
0x2d3: {  	[sflag:s6] =	ssyncset.done $0x0  }
0x2d4: {  	[sflag:s6] =	ssyncadd.s32 $0xFFFF6000  }
0x2d5: {  	[tilespmem:s5], [sflag:$0x1] =	stream.indirect.gather [hbm4b:s3+s7], $0x80, s16, s7, $0xb8;
	[tilespmem:$0x17200] =	vst v63  }
0x2d6: {  	_ =	swait.ge [sflag:s10], $0xA000  }
0x2d7: {  	s0 =	sld [smem:$0x7E3]  }
0x2d8: {  	[sflag:s10] =	ssyncset.done $0x0  }
0x2d9: {  	[sflag:s10] =	ssyncadd.s32 $0xFFFF6000  }
0x2da: {  	[hbm4b:s0+s2] =	stream.linear.scatter [tilespmem:s4], [sflag:$0x4], $0xA000, $0x38;
	[tilespmem:$0x17200] =	vst v63  }
0x2db: {  	_ =	swait.ge [sflag:s8], $0xA000  }
0x2dc: {  	[sflag:s8] =	ssyncset.done $0x0  }
0x2dd: {  	[sflag:s8] =	ssyncadd.s32 $0xFFFF6000  }
0x2de: {  	[tilespmem:s4], [sflag:$0x2] =	stream.indirect.gather [hbm4b:s3+s7], $0x80, s15, s7, $0xb8;
	[tilespmem:$0x17200] =	vst v63  }
0x2df: {  	_ =	swait.ge [sflag:s9], $0xA000  }
0x2e0: {  	s0 =	sld [smem:$0x7E4]  }
0x2e1: {  	[sflag:s9] =	ssyncset.done $0x0  }
0x2e2: {  	[sflag:s9] =	ssyncadd.s32 $0xFFFF6000  }
0x2e3: {  	[hbm4b:s0+s2] =	stream.linear.scatter [tilespmem:s5], [sflag:$0x3], $0xA000, $0x38;
	[tilespmem:$0x17200] =	vst v63  }
0x2e4: {  	_ =	swait.ge [sflag:s6], $0xA000  }
0x2e5: {  	[sflag:s6] =	ssyncset.done $0x0  }
0x2e6: {  	[sflag:s6] =	ssyncadd.s32 $0xFFFF6000  }
0x2e7: {  	[tilespmem:s5], [sflag:$0x1] =	stream.indirect.gather [hbm4b:s3+s7], $0x80, s14, s7, $0xb8;
	[tilespmem:$0x17200] =	vst v63  }
0x2e8: {  	_ =	swait.ge [sflag:s10], $0xA000  }
0x2e9: {  	s0 =	sld [smem:$0x7E5]  }
0x2ea: {  	[sflag:s10] =	ssyncset.done $0x0  }
0x2eb: {  	[sflag:s10] =	ssyncadd.s32 $0xFFFF6000  }
0x2ec: {  	[hbm4b:s0+s2] =	stream.linear.scatter [tilespmem:s4], [sflag:$0x4], $0xA000, $0x38;
	[tilespmem:$0x17200] =	vst v63  }
0x2ed: {  	_ =	swait.ge [sflag:s8], $0xA000  }
0x2ee: {  	[sflag:s8] =	ssyncset.done $0x0  }
0x2ef: {  	[sflag:s8] =	ssyncadd.s32 $0xFFFF6000  }
0x2f0: {  	[tilespmem:s4], [sflag:$0x2] =	stream.indirect.gather [hbm4b:s3+s7], $0x80, s13, s7, $0xb8;
	[tilespmem:$0x17200] =	vst v63  }
0x2f1: {  	_ =	swait.ge [sflag:s9], $0xA000  }
0x2f2: {  	s0 =	sld [smem:$0x7E6]  }
0x2f3: {  	[sflag:s9] =	ssyncset.done $0x0  }
0x2f4: {  	[sflag:s9] =	ssyncadd.s32 $0xFFFF6000  }
0x2f5: {  	[hbm4b:s0+s2] =	stream.linear.scatter [tilespmem:s5], [sflag:$0x3], $0xA000, $0x38;
	[tilespmem:$0x17200] =	vst v63  }
0x2f6: {  	_ =	swait.ge [sflag:s6], $0xA000  }
0x2f7: {  	[sflag:s6] =	ssyncset.done $0x0  }
0x2f8: {  	[sflag:s6] =	ssyncadd.s32 $0xFFFF6000  }
0x2f9: {  	[tilespmem:s5], [sflag:$0x1] =	stream.indirect.gather [hbm4b:s3+s7], $0x80, s12, s7, $0xb8;
	[tilespmem:$0x17200] =	vst v63  }
0x2fa: {  	_ =	swait.ge [sflag:s10], $0xA000  }
0x2fb: {  	s0 =	sld [smem:$0x7E7]  }
0x2fc: {  	[sflag:s10] =	ssyncset.done $0x0  }
0x2fd: {  	[sflag:s10] =	ssyncadd.s32 $0xFFFF6000  }
0x2fe: {  	[hbm4b:s0+s2] =	stream.linear.scatter [tilespmem:s4], [sflag:$0x4], $0xA000, $0x38;
	[tilespmem:$0x17200] =	vst v63  }
0x2ff: {  	_ =	swait.ge [sflag:s8], $0xA000  }
0x300: {  	[sflag:s8] =	ssyncset.done $0x0  }
0x301: {  	[sflag:s8] =	ssyncadd.s32 $0xFFFF6000  }
0x302: {  	[tilespmem:s4], [sflag:$0x2] =	stream.indirect.gather [hbm4b:s3+s7], $0x80, s11, s7, $0xb8;
	[tilespmem:$0x17200] =	vst v63  }
0x303: {  	_ =	swait.ge [sflag:s9], $0xA000  }
0x304: {  	s0 =	sld [smem:$0x7E8]  }
0x305: {  	[sflag:s9] =	ssyncset.done $0x0  }
0x306: {  	[sflag:s9] =	ssyncadd.s32 $0xFFFF6000  }
0x307: {  	[hbm4b:s0+s2] =	stream.linear.scatter [tilespmem:s5], [sflag:$0x3], $0xA000, $0x38;
	[tilespmem:$0x17200] =	vst v63  }
0x308: {  	_ =	swait.ge [sflag:s10], $0xA000  }
0x309: {  	s0 =	sld [smem:$0x7E9]  }
0x30a: {  	[sflag:s10] =	ssyncset.done $0x0  }
0x30b: {  	p1 =	sne.s32 s1, $0x1;
	[sflag:s10] =	ssyncadd.s32 $0xFFFF6000  }
0x30c: {  	[hbm4b:s0+s2] =	stream.linear.scatter [tilespmem:s4], [sflag:$0x4], $0xA000, $0x38;
	[tilespmem:$0x17200] =	vst v63  }
.Ltmp2:
0x30d: {  	_ =	swait.ge [sflag:s6], $0xA000;
	(pc) =	sbr.rel @p1 .LBB2_2-.Ltmp2, $4  }
0x30e: {  	[sflag:s6] =	ssyncset.done $0x0  }
0x30f: {  	[sflag:s6] =	ssyncadd.s32 $0xFFFF6000  }
0x310: {  	_ =	swait.ge [sflag:s8], $0xA000  }
0x311: {  	s1 =	sadd.s32 $0xFFFFFFFF, s1;
	s0 =	rddreg [dreg:$0x3];
	[sflag:s8] =	ssyncset.done $0x0  }
.LBB2_3:
0x312: {  	[sflag:s8] =	ssyncadd.s32 @p0 $0xFFFF6000  }
0x313: {  	[tilespmem:s2], [sflag:$0x5] =	stream.linear.gather [hbm4b:s0+s2], $0x3200, $0x38;
	[tilespmem:$0x17200] =	vst v63  }
0x314: {  	_ =	swait.ge [sflag:s31], $0x3200  }
0x315: {  	[sflag:s31] =	ssyncset.done $0x0  }
0x316: {  	[sflag:s31] =	ssyncadd.s32 $0xFFFFCE00  }
0x317: {  	[tilespmem:s5], [sflag:$0x1] =	stream.indirect.gather [hbm4b:s3+s7], $0x80, s2, s7, $0xb8;
	[tilespmem:$0x17200] =	vst v63  }
0x318: {  	_ = 	snop  }
0x319: {  	[tilespmem:s4], [sflag:$0x2] =	stream.indirect.gather [hbm4b:s3+s7], $0x80, s7, s7, $0xb8;
	[tilespmem:$0x17200] =	vst v63  }
0x31a: {  	_ =	swait.ge [sflag:s9], $0xA000  }
0x31b: {  	[sflag:s9] =	ssyncset.done $0x0  }
0x31c: {  	[sflag:s9] =	ssyncadd.s32 $0xFFFF6000  }
0x31d: {  	[hbm4b:s30+s2] =	stream.linear.scatter [tilespmem:s5], [sflag:$0x3], $0xA000, $0x38;
	[tilespmem:$0x17200] =	vst v63  }
0x31e: {  	_ =	swait.ge [sflag:s6], $0xA000  }
0x31f: {  	s1 =	sld [smem:$0x7EA]  }
0x320: {  	[sflag:s6] =	ssyncset.done $0x0  }
0x321: {  	[sflag:s6] =	ssyncadd.s32 $0xFFFF6000  }
0x322: {  	[tilespmem:s5], [sflag:$0x1] =	stream.indirect.gather [hbm4b:s3+s7], $0x80, s1, s7, $0xb8;
	[tilespmem:$0x17200] =	vst v63  }
0x323: {  	_ =	swait.ge [sflag:s10], $0xA000  }
0x324: {  	[sflag:s10] =	ssyncset.done $0x0  }
0x325: {  	s30 =	rddreg [dreg:$0x4];
	[sflag:s10] =	ssyncadd.s32 $0xFFFF6000  }
0x326: {  	[hbm4b:s30+s2] =	stream.linear.scatter [tilespmem:s4], [sflag:$0x4], $0xA000, $0x38;
	[tilespmem:$0x17200] =	vst v63  }
0x327: {  	_ =	swait.ge [sflag:s8], $0xA000  }
0x328: {  	s31 =	sld [smem:$0x7EB]  }
0x329: {  	[sflag:s8] =	ssyncset.done $0x0  }
0x32a: {  	[sflag:s8] =	ssyncadd.s32 $0xFFFF6000  }
0x32b: {  	[tilespmem:s4], [sflag:$0x2] =	stream.indirect.gather [hbm4b:s3+s7], $0x80, s31, s7, $0xb8;
	[tilespmem:$0x17200] =	vst v63  }
0x32c: {  	_ =	swait.ge [sflag:s9], $0xA000  }
0x32d: {  	[sflag:s9] =	ssyncset.done $0x0  }
0x32e: {  	s1 =	rddreg [dreg:$0x5];
	[sflag:s9] =	ssyncadd.s32 $0xFFFF6000  }
0x32f: {  	[hbm4b:s1+s2] =	stream.linear.scatter [tilespmem:s5], [sflag:$0x3], $0xA000, $0x38;
	[tilespmem:$0x17200] =	vst v63  }
0x330: {  	_ =	swait.ge [sflag:s6], $0xA000  }
0x331: {  	s30 =	sld [smem:$0x7EC]  }
0x332: {  	[sflag:s6] =	ssyncset.done $0x0  }
0x333: {  	[sflag:s6] =	ssyncadd.s32 $0xFFFF6000  }
0x334: {  	[tilespmem:s5], [sflag:$0x1] =	stream.indirect.gather [hbm4b:s3+s7], $0x80, s30, s7, $0xb8;
	[tilespmem:$0x17200] =	vst v63  }
0x335: {  	_ =	swait.ge [sflag:s10], $0xA000  }
0x336: {  	[sflag:s10] =	ssyncset.done $0x0  }
0x337: {  	s31 =	rddreg [dreg:$0x6];
	[sflag:s10] =	ssyncadd.s32 $0xFFFF6000  }
0x338: {  	[hbm4b:s31+s2] =	stream.linear.scatter [tilespmem:s4], [sflag:$0x4], $0xA000, $0x38;
	[tilespmem:$0x17200] =	vst v63  }
0x339: {  	_ =	swait.ge [sflag:s8], $0xA000  }
0x33a: {  	s1 =	sld [smem:$0x7ED]  }
0x33b: {  	[sflag:s8] =	ssyncset.done $0x0  }
0x33c: {  	[sflag:s8] =	ssyncadd.s32 $0xFFFF6000  }
0x33d: {  	[tilespmem:s4], [sflag:$0x2] =	stream.indirect.gather [hbm4b:s3+s7], $0x80, s1, s7, $0xb8;
	[tilespmem:$0x17200] =	vst v63  }
0x33e: {  	_ =	swait.ge [sflag:s9], $0xA000  }
0x33f: {  	[sflag:s9] =	ssyncset.done $0x0  }
0x340: {  	s30 =	rddreg [dreg:$0x7];
	[sflag:s9] =	ssyncadd.s32 $0xFFFF6000  }
0x341: {  	[hbm4b:s30+s2] =	stream.linear.scatter [tilespmem:s5], [sflag:$0x3], $0xA000, $0x38;
	[tilespmem:$0x17200] =	vst v63  }
0x342: {  	_ =	swait.ge [sflag:s6], $0xA000  }
0x343: {  	s31 =	sld [smem:$0x7EE]  }
0x344: {  	[sflag:s6] =	ssyncset.done $0x0  }
0x345: {  	[sflag:s6] =	ssyncadd.s32 $0xFFFF6000  }
0x346: {  	[tilespmem:s5], [sflag:$0x1] =	stream.indirect.gather [hbm4b:s3+s7], $0x80, s31, s7, $0xb8;
	[tilespmem:$0x17200] =	vst v63  }
0x347: {  	_ =	swait.ge [sflag:s10], $0xA000  }
0x348: {  	[sflag:s10] =	ssyncset.done $0x0  }
0x349: {  	s1 =	rddreg [dreg:$0x8];
	[sflag:s10] =	ssyncadd.s32 $0xFFFF6000  }
0x34a: {  	[hbm4b:s1+s2] =	stream.linear.scatter [tilespmem:s4], [sflag:$0x4], $0xA000, $0x38;
	[tilespmem:$0x17200] =	vst v63  }
0x34b: {  	_ =	swait.ge [sflag:s8], $0xA000  }
0x34c: {  	s30 =	sld [smem:$0x7EF]  }
0x34d: {  	[sflag:s8] =	ssyncset.done $0x0  }
0x34e: {  	[sflag:s8] =	ssyncadd.s32 $0xFFFF6000  }
0x34f: {  	[tilespmem:s4], [sflag:$0x2] =	stream.indirect.gather [hbm4b:s3+s7], $0x80, s30, s7, $0xb8;
	[tilespmem:$0x17200] =	vst v63  }
0x350: {  	_ =	swait.ge [sflag:s9], $0xA000  }
0x351: {  	[sflag:s9] =	ssyncset.done $0x0  }
0x352: {  	s31 =	rddreg [dreg:$0x9];
	[sflag:s9] =	ssyncadd.s32 $0xFFFF6000  }
0x353: {  	[hbm4b:s31+s2] =	stream.linear.scatter [tilespmem:s5], [sflag:$0x3], $0xA000, $0x38;
	[tilespmem:$0x17200] =	vst v63  }
0x354: {  	_ =	swait.ge [sflag:s6], $0xA000  }
0x355: {  	s1 =	sld [smem:$0x7F0]  }
0x356: {  	[sflag:s6] =	ssyncset.done $0x0  }
0x357: {  	[sflag:s6] =	ssyncadd.s32 $0xFFFF6000  }
0x358: {  	[tilespmem:s5], [sflag:$0x1] =	stream.indirect.gather [hbm4b:s3+s7], $0x80, s1, s7, $0xb8;
	[tilespmem:$0x17200] =	vst v63  }
0x359: {  	_ =	swait.ge [sflag:s10], $0xA000  }
0x35a: {  	[sflag:s10] =	ssyncset.done $0x0  }
0x35b: {  	s30 =	rddreg [dreg:$0xa];
	[sflag:s10] =	ssyncadd.s32 $0xFFFF6000  }
0x35c: {  	[hbm4b:s30+s2] =	stream.linear.scatter [tilespmem:s4], [sflag:$0x4], $0xA000, $0x38;
	[tilespmem:$0x17200] =	vst v63  }
0x35d: {  	_ =	swait.ge [sflag:s8], $0xA000  }
0x35e: {  	s31 =	sld [smem:$0x7F1]  }
0x35f: {  	[sflag:s8] =	ssyncset.done $0x0  }
0x360: {  	[sflag:s8] =	ssyncadd.s32 $0xFFFF6000  }
0x361: {  	[tilespmem:s4], [sflag:$0x2] =	stream.indirect.gather [hbm4b:s3+s7], $0x80, s31, s7, $0xb8;
	[tilespmem:$0x17200] =	vst v63  }
0x362: {  	_ =	swait.ge [sflag:s9], $0xA000  }
0x363: {  	[sflag:s9] =	ssyncset.done $0x0  }
0x364: {  	s1 =	rddreg [dreg:$0xb];
	[sflag:s9] =	ssyncadd.s32 $0xFFFF6000  }
0x365: {  	[hbm4b:s1+s2] =	stream.linear.scatter [tilespmem:s5], [sflag:$0x3], $0xA000, $0x38;
	[tilespmem:$0x17200] =	vst v63  }
0x366: {  	_ =	swait.ge [sflag:s6], $0xA000  }
0x367: {  	s30 =	sld [smem:$0x7F2]  }
0x368: {  	[sflag:s6] =	ssyncset.done $0x0  }
0x369: {  	[sflag:s6] =	ssyncadd.s32 $0xFFFF6000  }
0x36a: {  	[tilespmem:s5], [sflag:$0x1] =	stream.indirect.gather [hbm4b:s3+s7], $0x80, s30, s7, $0xb8;
	[tilespmem:$0x17200] =	vst v63  }
0x36b: {  	_ =	swait.ge [sflag:s10], $0xA000  }
0x36c: {  	[sflag:s10] =	ssyncset.done $0x0  }
0x36d: {  	s31 =	rddreg [dreg:$0xc];
	[sflag:s10] =	ssyncadd.s32 $0xFFFF6000  }
0x36e: {  	[hbm4b:s31+s2] =	stream.linear.scatter [tilespmem:s4], [sflag:$0x4], $0xA000, $0x38;
	[tilespmem:$0x17200] =	vst v63  }
0x36f: {  	_ =	swait.ge [sflag:s8], $0xA000  }
0x370: {  	s1 =	sld [smem:$0x7F3]  }
0x371: {  	[sflag:s8] =	ssyncset.done $0x0  }
0x372: {  	[sflag:s8] =	ssyncadd.s32 $0xFFFF6000  }
0x373: {  	[tilespmem:s4], [sflag:$0x2] =	stream.indirect.gather [hbm4b:s3+s7], $0x80, s1, s7, $0xb8;
	[tilespmem:$0x17200] =	vst v63  }
0x374: {  	_ =	swait.ge [sflag:s9], $0xA000  }
0x375: {  	[sflag:s9] =	ssyncset.done $0x0  }
0x376: {  	s30 =	rddreg [dreg:$0xd];
	[sflag:s9] =	ssyncadd.s32 $0xFFFF6000  }
0x377: {  	[hbm4b:s30+s2] =	stream.linear.scatter [tilespmem:s5], [sflag:$0x3], $0xA000, $0x38;
	[tilespmem:$0x17200] =	vst v63  }
0x378: {  	_ =	swait.ge [sflag:s6], $0xA000  }
0x379: {  	s31 =	sld [smem:$0x7F4]  }
0x37a: {  	[sflag:s6] =	ssyncset.done $0x0  }
0x37b: {  	[sflag:s6] =	ssyncadd.s32 $0xFFFF6000  }
0x37c: {  	[tilespmem:s5], [sflag:$0x1] =	stream.indirect.gather [hbm4b:s3+s7], $0x80, s31, s7, $0xb8;
	[tilespmem:$0x17200] =	vst v63  }
0x37d: {  	_ =	swait.ge [sflag:s10], $0xA000  }
0x37e: {  	[sflag:s10] =	ssyncset.done $0x0  }
0x37f: {  	s1 =	rddreg [dreg:$0xe];
	[sflag:s10] =	ssyncadd.s32 $0xFFFF6000  }
0x380: {  	[hbm4b:s1+s2] =	stream.linear.scatter [tilespmem:s4], [sflag:$0x4], $0xA000, $0x38;
	[tilespmem:$0x17200] =	vst v63  }
0x381: {  	_ =	swait.ge [sflag:s8], $0xA000  }
0x382: {  	s30 =	sld [smem:$0x7F5]  }
0x383: {  	[sflag:s8] =	ssyncset.done $0x0  }
0x384: {  	[sflag:s8] =	ssyncadd.s32 $0xFFFF6000  }
0x385: {  	[tilespmem:s4], [sflag:$0x2] =	stream.indirect.gather [hbm4b:s3+s7], $0x80, s30, s7, $0xb8;
	[tilespmem:$0x17200] =	vst v63  }
0x386: {  	_ =	swait.ge [sflag:s9], $0xA000  }
0x387: {  	[sflag:s9] =	ssyncset.done $0x0  }
0x388: {  	s31 =	rddreg [dreg:$0xf];
	[sflag:s9] =	ssyncadd.s32 $0xFFFF6000  }
0x389: {  	[hbm4b:s31+s2] =	stream.linear.scatter [tilespmem:s5], [sflag:$0x3], $0xA000, $0x38;
	[tilespmem:$0x17200] =	vst v63  }
0x38a: {  	_ =	swait.ge [sflag:s6], $0xA000  }
0x38b: {  	s1 =	sld [smem:$0x7F6]  }
0x38c: {  	[sflag:s6] =	ssyncset.done $0x0  }
0x38d: {  	[sflag:s6] =	ssyncadd.s32 $0xFFFF6000  }
0x38e: {  	[tilespmem:s5], [sflag:$0x1] =	stream.indirect.gather [hbm4b:s3+s7], $0x80, s1, s7, $0xb8;
	[tilespmem:$0x17200] =	vst v63  }
0x38f: {  	_ =	swait.ge [sflag:s10], $0xA000  }
0x390: {  	[sflag:s10] =	ssyncset.done $0x0  }
0x391: {  	s30 =	rddreg [dreg:$0x10];
	[sflag:s10] =	ssyncadd.s32 $0xFFFF6000  }
0x392: {  	[hbm4b:s30+s2] =	stream.linear.scatter [tilespmem:s4], [sflag:$0x4], $0xA000, $0x38;
	[tilespmem:$0x17200] =	vst v63  }
0x393: {  	_ =	swait.ge [sflag:s8], $0xA000  }
0x394: {  	s31 =	sld [smem:$0x7F7]  }
0x395: {  	[sflag:s8] =	ssyncset.done $0x0  }
0x396: {  	[sflag:s8] =	ssyncadd.s32 $0xFFFF6000  }
0x397: {  	[tilespmem:s4], [sflag:$0x2] =	stream.indirect.gather [hbm4b:s3+s7], $0x80, s31, s7, $0xb8;
	[tilespmem:$0x17200] =	vst v63  }
0x398: {  	_ =	swait.ge [sflag:s9], $0xA000  }
0x399: {  	[sflag:s9] =	ssyncset.done $0x0  }
0x39a: {  	s1 =	rddreg [dreg:$0x11];
	[sflag:s9] =	ssyncadd.s32 $0xFFFF6000  }
0x39b: {  	[hbm4b:s1+s2] =	stream.linear.scatter [tilespmem:s5], [sflag:$0x3], $0xA000, $0x38;
	[tilespmem:$0x17200] =	vst v63  }
0x39c: {  	_ =	swait.ge [sflag:s6], $0xA000  }
0x39d: {  	s30 =	sld [smem:$0x7F8]  }
0x39e: {  	[sflag:s6] =	ssyncset.done $0x0  }
0x39f: {  	[sflag:s6] =	ssyncadd.s32 $0xFFFF6000  }
0x3a0: {  	[tilespmem:s5], [sflag:$0x1] =	stream.indirect.gather [hbm4b:s3+s7], $0x80, s30, s7, $0xb8;
	[tilespmem:$0x17200] =	vst v63  }
0x3a1: {  	_ =	swait.ge [sflag:s10], $0xA000  }
0x3a2: {  	[sflag:s10] =	ssyncset.done $0x0  }
0x3a3: {  	s31 =	rddreg [dreg:$0x12];
	[sflag:s10] =	ssyncadd.s32 $0xFFFF6000  }
0x3a4: {  	[hbm4b:s31+s2] =	stream.linear.scatter [tilespmem:s4], [sflag:$0x4], $0xA000, $0x38;
	[tilespmem:$0x17200] =	vst v63  }
0x3a5: {  	_ =	swait.ge [sflag:s8], $0xA000  }
0x3a6: {  	s1 =	sld [smem:$0x7F9]  }
0x3a7: {  	[sflag:s8] =	ssyncset.done $0x0  }
0x3a8: {  	[sflag:s8] =	ssyncadd.s32 $0xFFFF6000  }
0x3a9: {  	[tilespmem:s4], [sflag:$0x2] =	stream.indirect.gather [hbm4b:s3+s7], $0x80, s1, s7, $0xb8;
	[tilespmem:$0x17200] =	vst v63  }
0x3aa: {  	_ =	swait.ge [sflag:s9], $0xA000  }
0x3ab: {  	[sflag:s9] =	ssyncset.done $0x0  }
0x3ac: {  	s30 =	rddreg [dreg:$0x13];
	[sflag:s9] =	ssyncadd.s32 $0xFFFF6000  }
0x3ad: {  	[hbm4b:s30+s2] =	stream.linear.scatter [tilespmem:s5], [sflag:$0x3], $0xA000, $0x38;
	[tilespmem:$0x17200] =	vst v63  }
0x3ae: {  	_ =	swait.ge [sflag:s6], $0xA000  }
0x3af: {  	s31 =	sld [smem:$0x7FA]  }
0x3b0: {  	[sflag:s6] =	ssyncset.done $0x0  }
0x3b1: {  	[sflag:s6] =	ssyncadd.s32 $0xFFFF6000  }
0x3b2: {  	[tilespmem:s5], [sflag:$0x1] =	stream.indirect.gather [hbm4b:s3+s7], $0x80, s31, s7, $0xb8;
	[tilespmem:$0x17200] =	vst v63  }
0x3b3: {  	_ =	swait.ge [sflag:s10], $0xA000  }
0x3b4: {  	[sflag:s10] =	ssyncset.done $0x0  }
0x3b5: {  	s1 =	rddreg [dreg:$0x14];
	[sflag:s10] =	ssyncadd.s32 $0xFFFF6000  }
0x3b6: {  	[hbm4b:s1+s2] =	stream.linear.scatter [tilespmem:s4], [sflag:$0x4], $0xA000, $0x38;
	[tilespmem:$0x17200] =	vst v63  }
0x3b7: {  	_ =	swait.ge [sflag:s8], $0xA000  }
0x3b8: {  	s30 =	sld [smem:$0x7FB]  }
0x3b9: {  	[sflag:s8] =	ssyncset.done $0x0  }
0x3ba: {  	[sflag:s8] =	ssyncadd.s32 $0xFFFF6000  }
0x3bb: {  	[tilespmem:s4], [sflag:$0x2] =	stream.indirect.gather [hbm4b:s3+s7], $0x80, s30, s7, $0xb8;
	[tilespmem:$0x17200] =	vst v63  }
0x3bc: {  	_ =	swait.ge [sflag:s9], $0xA000  }
0x3bd: {  	[sflag:s9] =	ssyncset.done $0x0  }
0x3be: {  	s31 =	rddreg [dreg:$0x15];
	[sflag:s9] =	ssyncadd.s32 $0xFFFF6000  }
0x3bf: {  	[hbm4b:s31+s2] =	stream.linear.scatter [tilespmem:s5], [sflag:$0x3], $0xA000, $0x38;
	[tilespmem:$0x17200] =	vst v63  }
0x3c0: {  	_ =	swait.ge [sflag:s6], $0xA000  }
0x3c1: {  	s1 =	sld [smem:$0x7FC]  }
0x3c2: {  	[sflag:s6] =	ssyncset.done $0x0  }
0x3c3: {  	[sflag:s6] =	ssyncadd.s32 $0xFFFF6000  }
0x3c4: {  	[tilespmem:s5], [sflag:$0x1] =	stream.indirect.gather [hbm4b:s3+s7], $0x80, s1, s7, $0xb8;
	[tilespmem:$0x17200] =	vst v63  }
0x3c5: {  	_ =	swait.ge [sflag:s10], $0xA000  }
0x3c6: {  	[sflag:s10] =	ssyncset.done $0x0  }
0x3c7: {  	s30 =	rddreg [dreg:$0x16];
	[sflag:s10] =	ssyncadd.s32 $0xFFFF6000  }
0x3c8: {  	[hbm4b:s30+s2] =	stream.linear.scatter [tilespmem:s4], [sflag:$0x4], $0xA000, $0x38;
	[tilespmem:$0x17200] =	vst v63  }
0x3c9: {  	_ =	swait.ge [sflag:s8], $0xA000  }
0x3ca: {  	s31 =	sld [smem:$0x7FD]  }
0x3cb: {  	[sflag:s8] =	ssyncset.done $0x0  }
0x3cc: {  	[sflag:s8] =	ssyncadd.s32 $0xFFFF6000  }
0x3cd: {  	[tilespmem:s4], [sflag:$0x2] =	stream.indirect.gather [hbm4b:s3+s7], $0x80, s31, s7, $0xb8;
	[tilespmem:$0x17200] =	vst v63  }
0x3ce: {  	_ =	swait.ge [sflag:s9], $0xA000  }
0x3cf: {  	[sflag:s9] =	ssyncset.done $0x0  }
0x3d0: {  	s1 =	rddreg [dreg:$0x17];
	[sflag:s9] =	ssyncadd.s32 $0xFFFF6000  }
0x3d1: {  	[hbm4b:s1+s2] =	stream.linear.scatter [tilespmem:s5], [sflag:$0x3], $0xA000, $0x38;
	[tilespmem:$0x17200] =	vst v63  }
0x3d2: {  	_ =	swait.ge [sflag:s6], $0xA000  }
0x3d3: {  	[sflag:s6] =	ssyncset.done $0x0  }
0x3d4: {  	[sflag:s6] =	ssyncadd.s32 $0xFFFF6000  }
0x3d5: {  	[tilespmem:s5], [sflag:$0x1] =	stream.indirect.gather [hbm4b:s3+s7], $0x80, s29, s7, $0xb8;
	[tilespmem:$0x17200] =	vst v63  }
0x3d6: {  	_ =	swait.ge [sflag:s10], $0xA000  }
0x3d7: {  	[sflag:s10] =	ssyncset.done $0x0  }
0x3d8: {  	s30 =	rddreg [dreg:$0x18];
	[sflag:s10] =	ssyncadd.s32 $0xFFFF6000  }
0x3d9: {  	[hbm4b:s30+s2] =	stream.linear.scatter [tilespmem:s4], [sflag:$0x4], $0xA000, $0x38;
	[tilespmem:$0x17200] =	vst v63  }
0x3da: {  	_ =	swait.ge [sflag:s8], $0xA000  }
0x3db: {  	[sflag:s8] =	ssyncset.done $0x0  }
0x3dc: {  	[sflag:s8] =	ssyncadd.s32 $0xFFFF6000  }
0x3dd: {  	[tilespmem:s4], [sflag:$0x2] =	stream.indirect.gather [hbm4b:s3+s7], $0x80, s28, s7, $0xb8;
	[tilespmem:$0x17200] =	vst v63  }
0x3de: {  	_ =	swait.ge [sflag:s9], $0xA000  }
0x3df: {  	[sflag:s9] =	ssyncset.done $0x0  }
0x3e0: {  	s31 =	rddreg [dreg:$0x19];
	[sflag:s9] =	ssyncadd.s32 $0xFFFF6000  }
0x3e1: {  	[hbm4b:s31+s2] =	stream.linear.scatter [tilespmem:s5], [sflag:$0x3], $0xA000, $0x38;
	[tilespmem:$0x17200] =	vst v63  }
0x3e2: {  	_ =	swait.ge [sflag:s6], $0xA000  }
0x3e3: {  	[sflag:s6] =	ssyncset.done $0x0  }
0x3e4: {  	[sflag:s6] =	ssyncadd.s32 $0xFFFF6000  }
0x3e5: {  	[tilespmem:s5], [sflag:$0x1] =	stream.indirect.gather [hbm4b:s3+s7], $0x80, s26, s7, $0xb8;
	[tilespmem:$0x17200] =	vst v63  }
0x3e6: {  	_ =	swait.ge [sflag:s10], $0xA000  }
0x3e7: {  	[sflag:s10] =	ssyncset.done $0x0  }
0x3e8: {  	s1 =	rddreg [dreg:$0x1a];
	[sflag:s10] =	ssyncadd.s32 $0xFFFF6000  }
0x3e9: {  	[hbm4b:s1+s2] =	stream.linear.scatter [tilespmem:s4], [sflag:$0x4], $0xA000, $0x38;
	[tilespmem:$0x17200] =	vst v63  }
0x3ea: {  	_ =	swait.ge [sflag:s8], $0xA000  }
0x3eb: {  	[sflag:s8] =	ssyncset.done $0x0  }
0x3ec: {  	[sflag:s8] =	ssyncadd.s32 $0xFFFF6000  }
0x3ed: {  	[tilespmem:s4], [sflag:$0x2] =	stream.indirect.gather [hbm4b:s3+s7], $0x80, s25, s7, $0xb8;
	[tilespmem:$0x17200] =	vst v63  }
0x3ee: {  	_ =	swait.ge [sflag:s9], $0xA000  }
0x3ef: {  	[sflag:s9] =	ssyncset.done $0x0  }
0x3f0: {  	s26 =	rddreg [dreg:$0x1b];
	[sflag:s9] =	ssyncadd.s32 $0xFFFF6000  }
0x3f1: {  	[hbm4b:s26+s2] =	stream.linear.scatter [tilespmem:s5], [sflag:$0x3], $0xA000, $0x38;
	[tilespmem:$0x17200] =	vst v63  }
0x3f2: {  	_ =	swait.ge [sflag:s6], $0xA000  }
0x3f3: {  	[sflag:s6] =	ssyncset.done $0x0  }
0x3f4: {  	[sflag:s6] =	ssyncadd.s32 $0xFFFF6000  }
0x3f5: {  	[tilespmem:s5], [sflag:$0x1] =	stream.indirect.gather [hbm4b:s3+s7], $0x80, s24, s7, $0xb8;
	[tilespmem:$0x17200] =	vst v63  }
0x3f6: {  	_ =	swait.ge [sflag:s10], $0xA000  }
0x3f7: {  	[sflag:s10] =	ssyncset.done $0x0  }
0x3f8: {  	s28 =	rddreg [dreg:$0x1c];
	[sflag:s10] =	ssyncadd.s32 $0xFFFF6000  }
0x3f9: {  	[hbm4b:s28+s2] =	stream.linear.scatter [tilespmem:s4], [sflag:$0x4], $0xA000, $0x38;
	[tilespmem:$0x17200] =	vst v63  }
0x3fa: {  	_ =	swait.ge [sflag:s8], $0xA000  }
0x3fb: {  	[sflag:s8] =	ssyncset.done $0x0  }
0x3fc: {  	[sflag:s8] =	ssyncadd.s32 $0xFFFF6000  }
0x3fd: {  	[tilespmem:s4], [sflag:$0x2] =	stream.indirect.gather [hbm4b:s3+s7], $0x80, s23, s7, $0xb8;
	[tilespmem:$0x17200] =	vst v63  }
0x3fe: {  	_ =	swait.ge [sflag:s9], $0xA000  }
0x3ff: {  	[sflag:s9] =	ssyncset.done $0x0  }
0x400: {  	s29 =	rddreg [dreg:$0x1d];
	[sflag:s9] =	ssyncadd.s32 $0xFFFF6000  }
0x401: {  	[hbm4b:s29+s2] =	stream.linear.scatter [tilespmem:s5], [sflag:$0x3], $0xA000, $0x38;
	[tilespmem:$0x17200] =	vst v63  }
0x402: {  	_ =	swait.ge [sflag:s6], $0xA000  }
0x403: {  	[sflag:s6] =	ssyncset.done $0x0  }
0x404: {  	[sflag:s6] =	ssyncadd.s32 $0xFFFF6000  }
0x405: {  	[tilespmem:s5], [sflag:$0x1] =	stream.indirect.gather [hbm4b:s3+s7], $0x80, s22, s7, $0xb8;
	[tilespmem:$0x17200] =	vst v63  }
0x406: {  	_ =	swait.ge [sflag:s10], $0xA000  }
0x407: {  	[sflag:s10] =	ssyncset.done $0x0  }
0x408: {  	s30 =	rddreg [dreg:$0x1e];
	[sflag:s10] =	ssyncadd.s32 $0xFFFF6000  }
0x409: {  	[hbm4b:s30+s2] =	stream.linear.scatter [tilespmem:s4], [sflag:$0x4], $0xA000, $0x38;
	[tilespmem:$0x17200] =	vst v63  }
0x40a: {  	_ =	swait.ge [sflag:s8], $0xA000  }
0x40b: {  	[sflag:s8] =	ssyncset.done $0x0  }
0x40c: {  	[sflag:s8] =	ssyncadd.s32 $0xFFFF6000  }
0x40d: {  	[tilespmem:s4], [sflag:$0x2] =	stream.indirect.gather [hbm4b:s3+s7], $0x80, s21, s7, $0xb8;
	[tilespmem:$0x17200] =	vst v63  }
0x40e: {  	_ =	swait.ge [sflag:s9], $0xA000  }
0x40f: {  	[sflag:s9] =	ssyncset.done $0x0  }
0x410: {  	s31 =	rddreg [dreg:$0x1f];
	[sflag:s9] =	ssyncadd.s32 $0xFFFF6000  }
0x411: {  	[hbm4b:s31+s2] =	stream.linear.scatter [tilespmem:s5], [sflag:$0x3], $0xA000, $0x38;
	[tilespmem:$0x17200] =	vst v63  }
0x412: {  	_ =	swait.ge [sflag:s6], $0xA000  }
0x413: {  	[sflag:s6] =	ssyncset.done $0x0  }
0x414: {  	[sflag:s6] =	ssyncadd.s32 $0xFFFF6000  }
0x415: {  	[tilespmem:s5], [sflag:$0x1] =	stream.indirect.gather [hbm4b:s3+s7], $0x80, s20, s7, $0xb8;
	[tilespmem:$0x17200] =	vst v63  }
0x416: {  	_ =	swait.ge [sflag:s10], $0xA000  }
0x417: {  	s1 =	sld [smem:$0x7DF]  }
0x418: {  	[sflag:s10] =	ssyncset.done $0x0  }
0x419: {  	[sflag:s10] =	ssyncadd.s32 $0xFFFF6000  }
0x41a: {  	[hbm4b:s1+s2] =	stream.linear.scatter [tilespmem:s4], [sflag:$0x4], $0xA000, $0x38;
	[tilespmem:$0x17200] =	vst v63  }
0x41b: {  	_ =	swait.ge [sflag:s8], $0xA000  }
0x41c: {  	[sflag:s8] =	ssyncset.done $0x0  }
0x41d: {  	[sflag:s8] =	ssyncadd.s32 $0xFFFF6000  }
0x41e: {  	[tilespmem:s4], [sflag:$0x2] =	stream.indirect.gather [hbm4b:s3+s7], $0x80, s19, s7, $0xb8;
	[tilespmem:$0x17200] =	vst v63  }
0x41f: {  	_ =	swait.ge [sflag:s9], $0xA000  }
0x420: {  	s20 =	sld [smem:$0x7E0]  }
0x421: {  	[sflag:s9] =	ssyncset.done $0x0  }
0x422: {  	[sflag:s9] =	ssyncadd.s32 $0xFFFF6000  }
0x423: {  	[hbm4b:s20+s2] =	stream.linear.scatter [tilespmem:s5], [sflag:$0x3], $0xA000, $0x38;
	[tilespmem:$0x17200] =	vst v63  }
0x424: {  	_ =	swait.ge [sflag:s6], $0xA000  }
0x425: {  	[sflag:s6] =	ssyncset.done $0x0  }
0x426: {  	[sflag:s6] =	ssyncadd.s32 $0xFFFF6000  }
0x427: {  	[tilespmem:s5], [sflag:$0x1] =	stream.indirect.gather [hbm4b:s3+s7], $0x80, s18, s7, $0xb8;
	[tilespmem:$0x17200] =	vst v63  }
0x428: {  	_ =	swait.ge [sflag:s10], $0xA000  }
0x429: {  	s21 =	sld [smem:$0x7E1]  }
0x42a: {  	[sflag:s10] =	ssyncset.done $0x0  }
0x42b: {  	[sflag:s10] =	ssyncadd.s32 $0xFFFF6000  }
0x42c: {  	[hbm4b:s21+s2] =	stream.linear.scatter [tilespmem:s4], [sflag:$0x4], $0xA000, $0x38;
	[tilespmem:$0x17200] =	vst v63  }
0x42d: {  	_ =	swait.ge [sflag:s8], $0xA000  }
0x42e: {  	[sflag:s8] =	ssyncset.done $0x0  }
0x42f: {  	[sflag:s8] =	ssyncadd.s32 $0xFFFF6000  }
0x430: {  	[tilespmem:s4], [sflag:$0x2] =	stream.indirect.gather [hbm4b:s3+s7], $0x80, s17, s7, $0xb8;
	[tilespmem:$0x17200] =	vst v63  }
0x431: {  	_ =	swait.ge [sflag:s9], $0xA000  }
0x432: {  	s22 =	sld [smem:$0x7E2]  }
0x433: {  	[sflag:s9] =	ssyncset.done $0x0  }
0x434: {  	[sflag:s9] =	ssyncadd.s32 $0xFFFF6000  }
0x435: {  	[hbm4b:s22+s2] =	stream.linear.scatter [tilespmem:s5], [sflag:$0x3], $0xA000, $0x38;
	[tilespmem:$0x17200] =	vst v63  }
0x436: {  	_ =	swait.ge [sflag:s6], $0xA000  }
0x437: {  	[sflag:s6] =	ssyncset.done $0x0  }
0x438: {  	[sflag:s6] =	ssyncadd.s32 $0xFFFF6000  }
0x439: {  	[tilespmem:s5], [sflag:$0x1] =	stream.indirect.gather [hbm4b:s3+s7], $0x80, s16, s7, $0xb8;
	[tilespmem:$0x17200] =	vst v63  }
0x43a: {  	_ =	swait.ge [sflag:s10], $0xA000  }
0x43b: {  	s23 =	sld [smem:$0x7E3]  }
0x43c: {  	[sflag:s10] =	ssyncset.done $0x0  }
0x43d: {  	[sflag:s10] =	ssyncadd.s32 $0xFFFF6000  }
0x43e: {  	[hbm4b:s23+s2] =	stream.linear.scatter [tilespmem:s4], [sflag:$0x4], $0xA000, $0x38;
	[tilespmem:$0x17200] =	vst v63  }
0x43f: {  	_ =	swait.ge [sflag:s8], $0xA000  }
0x440: {  	[sflag:s8] =	ssyncset.done $0x0  }
0x441: {  	[sflag:s8] =	ssyncadd.s32 $0xFFFF6000  }
0x442: {  	[tilespmem:s4], [sflag:$0x2] =	stream.indirect.gather [hbm4b:s3+s7], $0x80, s15, s7, $0xb8;
	[tilespmem:$0x17200] =	vst v63  }
0x443: {  	_ =	swait.ge [sflag:s9], $0xA000  }
0x444: {  	s24 =	sld [smem:$0x7E4]  }
0x445: {  	[sflag:s9] =	ssyncset.done $0x0  }
0x446: {  	[sflag:s9] =	ssyncadd.s32 $0xFFFF6000  }
0x447: {  	[hbm4b:s24+s2] =	stream.linear.scatter [tilespmem:s5], [sflag:$0x3], $0xA000, $0x38;
	[tilespmem:$0x17200] =	vst v63  }
0x448: {  	_ =	swait.ge [sflag:s6], $0xA000  }
0x449: {  	[sflag:s6] =	ssyncset.done $0x0  }
0x44a: {  	[sflag:s6] =	ssyncadd.s32 $0xFFFF6000  }
0x44b: {  	[tilespmem:s5], [sflag:$0x1] =	stream.indirect.gather [hbm4b:s3+s7], $0x80, s14, s7, $0xb8;
	[tilespmem:$0x17200] =	vst v63  }
0x44c: {  	_ =	swait.ge [sflag:s10], $0xA000  }
0x44d: {  	s25 =	sld [smem:$0x7E5]  }
0x44e: {  	[sflag:s10] =	ssyncset.done $0x0  }
0x44f: {  	[sflag:s10] =	ssyncadd.s32 $0xFFFF6000  }
0x450: {  	[hbm4b:s25+s2] =	stream.linear.scatter [tilespmem:s4], [sflag:$0x4], $0xA000, $0x38;
	[tilespmem:$0x17200] =	vst v63  }
0x451: {  	_ =	swait.ge [sflag:s8], $0xA000  }
0x452: {  	[sflag:s8] =	ssyncset.done $0x0  }
0x453: {  	[sflag:s8] =	ssyncadd.s32 $0xFFFF6000  }
0x454: {  	[tilespmem:s4], [sflag:$0x2] =	stream.indirect.gather [hbm4b:s3+s7], $0x80, s13, s7, $0xb8;
	[tilespmem:$0x17200] =	vst v63  }
0x455: {  	_ =	swait.ge [sflag:s9], $0xA000  }
0x456: {  	s26 =	sld [smem:$0x7E6]  }
0x457: {  	[sflag:s9] =	ssyncset.done $0x0  }
0x458: {  	[sflag:s9] =	ssyncadd.s32 $0xFFFF6000  }
0x459: {  	[hbm4b:s26+s2] =	stream.linear.scatter [tilespmem:s5], [sflag:$0x3], $0xA000, $0x38;
	[tilespmem:$0x17200] =	vst v63  }
0x45a: {  	_ =	swait.ge [sflag:s6], $0xA000  }
0x45b: {  	[sflag:s6] =	ssyncset.done $0x0  }
0x45c: {  	[sflag:s6] =	ssyncadd.s32 $0xFFFF6000  }
0x45d: {  	[tilespmem:s5], [sflag:$0x1] =	stream.indirect.gather [hbm4b:s3+s7], $0x80, s12, s7, $0xb8;
	[tilespmem:$0x17200] =	vst v63  }
0x45e: {  	_ =	swait.ge [sflag:s10], $0xA000  }
0x45f: {  	s28 =	sld [smem:$0x7E7]  }
0x460: {  	[sflag:s10] =	ssyncset.done $0x0  }
0x461: {  	[sflag:s10] =	ssyncadd.s32 $0xFFFF6000  }
0x462: {  	[hbm4b:s28+s2] =	stream.linear.scatter [tilespmem:s4], [sflag:$0x4], $0xA000, $0x38;
	[tilespmem:$0x17200] =	vst v63  }
0x463: {  	_ =	swait.ge [sflag:s8], $0xA000  }
0x464: {  	[sflag:s8] =	ssyncset.done $0x0  }
0x465: {  	[sflag:s8] =	ssyncadd.s32 $0xFFFF6000  }
0x466: {  	[tilespmem:s4], [sflag:$0x2] =	stream.indirect.gather [hbm4b:s3+s7], $0x80, s11, s7, $0xb8;
	[tilespmem:$0x17200] =	vst v63  }
0x467: {  	_ =	swait.ge [sflag:s9], $0xA000  }
0x468: {  	s29 =	sld [smem:$0x7E8]  }
0x469: {  	[sflag:s9] =	ssyncset.done $0x0  }
0x46a: {  	[sflag:s9] =	ssyncadd.s32 $0xFFFF6000  }
0x46b: {  	[hbm4b:s29+s2] =	stream.linear.scatter [tilespmem:s5], [sflag:$0x3], $0xA000, $0x38;
	[tilespmem:$0x17200] =	vst v63  }
0x46c: {  	_ =	swait.ge [sflag:s10], $0xA000  }
0x46d: {  	s30 =	sld [smem:$0x7E9]  }
0x46e: {  	[sflag:s10] =	ssyncset.done $0x0  }
0x46f: {  	[sflag:s10] =	ssyncadd.s32 $0xFFFF6000  }
0x470: {  	[hbm4b:s30+s2] =	stream.linear.scatter [tilespmem:s4], [sflag:$0x4], $0xA000, $0x38;
	[tilespmem:$0x17200] =	vst v63  }
0x471: {  	_ =	swait.ge [sflag:s6], $0xA000  }
0x472: {  	[sflag:s6] =	ssyncset.done $0x0  }
0x473: {  	[sflag:s6] =	ssyncadd.s32 $0xFFFF6000  }
0x474: {  	_ =	swait.ge [sflag:s8], $0xA000  }
0x475: {  	[sflag:s8] =	ssyncset.done $0x0  }
0x476: {  	[sflag:s8] =	ssyncadd.s32 $0xFFFF6000  }
0x477: {  	_ =	sfence.sel $0x180000  }
0x478: {  	[bflag:$0x0] =	sbarrier.arrive $0xFFFF  }
0x479: {  	_ =	strace $0x90000047  }
0x47a: {  	s31 =	stileid.u32;
	[bflag:$0x2] =	sbarrier.arrive $0xFFFF  }
0x47b: {  	p0 =	sne.s32 s31, $0x0;
	s0 =	rddreg [dreg:$0x2]  }
0x47c: {  	s0 =	sadd.s32 @!p0 $0x100000, s0  }
0x47d: {  	[sflag:s0] =	ssyncadd.tile.s32 @!p0 $0x1;
	_ =	shalt  }
.Lfunc_end2:
_tile_overlayer_lowered:
.L_overlay_start_2:
0x47e: {  	(tag) =	ssettag $0x2  }
0x47f: {  	s0 =	rddreg [dreg:$0x0];
	s2 =	stileid.u32  }
0x480: {  	s1 =	rddreg [dreg:$0x1];
	p0 =	sne.s32 s2, $0x0  }
0x481: {  	s3 =	rddreg [dreg:$0x2];
	[bflag:$0x3] =	sbarrier.arrive $0xFFFF;
	s2 =	simm.s32 @!p0 $0x1C05  }
0x482: {  	[timem:s3], [sflag:s2] =	dma.local @!p0 [hbm:s0], s1  }
0x483: {  	s0 =	simm.s32 @!p0 $0x5  }
0x484: {  	_ =	swait.ge @!p0 [sflag:s0], s1  }
0x485: {  	s1 =	ssub.s32 @!p0 $0x0, s1;
	[sflag:s0] =	ssyncset.done @!p0 $0x0  }
0x486: {  	[sflag:s0] =	ssyncadd.s32 @!p0 s1  }
0x487: {  	[bflag:$0x3] =	sbarrier.arrive $0xFFFF  }
0x488: {  	_ =	shalt  }

// kernel: sparse-core-data-format-call.cloned.1.call-start
scs
called_computation_lowered:
.L_overlay_start_0:
0x0: {  	s2 =	sld [smem:$0x3FD9]  }
0x1: {  	s3 =	sld [smem:$0x3FFE];
	_ =	sdelay $0x1  }
0x2: {  	s1 =	srdreg.scid  }
0x3: {  	s0 =	sand.u32 $0x1, s1  }
0x4: {  	s18 =	sshll.u32 s0, $0xA;
	s2 =	sadd.s32 s3, s2  }
0x5: {  	s2 =	sadd.s32 s2, s18  }
0x6: {  	[smem:$0x3FC5] =	sst s2  }
0x7: {  	_ = 	snop  }
0x8: {  	s2 =	sld [smem:$0x3FD0];
	(tm) =	ssettm $0x1  }
0x9: {  	s19 =	sld [smem:$0x3FFB];
	_ =	sdelay $0x3  }
0xa: {  	_ =	strace s19  }
0xb: {  	s3 =	sld [smem:$0x3FFC];
	_ =	sdelay $0x3  }
0xc: {  	_ =	strace s3  }
0xd: {  	s3 =	sld [smem:$0x3FFD];
	_ =	sdelay $0x3  }
0xe: {  	_ =	strace s3  }
0xf: {  	_ =	strace $0x8FFFFFFF  }
0x10: {  	s20 =	sld [smem:$0x3FDB];
	_ =	sdelay $0x1  }
0x11: {  	s4 =	simm.s32 $_scs_section_size  }
0x12: {  	s5 =	simm.s32 $_size__tile_overlayer_lowered;
	s6 =	simm.s32 $_tile_overlayer_lowered  }
0x13: {  	s23 =	simm.s32 $0x1BFF;
	s22 =	sshll.u32 s6, $0x1;
	s3 =	sadd.s32 s4, s20  }
0x14: {  	s7 =	simm.s32 $0x0;
	s21 =	sshll.u32 s5, $0x1;
	s5 =	sadd.s32 s22, s3  }
0x15: {  	[timem:s7], [sflag:s23] =	dma.local [hbm:s5], s21  }
0x16: {  	_ =	swait.ge [sflag:s23], s21  }
0x17: {  	s4 =	ssub.s32 $0x0, s21;
	[sflag:s23] =	ssyncset.done $0x0  }
0x18: {  	[sflag:s23] =	ssyncadd.s32 s4;
	_ =	sdelay $0x1  }
0x19: {  	s24 =	simm.s32 $0x1B8B  }
0x1a: {  	_ =	swait.ge [sflag:s24], $0x1  }
0x1b: {  	[sflag:s24] =	ssyncset.done $0x0  }
0x1c: {  	s26 =	simm.s32 $0x1B8E;
	s25 =	sld [smem:$0x3FFE];
	[sflag:s24] =	ssyncadd.s32 $0xFFFFFFFF  }
0x1d: {  	s27 =	simm.s32 $execute0_lowered;
	[smem:$0x3FD2] =	sst s26  }
0x1e: {  	s5 =	sshll.u32 s27, $0x1;
	_ =	strace $0x80000049;
	[dreg:$0x1] =	wrdreg $0xFFFFFFFF  }
0x1f: {  	s28 =	simm.s32 $_size_execute0_lowered;
	s3 =	sadd.s32 s3, s5;
	[dreg:$0x0] =	wrdreg $0x0  }
0x20: {  	s5 =	sshll.u32 s28, $0x1;
	[dreg:$0x2] =	wrdreg s3  }
0x21: {  	[dreg:$0x3] =	wrdreg s5  }
0x22: {  	[dreg:$0x4] =	wrdreg $0xC0  }
0x23: {  	_ =	task [dreg:s7], $0x5FFFF  }
0x24: {  	[dreg:$0x1] =	wrdreg $0xFFFFFFFF  }
0x25: {  	[dreg:$0x0] =	wrdreg $0x60  }
0x26: {  	[dreg:$0x2] =	wrdreg s25  }
0x27: {  	[dreg:$0x3] =	wrdreg s2  }
0x28: {  	[dreg:$0x4] =	wrdreg $0x9  }
0x29: {  	_ =	task.clear_ibuf [dreg:s7], $0x5FFFF;
	_ =	strace $0x90000049  }
0x2a: {  	s29 =	simm.s32 $0x9;
	_ =	strace $0x8000004B  }
0x2b: {  	_ =	swait.ge [sflag:s29], $0x1  }
0x2c: {  	[sflag:s29] =	ssyncadd.s32 $0xFFFFFFFF  }
0x2d: {  	_ =	strace $0x9000004B  }
0x2e: {  	_ =	sfence  }
0x2f: {  	s30 =	sld [smem:$0x0];
	_ =	sdelay $0x2  }
0x30: {  	s31 =	sshll.u32 s1, $0xD;
	s1 =	sshrl.u32 s1, $0x2  }
0x31: {  	s3 =	sand.u32 $0x4000, s31;
	s1 =	sadd.s32 s1, s30  }
0x32: {  	s0 =	sor.u32 s3, s0;
	s1 =	sshll.u32 s1, $0x11  }
0x33: {  	s0 =	sor.u32 s1, s0  }
0x34: {  	s0 =	sadd.s32 $0x8F2B, s0  }
0x35: {  	[sflag:s0] =	ssyncadd.remote.s32 $0x1  }
0x36: {  	_ =	sfence.sel $0xFFFF  }
0x37: {  	[dreg:$0x0] =	wrdreg $0xFFFFFFFF;
	(pc) =	sbr.abs _section_cstart, $3  }
0x38: {  	[dreg:$0x1] =	wrdreg $0xFFFFFFFF  }
0x39: {  	_ =	task.clear_ibuf [dreg:s7], $0x2FFFF;
	_ =	strace $0x9FFFFFFF  }
0x3a: {  	(tm) =	ssettm $0x7FFFFFFF  }
0x3b: {  	_ =	shalt  }
tec
execute0_lowered:
.L_overlay_start_1:
0x0: {  	(tag) =	ssettag $0x1  }
0x1: {  	s0 =	srdreg.scid  }
0x2: {  	s1 =	sshll.u32 s0, $0x4  }
0x3: {  	s0 =	stileid.u32;
	s1 =	sand.u32 $0x10, s1  }
0x4: {  	s1 =	sor.u32 s0, s1  }
0x5: {  	s6 =	rddreg [dreg:$0x0];
	s4 =	simm.s32 $0x1;
	s2 =	sshll.u32 s1, $0x7  }
0x6: {  	s7 =	simm.s32 $0x2;
	s12 =	simm.s32 $0x0;
	s1 =	ssub.s32 $0x1000, s2  }
0x7: {  	s8 =	simm.s32 $0x8000;
	s13 =	simm.s32 $0x0;
	s3 =	sand.u32 $0xF80, s1  }
0x8: {  	s9 =	simm.s32 $0x0;
	s5 =	sshrl.u32 s1, $0xC;
	p0 =	sne.s32 s3, $0x0  }
.Ltmp0:
0x9: {  	s1 =	rddreg [dreg:$0x2];
	s4 =	simm.s32 @!p0 $0x0;
	(pc) =	sbr.rel .LBB1_1-.Ltmp0, $4  }
0xa: {  	s11 =	simm.s32 $0x0;
	s3 =	rddreg [dreg:$0x1];
	s5 =	sadd.s32 s4, s5  }
0xb: {  	_ =	strace $0x8000004A;
	s4 =	simm.s32 $0x1;
	s5 =	smul.u32 $0xC8, s5  }
0xc: {  	s6 =	sadd.s32 $0xC00, s6;
	s10 =	smov.u32 s2;
	[sflag:s4] =	ssyncpa.u1 $0x0  }
0xd: {  	p0 =	por $0x0, $0x0;
	[sflag:s7] =	ssyncpa.u1 $0x0;
	s7 =	sor.u32 $0x1, s5  }
.LBB1_4:
0xe: {  	s16 =	sshll.u32 s13, $0x3;
	s17 =	sand.u32 $0x78, s13  }
0xf: {  	s30 =	sand.u32 $0x7E00, s13;
	s12 =	sshll.u32 s12, $0xF;
	s16 =	sand.u32 $0xC00, s16  }
0x10: {  	[tilespmem:s15+$0x810 ss:$0x81] =	vst.msk $0xffff, v2;
	s31 =	sand.u32 $0x7, s13;
	s16 =	sor.u32 s17, s16;
	s17 =	sadd.s32 s3, s30  }
0x11: {  	[tilespmem:s15+$0x1020 ss:$0x81] =	vst.msk $0xffff, v0;
	s13 =	sshll.u32 s31, $0x12;
	s12 =	sadd.s32 s12, s17;
	s16 =	sshrl.u32 s16, $0x3  }
0x12: {  	[tilespmem:s15+$0x0 ss:$0x81] =	vst.msk $0xffff, v1;
	s13 =	sor.u32 $0x400, s13;
	s12 =	sadd.s32 s16, s12  }
0x13: {  	[hbm4b:s12+s13] =	stream.strided.scatter [tilespmem:s14], [sflag:$0x2], $0x2000, s8, s13, $0x20;
	[tilespmem:$0x8080] =	vst v63  }
.LBB1_5:
0x14: {  	s14 =	sadd.s32 $0x1, s9  }
0x15: {  	s12 =	sadd.s32 $0x1000, s10;
	s16 =	smov.u32 s10;
	p2 =	sgt.s32 s14, $0xC7  }
0x16: {  	s16 =	smov.u32 @p2 s12  }
0x17: {  	s14 =	simm.s32 @p2 $0x0;
	p2 =	sgt.s32 s16, $0xFFF  }
0x18: {  	s16 =	smov.u32 @p2 s2;
	p2 =	sne.s32 s11, s7  }
.Ltmp1:
0x19: {  	p1 =	slt.u32 s11, $0x2;
	(pc) =	sbr.rel @!p2 .LBB1_6-.Ltmp1, $4  }
0x1a: {  	s15 =	simm.s32 @!p1 $0x2  }
0x1b: {  	s13 =	smov.u32 s10;
	p0 =	por !p0, !p0;
	_ =	swait.ge @!p1 [sflag:s15], $0x2000  }
0x1c: {  	s12 =	smov.u32 s9;
	[sflag:s15] =	ssyncset.done @!p1 $0x0;
	s9 =	smov.u32 s14  }
0x1d: {  	s11 =	sadd.s32 $0x1, s11;
	[sflag:s15] =	ssyncadd.s32 @!p1 $0xFFFFE000;
	s10 =	smov.u32 s16  }
.LBB1_1:
0x1e: {  	p1 =	sge.u32 s11, s5  }
0x1f: {  	s14 =	sand.u32 @!p1 $0x1FFFFFF, s9  }
0x20: {  	s15 =	smulhi.u32 @!p1 $0x147AE15, s14;
	_ =	sdelay $0x1  }
0x21: {  	s15 =	smul.u32 @!p1 $0xC8, s15  }
0x22: {  	s16 =	sxor.u32 @!p1 $0xFFFFFFFF, s11;
	s17 =	smul.u32 @!p1 $0xC80, s10  }
0x23: {  	s31 =	sadd.s32 $0xFFFFFFFF, s11;
	s16 =	sshll.u32 @!p1 s16, $0xD;
	s14 =	ssub.s32 @!p1 s14, s15  }
0x24: {  	s15 =	sand.u32 @!p1 $0x2000, s16;
	s16 =	sadd.s32 @!p1 s6, s17;
	s14 =	sshll.u32 @!p1 s14, $0x4  }
0x25: {  	s17 =	simm.s32 @!p1 $0x6400;
	s14 =	sadd.s32 @!p1 s14, s16;
	s16 =	simm.s32 @!p1 $0x40  }
0x26: {  	[tilespmem:s15], [sflag:$0x1] =	stream.strided.gather @!p1 [hbm4b:s14+s16], $0x2000, s17, s16, $0x38;
	[tilespmem:$0x8080] =	vst v63  }
0x27: {  	p1 =	sge.u32 s31, s5  }
.Ltmp2:
0x28: {  	_ = 	snop;
	(pc) =	sbr.rel @p1 .LBB1_5-.Ltmp2, $1  }
0x29: {  	_ =	sdelay $0x3  }
0x2a: {  	s14 =	simm.s32 $0x1  }
0x2b: {  	_ =	swait.ge [sflag:s4], $0x2000;
	s14 =	simm.s32 @!p0 $0x0  }
0x2c: {  	[sflag:s4] =	ssyncset.done $0x0;
	s15 =	sshll.u32 s14, $0xD  }
0x2d: {  	[sflag:s4] =	ssyncadd.s32 $0xFFFFE000;
	s18 =	sor.u32 $0x20, s15  }
0x2e: {  	s14 =	smul.u32 $0x8100, s14;
	v3 =	vld [tilespmem:s18+$0x10]  }
0x2f: {  	s30 =	sand.u32 $0x1, s11;
	v2 =	vld [tilespmem:s18+$0xFFFFFFF0]  }
0x30: {  	s15 =	smul.u32 $0x8100, s30;
	s14 =	sshrl.u32 s14, $0x2;
	v0 =	vld [tilespmem:s18+$0x0]  }
0x31: {  	v1 =	vld [tilespmem:s18+$0xFFFFFFE0];
	s16 =	sor.u32 $0x4000, s14  }
0x32: {  	s31 =	sshrl.u32 s15, $0x2;
	s15 =	sadd.s32 $0x0, s16  }
0x33: {  	s17 =	simm.s32 $0x4;
	s18 =	sadd.s32 $0x40, s18;
	s14 =	sor.u32 $0x4000, s31;
	[tilespmem:s15+$0x1830 ss:$0x81] =	vst.msk $0xffff, v3  }
.LBB1_3:
0x34: {  	v3 =	vld [tilespmem:s18+$0x10];
	p1 =	sne.s32 s17, $0x1FC;
	[tilespmem:s15+$0x810 ss:$0x81] =	vst.msk $0xffff, v2;
	s19 =	smov.u32 s17;
	s17 =	sadd.s32 $0x4, s17  }
.Ltmp3:
0x35: {  	v2 =	vld [tilespmem:s18+$0xFFFFFFF0];
	[tilespmem:s15+$0x1020 ss:$0x81] =	vst.msk $0xffff, v0;
	(pc) =	sbr.rel @p1 .LBB1_3-.Ltmp3, $4  }
0x36: {  	v0 =	vld [tilespmem:s18+$0x0];
	[tilespmem:s15+$0x0 ss:$0x81] =	vst.msk $0xffff, v1  }
0x37: {  	s15 =	sshra.s32 s19, $0x2;
	v1 =	vld [tilespmem:s18+$0xFFFFFFE0]  }
0x38: {  	s15 =	sadd.s32 s15, s16  }
0x39: {  	s18 =	sadd.s32 $0x40, s18;
	[tilespmem:s15+$0x1830 ss:$0x81] =	vst.msk $0xffff, v3  }
.Ltmp4:
0x3a: {  	_ = 	snop;
	(pc) =	sbr.rel .LBB1_4-.Ltmp4, $1  }
0x3b: {  	_ =	sdelay $0x3  }
.LBB1_6:
0x3c: {  	_ =	sfence.sel $0x180000  }
0x3d: {  	s2 =	simm.s32 $0x1;
	[bflag:$0x0] =	sbarrier.arrive $0xFFFF  }
0x3e: {  	s31 =	simm.s32 $0x2;
	[sflag:s2] =	ssyncpa.u1 $0x1  }
0x3f: {  	[sflag:s31] =	ssyncpa.u1 $0x1  }
0x40: {  	p0 =	sne.s32 s0, $0x0;
	_ =	strace $0x9000004A  }
0x41: {  	s0 =	sadd.s32 @!p0 $0x100000, s1;
	[bflag:$0x2] =	sbarrier.arrive $0xFFFF  }
0x42: {  	[sflag:s0] =	ssyncadd.tile.s32 @!p0 $0x1;
	_ =	shalt  }
.Lfunc_end1:
_tile_overlayer_lowered:
.L_overlay_start_2:
0x43: {  	(tag) =	ssettag $0x2  }
0x44: {  	s0 =	rddreg [dreg:$0x0];
	s2 =	stileid.u32  }
0x45: {  	s1 =	rddreg [dreg:$0x1];
	p0 =	sne.s32 s2, $0x0  }
0x46: {  	s3 =	rddreg [dreg:$0x2];
	[bflag:$0x3] =	sbarrier.arrive $0xFFFF;
	s2 =	simm.s32 @!p0 $0x1C01  }
0x47: {  	[timem:s3], [sflag:s2] =	dma.local @!p0 [hbm:s0], s1  }
0x48: {  	s0 =	simm.s32 @!p0 $0x1  }
0x49: {  	_ =	swait.ge @!p0 [sflag:s0], s1  }
0x4a: {  	s1 =	ssub.s32 @!p0 $0x0, s1;
	[sflag:s0] =	ssyncset.done @!p0 $0x0  }
0x4b: {  	[sflag:s0] =	ssyncadd.s32 @!p0 s1  }
0x4c: {  	[bflag:$0x3] =	sbarrier.arrive $0xFFFF  }
0x4d: {  	_ =	shalt  }

</sc_bundles>
